<compile_context>
chip_gen: v7x
topology: tpu7x:2x2x1
jax: 0.10.2.dev20260603
libtpu: 0.0.44.dev20260713+nightly
codegen_flags: <defaults>
</compile_context>

<pallas_src>
import functools

import jax
import jax.numpy as jnp
from jax import lax
from jax.experimental import pallas as pl
from jax.experimental.pallas import tpu as pltpu
from jax.experimental.pallas import tpu_sc as plsc

N_NODES = 10000
IN_FEATS = 256
HIDDEN = 128
NUM_LAYERS = 4
EPS = 1e-5

_NC, _NS = 2, 16
_NW = _NC * _NS
_CH = 40
_KCH = 128
_NBUF = 3
_EPAD = _NW * _KCH * _CH
_IDX_ROWS = _EPAD // _CH
_RPS = 632
_RPS_LAST = N_NODES - (_NS - 1) * _RPS
_ACC_ROWS = N_NODES + 112

_BR = 2000
_GRID = N_NODES // _BR


def _ln(x, g, b):
    m = jnp.mean(x, axis=-1, keepdims=True)
    xm = x - m
    v = jnp.mean(xm * xm, axis=-1, keepdims=True)
    return xm * jax.lax.rsqrt(v + EPS) * g + b


def _pre_body(h_ref, sc_ref, w1_ref, y_ref):
    x = h_ref[...]
    g = sc_ref[0:1, :]
    b = sc_ref[1:2, :]
    xn = _ln(x, g, b)
    y_ref[...] = jnp.dot(xn, w1_ref[...], preferred_element_type=jnp.float32)


def _pre(h, in_g, in_b, w1):
    sc = jnp.stack([in_g, in_b])
    return pl.pallas_call(
        _pre_body,
        grid=(_GRID,),
        in_specs=[
            pl.BlockSpec((_BR, IN_FEATS), lambda r: (r, 0)),
            pl.BlockSpec((2, IN_FEATS), lambda r: (0, 0)),
            pl.BlockSpec((IN_FEATS, HIDDEN), lambda r: (0, 0)),
        ],
        out_specs=pl.BlockSpec((_BR, HIDDEN), lambda r: (r, 0)),
        out_shape=jax.ShapeDtypeStruct((N_NODES, HIDDEN), jnp.float32),
    )(h, sc, w1)


def _mlp_tail(parts_ref, y_ref, sc_ref, w2_ref):
    p = parts_ref[...]
    t = p[0] + p[1] - y_ref[...] + sc_ref[0:1, :]
    t = jnp.maximum(_ln(t, sc_ref[1:2, :], sc_ref[2:3, :]), 0.0)
    t = jnp.dot(t, w2_ref[...], preferred_element_type=jnp.float32)
    t = t + sc_ref[3:4, :]
    t = jnp.maximum(_ln(t, sc_ref[4:5, :], sc_ref[5:6, :]), 0.0)
    t = jnp.maximum(_ln(t, sc_ref[6:7, :], sc_ref[7:8, :]), 0.0)
    return t


def _post_body(parts_ref, y_ref, sc_ref, w2_ref, w1n_ref, res_ref,
               h_ref, yn_ref, *, has_res):
    t = _mlp_tail(parts_ref, y_ref, sc_ref, w2_ref)
    if has_res:
        t = t + res_ref[...]
    h_ref[...] = t
    yn_ref[...] = jnp.dot(t, w1n_ref[...], preferred_element_type=jnp.float32)


def _post(parts, y, scal, w2, w1_next, res):
    has_res = res is not None
    if not has_res:
        res = y
    blk = lambda: pl.BlockSpec((_BR, HIDDEN), lambda r: (r, 0))
    full = lambda d0: pl.BlockSpec((d0, HIDDEN), lambda r: (0, 0))
    return pl.pallas_call(
        functools.partial(_post_body, has_res=has_res),
        grid=(_GRID,),
        in_specs=[
            pl.BlockSpec((2, _BR, HIDDEN), lambda r: (0, r, 0)),
            blk(), full(8), full(HIDDEN), full(HIDDEN), blk(),
        ],
        out_specs=[blk(), blk()],
        out_shape=[
            jax.ShapeDtypeStruct((N_NODES, HIDDEN), jnp.float32),
            jax.ShapeDtypeStruct((N_NODES, HIDDEN), jnp.float32),
        ],
    )(parts, y, scal, w2, w1_next, res)


def _last_body(parts_ref, y_ref, sc_ref, w2_ref, res_ref, out_ref):
    t = _mlp_tail(parts_ref, y_ref, sc_ref, w2_ref)
    t = t + res_ref[...]
    part = jnp.sum(t, axis=0, keepdims=True) * (1.0 / N_NODES)

    @pl.when(pl.program_id(0) == 0)
    def _():
        out_ref[...] = jnp.zeros_like(out_ref)

    out_ref[...] += part


def _last(parts, y, scal, w2, res):
    blk = lambda: pl.BlockSpec((_BR, HIDDEN), lambda r: (r, 0))
    full = lambda d0: pl.BlockSpec((d0, HIDDEN), lambda r: (0, 0))
    return pl.pallas_call(
        _last_body,
        grid=(_GRID,),
        in_specs=[
            pl.BlockSpec((2, _BR, HIDDEN), lambda r: (0, r, 0)),
            blk(), full(8), full(HIDDEN), blk(),
        ],
        out_specs=pl.BlockSpec((1, HIDDEN), lambda r: (0, 0)),
        out_shape=jax.ShapeDtypeStruct((1, HIDDEN), jnp.float32),
    )(parts, y, scal, w2, res)


def _sc_body(y_hbm, src_hbm, dst_hbm, out_hbm, idx_s, idx_d, *scratch):
    bufs = scratch[:_NBUF]
    acc = scratch[_NBUF]
    sems = scratch[_NBUF + 1:]
    c = lax.axis_index("c")
    s = lax.axis_index("s")
    wid = c * _NS + s
    base = s * _RPS
    @pl.when(s < _NS - 1)
    def _():
        pltpu.sync_copy(y_hbm.at[pl.ds(base, _RPS)], acc.at[pl.ds(base, _RPS)])

    @pl.when(s == _NS - 1)
    def _():
        pltpu.sync_copy(y_hbm.at[pl.ds(base, _RPS_LAST)],
                        acc.at[pl.ds(base, _RPS_LAST)])

    pltpu.sync_copy(src_hbm.at[pl.ds(wid * _KCH, _KCH)], idx_s)
    pltpu.sync_copy(dst_hbm.at[pl.ds(wid * _KCH, _KCH)], idx_d)
    plsc.subcore_barrier()

    for b in range(_NBUF):
        pltpu.async_copy(y_hbm.at[idx_s.at[b]], bufs[b], sems[b])

    _MAIN = (_KCH // _NBUF) * _NBUF

    @pl.loop(0, _MAIN, step=_NBUF)
    def _(j):
        for b in range(_NBUF):
            pltpu.make_async_copy(y_hbm.at[idx_s.at[j + b]],
                                  bufs[b], sems[b]).wait()
            pltpu.sync_copy(bufs[b], acc.at[idx_d.at[j + b]], add=True)

            @pl.when(j + b + _NBUF < _KCH)
            def _():
                pltpu.async_copy(y_hbm.at[idx_s.at[j + b + _NBUF]],
                                 bufs[b], sems[b])

    for j in range(_MAIN, _KCH):
        b = j - _MAIN
        pltpu.make_async_copy(y_hbm.at[idx_s.at[j]], bufs[b], sems[b]).wait()
        pltpu.sync_copy(bufs[b], acc.at[idx_d.at[j]], add=True)

    plsc.subcore_barrier()

    @pl.when(s < _NS - 1)
    def _():
        pltpu.sync_copy(acc.at[pl.ds(base, _RPS)],
                        out_hbm.at[c].at[pl.ds(base, _RPS)])

    @pl.when(s == _NS - 1)
    def _():
        pltpu.sync_copy(acc.at[pl.ds(base, _RPS_LAST)],
                        out_hbm.at[c].at[pl.ds(base, _RPS_LAST)])


def _sc_agg(y, src_p, dst_p):
    mesh = plsc.VectorSubcoreMesh(core_axis_name="c", subcore_axis_name="s",
                                  num_cores=_NC, num_subcores=_NS)
    f = functools.partial(
        pl.kernel,
        out_type=jax.ShapeDtypeStruct((_NC, N_NODES, HIDDEN), jnp.float32),
        mesh=mesh,
        scratch_types=[
            pltpu.VMEM((_KCH, _CH), jnp.int32),
            pltpu.VMEM((_KCH, _CH), jnp.int32),
        ]
        + [pltpu.VMEM((_CH, HIDDEN), jnp.float32)] * _NBUF
        + [pltpu.VMEM_SHARED((_ACC_ROWS, HIDDEN), jnp.float32)]
        + [pltpu.SemaphoreType.DMA] * _NBUF,
    )(_sc_body)
    return f(y, src_p, dst_p)


def kernel(h, edge_index, params):
    src = edge_index[0].astype(jnp.int32)
    dst = edge_index[1].astype(jnp.int32)
    npad = _EPAD - src.shape[0]
    src_p = jnp.concatenate([src, jnp.zeros((npad,), jnp.int32)])
    dst_p = jnp.concatenate([dst, jnp.full((npad,), N_NODES, jnp.int32)])
    src_p = src_p.reshape(_IDX_ROWS, _CH)
    dst_p = dst_p.reshape(_IDX_ROWS, _CH)

    y = _pre(h, params['in_g'], params['in_b'], params['layer0']['W1'])
    hcur = None
    for i in range(NUM_LAYERS):
        p = params[f'layer{i}']
        scal = jnp.stack([p['b1'], p['ln1_g'], p['ln1_b'], p['b2'],
                          p['ln2_g'], p['ln2_b'], p['n_g'], p['n_b']])
        parts = _sc_agg(y, src_p, dst_p)
        if i < NUM_LAYERS - 1:
            w1n = params[f'layer{i + 1}']['W1']
            hnext, ynext = _post(parts, y, scal, p['W2'], w1n, hcur)
            hcur, y = hnext, ynext
        else:
            out = _last(parts, y, scal, p['W2'], hcur)
    return out

# --- scband reference (transcript-rebuilt; emitter-appended) ---
"""Pipeline reference for scband-gin-encoder-75428215652560 (READ-ONLY COPY).

The authoritative reference and input builder live on the scoring server;
editing this copy changes nothing except your own understanding.
"""

import jax, jax.numpy as jnp
import numpy as np

N_NODES = 10000
N_EDGES = 160000
IN_FEATS = 256
HIDDEN = 128
NUM_LAYERS = 4

def _layernorm(x, g, b, eps=1e-5):
    m = jnp.mean(x, axis=-1, keepdims=True)
    v = jnp.var(x, axis=-1, keepdims=True)
    return (x - m) / jnp.sqrt(v + eps) * g + b

def setup_inputs(seed: int = 0) -> dict:
    key = jax.random.key(seed)
    k_h, k_e, k_p = jax.random.split(key, 3)
    h = jax.random.normal(k_h, (N_NODES, IN_FEATS), dtype=jnp.float32)
    edge_index = jax.random.randint(k_e, (2, N_EDGES), 0, N_NODES, dtype=jnp.int64)
    params = {}
    params['in_g'] = jnp.ones((IN_FEATS,), dtype=jnp.float32)
    params['in_b'] = jnp.zeros((IN_FEATS,), dtype=jnp.float32)
    for i in range(NUM_LAYERS):
        in_dim = IN_FEATS if i == 0 else HIDDEN
        k_p, k1, k2 = jax.random.split(k_p, 3)
        params[f'layer{i}'] = {
            'W1': jax.random.normal(k1, (in_dim, HIDDEN), dtype=jnp.float32) * (1.0 / np.sqrt(in_dim)),
            'b1': jnp.zeros((HIDDEN,), dtype=jnp.float32),
            'ln1_g': jnp.ones((HIDDEN,), dtype=jnp.float32),
            'ln1_b': jnp.zeros((HIDDEN,), dtype=jnp.float32),
            'W2': jax.random.normal(k2, (HIDDEN, HIDDEN), dtype=jnp.float32) * (1.0 / np.sqrt(HIDDEN)),
            'b2': jnp.zeros((HIDDEN,), dtype=jnp.float32),
            'ln2_g': jnp.ones((HIDDEN,), dtype=jnp.float32),
            'ln2_b': jnp.zeros((HIDDEN,), dtype=jnp.float32),
            'n_g': jnp.ones((HIDDEN,), dtype=jnp.float32),
            'n_b': jnp.zeros((HIDDEN,), dtype=jnp.float32),
        }
    return {'h': h, 'edge_index': edge_index, 'params': params}

def reference(h, edge_index, params):
    # input LayerNorm
    h = _layernorm(h, params['in_g'], params['in_b'])
    src = edge_index[0]
    dst = edge_index[1]
    for i in range(NUM_LAYERS):
        p = params[f'layer{i}']
        residual = h if i > 0 else None
        # GINConv, aggregator 'sum', eps = 0 (DGL default, not learnable):
        # rst = (1 + eps) * h + sum_{j in N(i)} h_j
        agg = jnp.zeros((h.shape[0], h.shape[1]), dtype=h.dtype).at[dst].add(h[src])
        rst = h + agg
        # MLP: Linear -> LayerNorm -> ReLU -> Linear -> LayerNorm -> ReLU
        z = rst @ p['W1'] + p['b1']
        z = _layernorm(z, p['ln1_g'], p['ln1_b'])
        z = jax.nn.relu(z)
        z = z @ p['W2'] + p['b2']
        z = _layernorm(z, p['ln2_g'], p['ln2_b'])
        z = jax.nn.relu(z)
        # post-layer norm + relu + residual (dropout is identity in eval)
        z = _layernorm(z, p['n_g'], p['n_b'])
        z = jax.nn.relu(z)
        if residual is not None:
            z = z + residual
        h = z
    # AvgPooling over single graph -> [1, hidden]
    return jnp.mean(h, axis=0, keepdims=True)

if __name__ == "__main__":
    import jax
    _d = setup_inputs()
    print(jax.jit(kernel)(*tuple(_d.values())))

</pallas_src>

<mosaic_0001>
#map = affine_map<(d0, d1) -> (0, 0)>
#map1 = affine_map<(d0, d1) -> (0, 0, 0)>
module attributes {stable_mosaic.version = 14 : i64} {
  func.func @_sc_body(%arg0: i32, %arg1: i32, %arg2: memref<10000x128xf32, #tpu.memory_space<hbm>>, %arg3: memref<4096x40xi32, #tpu.memory_space<hbm>>, %arg4: memref<4096x40xi32, #tpu.memory_space<hbm>>, %arg5: memref<2x10000x128xf32, #tpu.memory_space<hbm>>, %arg6: memref<128x40xi32, #tpu.memory_space<vmem>>, %arg7: memref<128x40xi32, #tpu.memory_space<vmem>>, %arg8: memref<40x128xf32, #tpu.memory_space<vmem>>, %arg9: memref<40x128xf32, #tpu.memory_space<vmem>>, %arg10: memref<40x128xf32, #tpu.memory_space<vmem>>, %arg11: memref<10112x128xf32, #tpu.memory_space<vmem_shared>>, %arg12: memref<!tpu.dma_semaphore, #tpu.memory_space<semaphore_mem>>, %arg13: memref<!tpu.dma_semaphore, #tpu.memory_space<semaphore_mem>>, %arg14: memref<!tpu.dma_semaphore, #tpu.memory_space<semaphore_mem>>) attributes {dimension_semantics = [#tpu.dimension_semantics<core_parallel>, #tpu.dimension_semantics<subcore_parallel>], iteration_bounds = array<i64: 2, 16>, scalar_prefetch = 0 : i64, scratch_operands = 9 : i64, tpu.core_type = #tpu.core_type<sc_vector_subcore>, window_params = [{transform_indices = #map}, {transform_indices = #map}, {transform_indices = #map}, {transform_indices = #map1}]} {
    %mul3A = arith.constant 16 : i32
    %mul3A_0 = arith.muli %arg0, %mul3A : i32
    %add3A = arith.addi %mul3A_0, %arg1 : i32
    %mul3A_1 = arith.constant 632 : i32
    %mul3A_2 = arith.muli %arg1, %mul3A_1 : i32
    %lt3A = arith.constant 15 : i32
    %lt3A_3 = arith.cmpi slt, %arg1, %lt3A : i32
    %convert_element_type3A = arith.extui %lt3A_3 : i1 to i32
    %cond3A = arith.constant 0 : i32
    %cond3A_4 = arith.cmpi ne, %convert_element_type3A, %cond3A : i32
    scf.if %cond3A_4 {
      "tpu.region"() ({
        %run_scoped3A_62 = tpu.sem_alloc : memref<!tpu.dma_semaphore, #tpu.memory_space<semaphore_mem>>
        %dma_start3A_63 = arith.constant 0 : i32
        %dma_start3A_64 = tpu.memref_slice %arg11[%mul3A_2, %dma_start3A_63] : memref<10112x128xf32, #tpu.memory_space<vmem_shared>> -> memref<632x128xf32, #tpu.memory_space<vmem_shared>>
        %dma_start3A_65 = arith.constant 0 : i32
        %dma_start3A_66 = tpu.memref_slice %arg2[%mul3A_2, %dma_start3A_65] : memref<10000x128xf32, #tpu.memory_space<hbm>> -> memref<632x128xf32, #tpu.memory_space<hbm>>
        tpu.enqueue_dma source(%dma_start3A_66 : memref<632x128xf32, #tpu.memory_space<hbm>>) target(%dma_start3A_64 : memref<632x128xf32, #tpu.memory_space<vmem_shared>>) target_semaphore(%run_scoped3A_62 : memref<!tpu.dma_semaphore, #tpu.memory_space<semaphore_mem>>)
        %dma_wait3A_67 = arith.constant 0 : i32
        %dma_wait3A_68 = tpu.memref_slice %arg11[%mul3A_2, %dma_wait3A_67] : memref<10112x128xf32, #tpu.memory_space<vmem_shared>> -> memref<632x128xf32, #tpu.memory_space<vmem_shared>>
        %dma_wait3A_69 = arith.constant 0 : i32
        %dma_wait3A_70 = tpu.memref_slice %arg2[%mul3A_2, %dma_wait3A_69] : memref<10000x128xf32, #tpu.memory_space<hbm>> -> memref<632x128xf32, #tpu.memory_space<hbm>>
        tpu.wait_dma2 semaphore(%run_scoped3A_62 : memref<!tpu.dma_semaphore, #tpu.memory_space<semaphore_mem>>) src(%dma_wait3A_70 : memref<632x128xf32, #tpu.memory_space<hbm>>) dst(%dma_wait3A_68 : memref<632x128xf32, #tpu.memory_space<vmem_shared>>)
        tpu.yield
      }) : () -> ()
    } else {
    }
    %eq3A = arith.constant 15 : i32
    %eq3A_5 = arith.cmpi eq, %arg1, %eq3A : i32
    %convert_element_type3A_6 = arith.extui %eq3A_5 : i1 to i32
    %cond3A_7 = arith.constant 0 : i32
    %cond3A_8 = arith.cmpi ne, %convert_element_type3A_6, %cond3A_7 : i32
    scf.if %cond3A_8 {
      "tpu.region"() ({
        %run_scoped3A_62 = tpu.sem_alloc : memref<!tpu.dma_semaphore, #tpu.memory_space<semaphore_mem>>
        %dma_start3A_63 = arith.constant 0 : i32
        %dma_start3A_64 = tpu.memref_slice %arg11[%mul3A_2, %dma_start3A_63] : memref<10112x128xf32, #tpu.memory_space<vmem_shared>> -> memref<520x128xf32, #tpu.memory_space<vmem_shared>>
        %dma_start3A_65 = arith.constant 0 : i32
        %dma_start3A_66 = tpu.memref_slice %arg2[%mul3A_2, %dma_start3A_65] : memref<10000x128xf32, #tpu.memory_space<hbm>> -> memref<520x128xf32, #tpu.memory_space<hbm>>
        tpu.enqueue_dma source(%dma_start3A_66 : memref<520x128xf32, #tpu.memory_space<hbm>>) target(%dma_start3A_64 : memref<520x128xf32, #tpu.memory_space<vmem_shared>>) target_semaphore(%run_scoped3A_62 : memref<!tpu.dma_semaphore, #tpu.memory_space<semaphore_mem>>)
        %dma_wait3A_67 = arith.constant 0 : i32
        %dma_wait3A_68 = tpu.memref_slice %arg11[%mul3A_2, %dma_wait3A_67] : memref<10112x128xf32, #tpu.memory_space<vmem_shared>> -> memref<520x128xf32, #tpu.memory_space<vmem_shared>>
        %dma_wait3A_69 = arith.constant 0 : i32
        %dma_wait3A_70 = tpu.memref_slice %arg2[%mul3A_2, %dma_wait3A_69] : memref<10000x128xf32, #tpu.memory_space<hbm>> -> memref<520x128xf32, #tpu.memory_space<hbm>>
        tpu.wait_dma2 semaphore(%run_scoped3A_62 : memref<!tpu.dma_semaphore, #tpu.memory_space<semaphore_mem>>) src(%dma_wait3A_70 : memref<520x128xf32, #tpu.memory_space<hbm>>) dst(%dma_wait3A_68 : memref<520x128xf32, #tpu.memory_space<vmem_shared>>)
        tpu.yield
      }) : () -> ()
    } else {
    }
    %mul3A_9 = arith.constant 128 : i32
    %mul3A_10 = arith.muli %add3A, %mul3A_9 : i32
    "tpu.region"() ({
      %run_scoped3A_62 = tpu.sem_alloc : memref<!tpu.dma_semaphore, #tpu.memory_space<semaphore_mem>>
      %dma_start3A_63 = arith.constant 0 : i32
      %dma_start3A_64 = tpu.memref_slice %arg3[%mul3A_10, %dma_start3A_63] : memref<4096x40xi32, #tpu.memory_space<hbm>> -> memref<128x40xi32, #tpu.memory_space<hbm>>
      %dma_start3A_65 = arith.constant 0 : i32
      %dma_start3A_66 = tpu.memref_slice %arg3[%mul3A_10, %dma_start3A_65] : memref<4096x40xi32, #tpu.memory_space<hbm>> -> memref<128x40xi32, #tpu.memory_space<hbm>>
      tpu.enqueue_dma source(%dma_start3A_66 : memref<128x40xi32, #tpu.memory_space<hbm>>) target(%arg6 : memref<128x40xi32, #tpu.memory_space<vmem>>) target_semaphore(%run_scoped3A_62 : memref<!tpu.dma_semaphore, #tpu.memory_space<semaphore_mem>>)
      %dma_wait3A_67 = arith.constant 0 : i32
      %dma_wait3A_68 = tpu.memref_slice %arg3[%mul3A_10, %dma_wait3A_67] : memref<4096x40xi32, #tpu.memory_space<hbm>> -> memref<128x40xi32, #tpu.memory_space<hbm>>
      %dma_wait3A_69 = arith.constant 0 : i32
      %dma_wait3A_70 = tpu.memref_slice %arg3[%mul3A_10, %dma_wait3A_69] : memref<4096x40xi32, #tpu.memory_space<hbm>> -> memref<128x40xi32, #tpu.memory_space<hbm>>
      tpu.wait_dma2 semaphore(%run_scoped3A_62 : memref<!tpu.dma_semaphore, #tpu.memory_space<semaphore_mem>>) src(%dma_wait3A_70 : memref<128x40xi32, #tpu.memory_space<hbm>>) dst(%arg6 : memref<128x40xi32, #tpu.memory_space<vmem>>)
      tpu.yield
    }) : () -> ()
    %mul3A_11 = arith.constant 128 : i32
    %mul3A_12 = arith.muli %add3A, %mul3A_11 : i32
    "tpu.region"() ({
      %run_scoped3A_62 = tpu.sem_alloc : memref<!tpu.dma_semaphore, #tpu.memory_space<semaphore_mem>>
      %dma_start3A_63 = arith.constant 0 : i32
      %dma_start3A_64 = tpu.memref_slice %arg4[%mul3A_12, %dma_start3A_63] : memref<4096x40xi32, #tpu.memory_space<hbm>> -> memref<128x40xi32, #tpu.memory_space<hbm>>
      %dma_start3A_65 = arith.constant 0 : i32
      %dma_start3A_66 = tpu.memref_slice %arg4[%mul3A_12, %dma_start3A_65] : memref<4096x40xi32, #tpu.memory_space<hbm>> -> memref<128x40xi32, #tpu.memory_space<hbm>>
      tpu.enqueue_dma source(%dma_start3A_66 : memref<128x40xi32, #tpu.memory_space<hbm>>) target(%arg7 : memref<128x40xi32, #tpu.memory_space<vmem>>) target_semaphore(%run_scoped3A_62 : memref<!tpu.dma_semaphore, #tpu.memory_space<semaphore_mem>>)
      %dma_wait3A_67 = arith.constant 0 : i32
      %dma_wait3A_68 = tpu.memref_slice %arg4[%mul3A_12, %dma_wait3A_67] : memref<4096x40xi32, #tpu.memory_space<hbm>> -> memref<128x40xi32, #tpu.memory_space<hbm>>
      %dma_wait3A_69 = arith.constant 0 : i32
      %dma_wait3A_70 = tpu.memref_slice %arg4[%mul3A_12, %dma_wait3A_69] : memref<4096x40xi32, #tpu.memory_space<hbm>> -> memref<128x40xi32, #tpu.memory_space<hbm>>
      tpu.wait_dma2 semaphore(%run_scoped3A_62 : memref<!tpu.dma_semaphore, #tpu.memory_space<semaphore_mem>>) src(%dma_wait3A_70 : memref<128x40xi32, #tpu.memory_space<hbm>>) dst(%arg7 : memref<128x40xi32, #tpu.memory_space<vmem>>)
      tpu.yield
    }) : () -> ()
    %barrier3A = arith.constant 0 : index
    tpu.barrier barrier_id(%barrier3A)
    %dma_start3A = arith.constant 0 : i32
    %dma_start3A_13 = arith.constant 0 : i32
    %dma_start3A_14 = tpu.memref_slice %arg6[%dma_start3A, %dma_start3A_13] : memref<128x40xi32, #tpu.memory_space<vmem>> -> memref<1x40xi32, #tpu.memory_space<vmem>>
    %dma_start3A_15 = tpu.memref_squeeze %dma_start3A_14 : memref<1x40xi32, #tpu.memory_space<vmem>> -> memref<40xi32, #tpu.memory_space<vmem>>
    %dma_start3A_16 = arith.constant 0 : i32
    %dma_start3A_17 = arith.constant 0 : i32
    %dma_start3A_18 = tpu.memref_slice %arg2[%dma_start3A_16, %dma_start3A_17] : memref<10000x128xf32, #tpu.memory_space<hbm>> -> memref<10000x128xf32, #tpu.memory_space<hbm>>
    tpu.enqueue_indirect_dma source(%dma_start3A_18 : memref<10000x128xf32, #tpu.memory_space<hbm>>) target(%arg8 : memref<40x128xf32, #tpu.memory_space<vmem>>) offsets(%dma_start3A_15 : memref<40xi32, #tpu.memory_space<vmem>>) semaphore(%arg12 : memref<!tpu.dma_semaphore, #tpu.memory_space<semaphore_mem>>)
    %dma_start3A_19 = arith.constant 1 : i32
    %dma_start3A_20 = arith.constant 0 : i32
    %dma_start3A_21 = tpu.memref_slice %arg6[%dma_start3A_19, %dma_start3A_20] : memref<128x40xi32, #tpu.memory_space<vmem>> -> memref<1x40xi32, #tpu.memory_space<vmem>>
    %dma_start3A_22 = tpu.memref_squeeze %dma_start3A_21 : memref<1x40xi32, #tpu.memory_space<vmem>> -> memref<40xi32, #tpu.memory_space<vmem>>
    %dma_start3A_23 = arith.constant 0 : i32
    %dma_start3A_24 = arith.constant 0 : i32
    %dma_start3A_25 = tpu.memref_slice %arg2[%dma_start3A_23, %dma_start3A_24] : memref<10000x128xf32, #tpu.memory_space<hbm>> -> memref<10000x128xf32, #tpu.memory_space<hbm>>
    tpu.enqueue_indirect_dma source(%dma_start3A_25 : memref<10000x128xf32, #tpu.memory_space<hbm>>) target(%arg9 : memref<40x128xf32, #tpu.memory_space<vmem>>) offsets(%dma_start3A_22 : memref<40xi32, #tpu.memory_space<vmem>>) semaphore(%arg13 : memref<!tpu.dma_semaphore, #tpu.memory_space<semaphore_mem>>)
    %dma_start3A_26 = arith.constant 2 : i32
    %dma_start3A_27 = arith.constant 0 : i32
    %dma_start3A_28 = tpu.memref_slice %arg6[%dma_start3A_26, %dma_start3A_27] : memref<128x40xi32, #tpu.memory_space<vmem>> -> memref<1x40xi32, #tpu.memory_space<vmem>>
    %dma_start3A_29 = tpu.memref_squeeze %dma_start3A_28 : memref<1x40xi32, #tpu.memory_space<vmem>> -> memref<40xi32, #tpu.memory_space<vmem>>
    %dma_start3A_30 = arith.constant 0 : i32
    %dma_start3A_31 = arith.constant 0 : i32
    %dma_start3A_32 = tpu.memref_slice %arg2[%dma_start3A_30, %dma_start3A_31] : memref<10000x128xf32, #tpu.memory_space<hbm>> -> memref<10000x128xf32, #tpu.memory_space<hbm>>
    tpu.enqueue_indirect_dma source(%dma_start3A_32 : memref<10000x128xf32, #tpu.memory_space<hbm>>) target(%arg10 : memref<40x128xf32, #tpu.memory_space<vmem>>) offsets(%dma_start3A_29 : memref<40xi32, #tpu.memory_space<vmem>>) semaphore(%arg14 : memref<!tpu.dma_semaphore, #tpu.memory_space<semaphore_mem>>)
    %scan3A = arith.constant 0 : i32
    %scan3A_33 = arith.constant 42 : i32
    %scan3A_34 = arith.addi %scan3A, %scan3A_33 : i32
    %scan3A_35 = arith.constant 1 : i32
    scf.for %scan3A_62 = %scan3A to %scan3A_34 step %scan3A_35  : i32 {
      %mul3A_63 = arith.constant 3 : i32
      %mul3A_64 = arith.muli %scan3A_62, %mul3A_63 : i32
      %add3A_65 = arith.constant 0 : i32
      %add3A_66 = arith.addi %add3A_65, %mul3A_64 : i32
      %add3A_67 = arith.constant 0 : i32
      %add3A_68 = arith.addi %add3A_66, %add3A_67 : i32
      %dma_wait3A_69 = arith.constant 0 : i32
      %dma_wait3A_70 = tpu.memref_slice %arg6[%add3A_68, %dma_wait3A_69] : memref<128x40xi32, #tpu.memory_space<vmem>> -> memref<1x40xi32, #tpu.memory_space<vmem>>
      %dma_wait3A_71 = tpu.memref_squeeze %dma_wait3A_70 : memref<1x40xi32, #tpu.memory_space<vmem>> -> memref<40xi32, #tpu.memory_space<vmem>>
      %dma_wait3A_72 = arith.constant 0 : i32
      %dma_wait3A_73 = arith.constant 0 : i32
      %dma_wait3A_74 = tpu.memref_slice %arg2[%dma_wait3A_72, %dma_wait3A_73] : memref<10000x128xf32, #tpu.memory_space<hbm>> -> memref<10000x128xf32, #tpu.memory_space<hbm>>
      tpu.wait_indirect_dma semaphore(%arg12 : memref<!tpu.dma_semaphore, #tpu.memory_space<semaphore_mem>>) src(%dma_wait3A_74 : memref<10000x128xf32, #tpu.memory_space<hbm>>) dst(%arg8 : memref<40x128xf32, #tpu.memory_space<vmem>>)
      %add3A_75 = arith.constant 0 : i32
      %add3A_76 = arith.addi %add3A_66, %add3A_75 : i32
      "tpu.region"() ({
        %run_scoped3A_124 = tpu.sem_alloc : memref<!tpu.dma_semaphore, #tpu.memory_space<semaphore_mem>>
        %dma_start3A_125 = arith.constant 0 : i32
        %dma_start3A_126 = tpu.memref_slice %arg7[%add3A_76, %dma_start3A_125] : memref<128x40xi32, #tpu.memory_space<vmem>> -> memref<1x40xi32, #tpu.memory_space<vmem>>
        %dma_start3A_127 = tpu.memref_squeeze %dma_start3A_126 : memref<1x40xi32, #tpu.memory_space<vmem>> -> memref<40xi32, #tpu.memory_space<vmem>>
        %dma_start3A_128 = arith.constant 0 : i32
        %dma_start3A_129 = arith.constant 0 : i32
        %dma_start3A_130 = tpu.memref_slice %arg11[%dma_start3A_128, %dma_start3A_129] : memref<10112x128xf32, #tpu.memory_space<vmem_shared>> -> memref<10112x128xf32, #tpu.memory_space<vmem_shared>>
        tpu.enqueue_indirect_dma source(%arg8 : memref<40x128xf32, #tpu.memory_space<vmem>>) target(%dma_start3A_130 : memref<10112x128xf32, #tpu.memory_space<vmem_shared>>) offsets(%dma_start3A_127 : memref<40xi32, #tpu.memory_space<vmem>>) semaphore(%run_scoped3A_124 : memref<!tpu.dma_semaphore, #tpu.memory_space<semaphore_mem>>) {add = true}
        %dma_wait3A_131 = arith.constant 0 : i32
        %dma_wait3A_132 = tpu.memref_slice %arg7[%add3A_76, %dma_wait3A_131] : memref<128x40xi32, #tpu.memory_space<vmem>> -> memref<1x40xi32, #tpu.memory_space<vmem>>
        %dma_wait3A_133 = tpu.memref_squeeze %dma_wait3A_132 : memref<1x40xi32, #tpu.memory_space<vmem>> -> memref<40xi32, #tpu.memory_space<vmem>>
        %dma_wait3A_134 = arith.constant 0 : i32
        %dma_wait3A_135 = arith.constant 0 : i32
        %dma_wait3A_136 = tpu.memref_slice %arg11[%dma_wait3A_134, %dma_wait3A_135] : memref<10112x128xf32, #tpu.memory_space<vmem_shared>> -> memref<10112x128xf32, #tpu.memory_space<vmem_shared>>
        tpu.wait_indirect_dma semaphore(%run_scoped3A_124 : memref<!tpu.dma_semaphore, #tpu.memory_space<semaphore_mem>>) src(%arg8 : memref<40x128xf32, #tpu.memory_space<vmem>>) dst(%dma_wait3A_136 : memref<10112x128xf32, #tpu.memory_space<vmem_shared>>)
        tpu.yield
      }) : () -> ()
      %add3A_77 = arith.constant 0 : i32
      %add3A_78 = arith.addi %add3A_66, %add3A_77 : i32
      %add3A_79 = arith.constant 3 : i32
      %add3A_80 = arith.addi %add3A_78, %add3A_79 : i32
      %lt3A_81 = arith.constant 128 : i32
      %lt3A_82 = arith.cmpi slt, %add3A_80, %lt3A_81 : i32
      %convert_element_type3A_83 = arith.extui %lt3A_82 : i1 to i32
      %cond3A_84 = arith.constant 0 : i32
      %cond3A_85 = arith.cmpi ne, %convert_element_type3A_83, %cond3A_84 : i32
      scf.if %cond3A_85 {
        %add3A_124 = arith.constant 0 : i32
        %add3A_125 = arith.addi %add3A_66, %add3A_124 : i32
        %add3A_126 = arith.constant 3 : i32
        %add3A_127 = arith.addi %add3A_125, %add3A_126 : i32
        %dma_start3A_128 = arith.constant 0 : i32
        %dma_start3A_129 = tpu.memref_slice %arg6[%add3A_127, %dma_start3A_128] : memref<128x40xi32, #tpu.memory_space<vmem>> -> memref<1x40xi32, #tpu.memory_space<vmem>>
        %dma_start3A_130 = tpu.memref_squeeze %dma_start3A_129 : memref<1x40xi32, #tpu.memory_space<vmem>> -> memref<40xi32, #tpu.memory_space<vmem>>
        %dma_start3A_131 = arith.constant 0 : i32
        %dma_start3A_132 = arith.constant 0 : i32
        %dma_start3A_133 = tpu.memref_slice %arg2[%dma_start3A_131, %dma_start3A_132] : memref<10000x128xf32, #tpu.memory_space<hbm>> -> memref<10000x128xf32, #tpu.memory_space<hbm>>
        tpu.enqueue_indirect_dma source(%dma_start3A_133 : memref<10000x128xf32, #tpu.memory_space<hbm>>) target(%arg8 : memref<40x128xf32, #tpu.memory_space<vmem>>) offsets(%dma_start3A_130 : memref<40xi32, #tpu.memory_space<vmem>>) semaphore(%arg12 : memref<!tpu.dma_semaphore, #tpu.memory_space<semaphore_mem>>)
      } else {
      }
      %add3A_86 = arith.constant 1 : i32
      %add3A_87 = arith.addi %add3A_66, %add3A_86 : i32
      %dma_wait3A_88 = arith.constant 0 : i32
      %dma_wait3A_89 = tpu.memref_slice %arg6[%add3A_87, %dma_wait3A_88] : memref<128x40xi32, #tpu.memory_space<vmem>> -> memref<1x40xi32, #tpu.memory_space<vmem>>
      %dma_wait3A_90 = tpu.memref_squeeze %dma_wait3A_89 : memref<1x40xi32, #tpu.memory_space<vmem>> -> memref<40xi32, #tpu.memory_space<vmem>>
      %dma_wait3A_91 = arith.constant 0 : i32
      %dma_wait3A_92 = arith.constant 0 : i32
      %dma_wait3A_93 = tpu.memref_slice %arg2[%dma_wait3A_91, %dma_wait3A_92] : memref<10000x128xf32, #tpu.memory_space<hbm>> -> memref<10000x128xf32, #tpu.memory_space<hbm>>
      tpu.wait_indirect_dma semaphore(%arg13 : memref<!tpu.dma_semaphore, #tpu.memory_space<semaphore_mem>>) src(%dma_wait3A_93 : memref<10000x128xf32, #tpu.memory_space<hbm>>) dst(%arg9 : memref<40x128xf32, #tpu.memory_space<vmem>>)
      %add3A_94 = arith.constant 1 : i32
      %add3A_95 = arith.addi %add3A_66, %add3A_94 : i32
      "tpu.region"() ({
        %run_scoped3A_124 = tpu.sem_alloc : memref<!tpu.dma_semaphore, #tpu.memory_space<semaphore_mem>>
        %dma_start3A_125 = arith.constant 0 : i32
        %dma_start3A_126 = tpu.memref_slice %arg7[%add3A_95, %dma_start3A_125] : memref<128x40xi32, #tpu.memory_space<vmem>> -> memref<1x40xi32, #tpu.memory_space<vmem>>
        %dma_start3A_127 = tpu.memref_squeeze %dma_start3A_126 : memref<1x40xi32, #tpu.memory_space<vmem>> -> memref<40xi32, #tpu.memory_space<vmem>>
        %dma_start3A_128 = arith.constant 0 : i32
        %dma_start3A_129 = arith.constant 0 : i32
        %dma_start3A_130 = tpu.memref_slice %arg11[%dma_start3A_128, %dma_start3A_129] : memref<10112x128xf32, #tpu.memory_space<vmem_shared>> -> memref<10112x128xf32, #tpu.memory_space<vmem_shared>>
        tpu.enqueue_indirect_dma source(%arg9 : memref<40x128xf32, #tpu.memory_space<vmem>>) target(%dma_start3A_130 : memref<10112x128xf32, #tpu.memory_space<vmem_shared>>) offsets(%dma_start3A_127 : memref<40xi32, #tpu.memory_space<vmem>>) semaphore(%run_scoped3A_124 : memref<!tpu.dma_semaphore, #tpu.memory_space<semaphore_mem>>) {add = true}
        %dma_wait3A_131 = arith.constant 0 : i32
        %dma_wait3A_132 = tpu.memref_slice %arg7[%add3A_95, %dma_wait3A_131] : memref<128x40xi32, #tpu.memory_space<vmem>> -> memref<1x40xi32, #tpu.memory_space<vmem>>
        %dma_wait3A_133 = tpu.memref_squeeze %dma_wait3A_132 : memref<1x40xi32, #tpu.memory_space<vmem>> -> memref<40xi32, #tpu.memory_space<vmem>>
        %dma_wait3A_134 = arith.constant 0 : i32
        %dma_wait3A_135 = arith.constant 0 : i32
        %dma_wait3A_136 = tpu.memref_slice %arg11[%dma_wait3A_134, %dma_wait3A_135] : memref<10112x128xf32, #tpu.memory_space<vmem_shared>> -> memref<10112x128xf32, #tpu.memory_space<vmem_shared>>
        tpu.wait_indirect_dma semaphore(%run_scoped3A_124 : memref<!tpu.dma_semaphore, #tpu.memory_space<semaphore_mem>>) src(%arg9 : memref<40x128xf32, #tpu.memory_space<vmem>>) dst(%dma_wait3A_136 : memref<10112x128xf32, #tpu.memory_space<vmem_shared>>)
        tpu.yield
      }) : () -> ()
      %add3A_96 = arith.constant 1 : i32
      %add3A_97 = arith.addi %add3A_66, %add3A_96 : i32
      %add3A_98 = arith.constant 3 : i32
      %add3A_99 = arith.addi %add3A_97, %add3A_98 : i32
      %lt3A_100 = arith.constant 128 : i32
      %lt3A_101 = arith.cmpi slt, %add3A_99, %lt3A_100 : i32
      %convert_element_type3A_102 = arith.extui %lt3A_101 : i1 to i32
      %cond3A_103 = arith.constant 0 : i32
      %cond3A_104 = arith.cmpi ne, %convert_element_type3A_102, %cond3A_103 : i32
      scf.if %cond3A_104 {
        %add3A_124 = arith.constant 1 : i32
        %add3A_125 = arith.addi %add3A_66, %add3A_124 : i32
        %add3A_126 = arith.constant 3 : i32
        %add3A_127 = arith.addi %add3A_125, %add3A_126 : i32
        %dma_start3A_128 = arith.constant 0 : i32
        %dma_start3A_129 = tpu.memref_slice %arg6[%add3A_127, %dma_start3A_128] : memref<128x40xi32, #tpu.memory_space<vmem>> -> memref<1x40xi32, #tpu.memory_space<vmem>>
        %dma_start3A_130 = tpu.memref_squeeze %dma_start3A_129 : memref<1x40xi32, #tpu.memory_space<vmem>> -> memref<40xi32, #tpu.memory_space<vmem>>
        %dma_start3A_131 = arith.constant 0 : i32
        %dma_start3A_132 = arith.constant 0 : i32
        %dma_start3A_133 = tpu.memref_slice %arg2[%dma_start3A_131, %dma_start3A_132] : memref<10000x128xf32, #tpu.memory_space<hbm>> -> memref<10000x128xf32, #tpu.memory_space<hbm>>
        tpu.enqueue_indirect_dma source(%dma_start3A_133 : memref<10000x128xf32, #tpu.memory_space<hbm>>) target(%arg9 : memref<40x128xf32, #tpu.memory_space<vmem>>) offsets(%dma_start3A_130 : memref<40xi32, #tpu.memory_space<vmem>>) semaphore(%arg13 : memref<!tpu.dma_semaphore, #tpu.memory_space<semaphore_mem>>)
      } else {
      }
      %add3A_105 = arith.constant 2 : i32
      %add3A_106 = arith.addi %add3A_66, %add3A_105 : i32
      %dma_wait3A_107 = arith.constant 0 : i32
      %dma_wait3A_108 = tpu.memref_slice %arg6[%add3A_106, %dma_wait3A_107] : memref<128x40xi32, #tpu.memory_space<vmem>> -> memref<1x40xi32, #tpu.memory_space<vmem>>
      %dma_wait3A_109 = tpu.memref_squeeze %dma_wait3A_108 : memref<1x40xi32, #tpu.memory_space<vmem>> -> memref<40xi32, #tpu.memory_space<vmem>>
      %dma_wait3A_110 = arith.constant 0 : i32
      %dma_wait3A_111 = arith.constant 0 : i32
      %dma_wait3A_112 = tpu.memref_slice %arg2[%dma_wait3A_110, %dma_wait3A_111] : memref<10000x128xf32, #tpu.memory_space<hbm>> -> memref<10000x128xf32, #tpu.memory_space<hbm>>
      tpu.wait_indirect_dma semaphore(%arg14 : memref<!tpu.dma_semaphore, #tpu.memory_space<semaphore_mem>>) src(%dma_wait3A_112 : memref<10000x128xf32, #tpu.memory_space<hbm>>) dst(%arg10 : memref<40x128xf32, #tpu.memory_space<vmem>>)
      %add3A_113 = arith.constant 2 : i32
      %add3A_114 = arith.addi %add3A_66, %add3A_113 : i32
      "tpu.region"() ({
        %run_scoped3A_124 = tpu.sem_alloc : memref<!tpu.dma_semaphore, #tpu.memory_space<semaphore_mem>>
        %dma_start3A_125 = arith.constant 0 : i32
        %dma_start3A_126 = tpu.memref_slice %arg7[%add3A_114, %dma_start3A_125] : memref<128x40xi32, #tpu.memory_space<vmem>> -> memref<1x40xi32, #tpu.memory_space<vmem>>
        %dma_start3A_127 = tpu.memref_squeeze %dma_start3A_126 : memref<1x40xi32, #tpu.memory_space<vmem>> -> memref<40xi32, #tpu.memory_space<vmem>>
        %dma_start3A_128 = arith.constant 0 : i32
        %dma_start3A_129 = arith.constant 0 : i32
        %dma_start3A_130 = tpu.memref_slice %arg11[%dma_start3A_128, %dma_start3A_129] : memref<10112x128xf32, #tpu.memory_space<vmem_shared>> -> memref<10112x128xf32, #tpu.memory_space<vmem_shared>>
        tpu.enqueue_indirect_dma source(%arg10 : memref<40x128xf32, #tpu.memory_space<vmem>>) target(%dma_start3A_130 : memref<10112x128xf32, #tpu.memory_space<vmem_shared>>) offsets(%dma_start3A_127 : memref<40xi32, #tpu.memory_space<vmem>>) semaphore(%run_scoped3A_124 : memref<!tpu.dma_semaphore, #tpu.memory_space<semaphore_mem>>) {add = true}
        %dma_wait3A_131 = arith.constant 0 : i32
        %dma_wait3A_132 = tpu.memref_slice %arg7[%add3A_114, %dma_wait3A_131] : memref<128x40xi32, #tpu.memory_space<vmem>> -> memref<1x40xi32, #tpu.memory_space<vmem>>
        %dma_wait3A_133 = tpu.memref_squeeze %dma_wait3A_132 : memref<1x40xi32, #tpu.memory_space<vmem>> -> memref<40xi32, #tpu.memory_space<vmem>>
        %dma_wait3A_134 = arith.constant 0 : i32
        %dma_wait3A_135 = arith.constant 0 : i32
        %dma_wait3A_136 = tpu.memref_slice %arg11[%dma_wait3A_134, %dma_wait3A_135] : memref<10112x128xf32, #tpu.memory_space<vmem_shared>> -> memref<10112x128xf32, #tpu.memory_space<vmem_shared>>
        tpu.wait_indirect_dma semaphore(%run_scoped3A_124 : memref<!tpu.dma_semaphore, #tpu.memory_space<semaphore_mem>>) src(%arg10 : memref<40x128xf32, #tpu.memory_space<vmem>>) dst(%dma_wait3A_136 : memref<10112x128xf32, #tpu.memory_space<vmem_shared>>)
        tpu.yield
      }) : () -> ()
      %add3A_115 = arith.constant 2 : i32
      %add3A_116 = arith.addi %add3A_66, %add3A_115 : i32
      %add3A_117 = arith.constant 3 : i32
      %add3A_118 = arith.addi %add3A_116, %add3A_117 : i32
      %lt3A_119 = arith.constant 128 : i32
      %lt3A_120 = arith.cmpi slt, %add3A_118, %lt3A_119 : i32
      %convert_element_type3A_121 = arith.extui %lt3A_120 : i1 to i32
      %cond3A_122 = arith.constant 0 : i32
      %cond3A_123 = arith.cmpi ne, %convert_element_type3A_121, %cond3A_122 : i32
      scf.if %cond3A_123 {
        %add3A_124 = arith.constant 2 : i32
        %add3A_125 = arith.addi %add3A_66, %add3A_124 : i32
        %add3A_126 = arith.constant 3 : i32
        %add3A_127 = arith.addi %add3A_125, %add3A_126 : i32
        %dma_start3A_128 = arith.constant 0 : i32
        %dma_start3A_129 = tpu.memref_slice %arg6[%add3A_127, %dma_start3A_128] : memref<128x40xi32, #tpu.memory_space<vmem>> -> memref<1x40xi32, #tpu.memory_space<vmem>>
        %dma_start3A_130 = tpu.memref_squeeze %dma_start3A_129 : memref<1x40xi32, #tpu.memory_space<vmem>> -> memref<40xi32, #tpu.memory_space<vmem>>
        %dma_start3A_131 = arith.constant 0 : i32
        %dma_start3A_132 = arith.constant 0 : i32
        %dma_start3A_133 = tpu.memref_slice %arg2[%dma_start3A_131, %dma_start3A_132] : memref<10000x128xf32, #tpu.memory_space<hbm>> -> memref<10000x128xf32, #tpu.memory_space<hbm>>
        tpu.enqueue_indirect_dma source(%dma_start3A_133 : memref<10000x128xf32, #tpu.memory_space<hbm>>) target(%arg10 : memref<40x128xf32, #tpu.memory_space<vmem>>) offsets(%dma_start3A_130 : memref<40xi32, #tpu.memory_space<vmem>>) semaphore(%arg14 : memref<!tpu.dma_semaphore, #tpu.memory_space<semaphore_mem>>)
      } else {
      }
    }
    %scan3A_36 = arith.constant 42 : i32
    %dma_wait3A = arith.constant 126 : i32
    %dma_wait3A_37 = arith.constant 0 : i32
    %dma_wait3A_38 = tpu.memref_slice %arg6[%dma_wait3A, %dma_wait3A_37] : memref<128x40xi32, #tpu.memory_space<vmem>> -> memref<1x40xi32, #tpu.memory_space<vmem>>
    %dma_wait3A_39 = tpu.memref_squeeze %dma_wait3A_38 : memref<1x40xi32, #tpu.memory_space<vmem>> -> memref<40xi32, #tpu.memory_space<vmem>>
    %dma_wait3A_40 = arith.constant 0 : i32
    %dma_wait3A_41 = arith.constant 0 : i32
    %dma_wait3A_42 = tpu.memref_slice %arg2[%dma_wait3A_40, %dma_wait3A_41] : memref<10000x128xf32, #tpu.memory_space<hbm>> -> memref<10000x128xf32, #tpu.memory_space<hbm>>
    tpu.wait_indirect_dma semaphore(%arg12 : memref<!tpu.dma_semaphore, #tpu.memory_space<semaphore_mem>>) src(%dma_wait3A_42 : memref<10000x128xf32, #tpu.memory_space<hbm>>) dst(%arg8 : memref<40x128xf32, #tpu.memory_space<vmem>>)
    %run_scoped3A = arith.constant 126 : i32
    "tpu.region"() ({
      %run_scoped3A_62 = tpu.sem_alloc : memref<!tpu.dma_semaphore, #tpu.memory_space<semaphore_mem>>
      %dma_start3A_63 = arith.constant 0 : i32
      %dma_start3A_64 = tpu.memref_slice %arg7[%run_scoped3A, %dma_start3A_63] : memref<128x40xi32, #tpu.memory_space<vmem>> -> memref<1x40xi32, #tpu.memory_space<vmem>>
      %dma_start3A_65 = tpu.memref_squeeze %dma_start3A_64 : memref<1x40xi32, #tpu.memory_space<vmem>> -> memref<40xi32, #tpu.memory_space<vmem>>
      %dma_start3A_66 = arith.constant 0 : i32
      %dma_start3A_67 = arith.constant 0 : i32
      %dma_start3A_68 = tpu.memref_slice %arg11[%dma_start3A_66, %dma_start3A_67] : memref<10112x128xf32, #tpu.memory_space<vmem_shared>> -> memref<10112x128xf32, #tpu.memory_space<vmem_shared>>
      tpu.enqueue_indirect_dma source(%arg8 : memref<40x128xf32, #tpu.memory_space<vmem>>) target(%dma_start3A_68 : memref<10112x128xf32, #tpu.memory_space<vmem_shared>>) offsets(%dma_start3A_65 : memref<40xi32, #tpu.memory_space<vmem>>) semaphore(%run_scoped3A_62 : memref<!tpu.dma_semaphore, #tpu.memory_space<semaphore_mem>>) {add = true}
      %dma_wait3A_69 = arith.constant 0 : i32
      %dma_wait3A_70 = tpu.memref_slice %arg7[%run_scoped3A, %dma_wait3A_69] : memref<128x40xi32, #tpu.memory_space<vmem>> -> memref<1x40xi32, #tpu.memory_space<vmem>>
      %dma_wait3A_71 = tpu.memref_squeeze %dma_wait3A_70 : memref<1x40xi32, #tpu.memory_space<vmem>> -> memref<40xi32, #tpu.memory_space<vmem>>
      %dma_wait3A_72 = arith.constant 0 : i32
      %dma_wait3A_73 = arith.constant 0 : i32
      %dma_wait3A_74 = tpu.memref_slice %arg11[%dma_wait3A_72, %dma_wait3A_73] : memref<10112x128xf32, #tpu.memory_space<vmem_shared>> -> memref<10112x128xf32, #tpu.memory_space<vmem_shared>>
      tpu.wait_indirect_dma semaphore(%run_scoped3A_62 : memref<!tpu.dma_semaphore, #tpu.memory_space<semaphore_mem>>) src(%arg8 : memref<40x128xf32, #tpu.memory_space<vmem>>) dst(%dma_wait3A_74 : memref<10112x128xf32, #tpu.memory_space<vmem_shared>>)
      tpu.yield
    }) : () -> ()
    %dma_wait3A_43 = arith.constant 127 : i32
    %dma_wait3A_44 = arith.constant 0 : i32
    %dma_wait3A_45 = tpu.memref_slice %arg6[%dma_wait3A_43, %dma_wait3A_44] : memref<128x40xi32, #tpu.memory_space<vmem>> -> memref<1x40xi32, #tpu.memory_space<vmem>>
    %dma_wait3A_46 = tpu.memref_squeeze %dma_wait3A_45 : memref<1x40xi32, #tpu.memory_space<vmem>> -> memref<40xi32, #tpu.memory_space<vmem>>
    %dma_wait3A_47 = arith.constant 0 : i32
    %dma_wait3A_48 = arith.constant 0 : i32
    %dma_wait3A_49 = tpu.memref_slice %arg2[%dma_wait3A_47, %dma_wait3A_48] : memref<10000x128xf32, #tpu.memory_space<hbm>> -> memref<10000x128xf32, #tpu.memory_space<hbm>>
    tpu.wait_indirect_dma semaphore(%arg13 : memref<!tpu.dma_semaphore, #tpu.memory_space<semaphore_mem>>) src(%dma_wait3A_49 : memref<10000x128xf32, #tpu.memory_space<hbm>>) dst(%arg9 : memref<40x128xf32, #tpu.memory_space<vmem>>)
    %run_scoped3A_50 = arith.constant 127 : i32
    "tpu.region"() ({
      %run_scoped3A_62 = tpu.sem_alloc : memref<!tpu.dma_semaphore, #tpu.memory_space<semaphore_mem>>
      %dma_start3A_63 = arith.constant 0 : i32
      %dma_start3A_64 = tpu.memref_slice %arg7[%run_scoped3A_50, %dma_start3A_63] : memref<128x40xi32, #tpu.memory_space<vmem>> -> memref<1x40xi32, #tpu.memory_space<vmem>>
      %dma_start3A_65 = tpu.memref_squeeze %dma_start3A_64 : memref<1x40xi32, #tpu.memory_space<vmem>> -> memref<40xi32, #tpu.memory_space<vmem>>
      %dma_start3A_66 = arith.constant 0 : i32
      %dma_start3A_67 = arith.constant 0 : i32
      %dma_start3A_68 = tpu.memref_slice %arg11[%dma_start3A_66, %dma_start3A_67] : memref<10112x128xf32, #tpu.memory_space<vmem_shared>> -> memref<10112x128xf32, #tpu.memory_space<vmem_shared>>
      tpu.enqueue_indirect_dma source(%arg9 : memref<40x128xf32, #tpu.memory_space<vmem>>) target(%dma_start3A_68 : memref<10112x128xf32, #tpu.memory_space<vmem_shared>>) offsets(%dma_start3A_65 : memref<40xi32, #tpu.memory_space<vmem>>) semaphore(%run_scoped3A_62 : memref<!tpu.dma_semaphore, #tpu.memory_space<semaphore_mem>>) {add = true}
      %dma_wait3A_69 = arith.constant 0 : i32
      %dma_wait3A_70 = tpu.memref_slice %arg7[%run_scoped3A_50, %dma_wait3A_69] : memref<128x40xi32, #tpu.memory_space<vmem>> -> memref<1x40xi32, #tpu.memory_space<vmem>>
      %dma_wait3A_71 = tpu.memref_squeeze %dma_wait3A_70 : memref<1x40xi32, #tpu.memory_space<vmem>> -> memref<40xi32, #tpu.memory_space<vmem>>
      %dma_wait3A_72 = arith.constant 0 : i32
      %dma_wait3A_73 = arith.constant 0 : i32
      %dma_wait3A_74 = tpu.memref_slice %arg11[%dma_wait3A_72, %dma_wait3A_73] : memref<10112x128xf32, #tpu.memory_space<vmem_shared>> -> memref<10112x128xf32, #tpu.memory_space<vmem_shared>>
      tpu.wait_indirect_dma semaphore(%run_scoped3A_62 : memref<!tpu.dma_semaphore, #tpu.memory_space<semaphore_mem>>) src(%arg9 : memref<40x128xf32, #tpu.memory_space<vmem>>) dst(%dma_wait3A_74 : memref<10112x128xf32, #tpu.memory_space<vmem_shared>>)
      tpu.yield
    }) : () -> ()
    %barrier3A_51 = arith.constant 0 : index
    tpu.barrier barrier_id(%barrier3A_51)
    %lt3A_52 = arith.constant 15 : i32
    %lt3A_53 = arith.cmpi slt, %arg1, %lt3A_52 : i32
    %convert_element_type3A_54 = arith.extui %lt3A_53 : i1 to i32
    %cond3A_55 = arith.constant 0 : i32
    %cond3A_56 = arith.cmpi ne, %convert_element_type3A_54, %cond3A_55 : i32
    scf.if %cond3A_56 {
      "tpu.region"() ({
        %run_scoped3A_62 = tpu.sem_alloc : memref<!tpu.dma_semaphore, #tpu.memory_space<semaphore_mem>>
        %dma_start3A_63 = arith.constant 0 : i32
        %dma_start3A_64 = arith.constant 0 : i32
        %dma_start3A_65 = tpu.memref_slice %arg5[%arg0, %dma_start3A_63, %dma_start3A_64] : memref<2x10000x128xf32, #tpu.memory_space<hbm>> -> memref<1x10000x128xf32, #tpu.memory_space<hbm>>
        %dma_start3A_66 = tpu.memref_squeeze %dma_start3A_65 : memref<1x10000x128xf32, #tpu.memory_space<hbm>> -> memref<10000x128xf32, #tpu.memory_space<hbm>>
        %dma_start3A_67 = arith.constant 0 : i32
        %dma_start3A_68 = tpu.memref_slice %dma_start3A_66[%mul3A_2, %dma_start3A_67] : memref<10000x128xf32, #tpu.memory_space<hbm>> -> memref<632x128xf32, #tpu.memory_space<hbm>>
        %dma_start3A_69 = arith.constant 0 : i32
        %dma_start3A_70 = tpu.memref_slice %arg11[%mul3A_2, %dma_start3A_69] : memref<10112x128xf32, #tpu.memory_space<vmem_shared>> -> memref<632x128xf32, #tpu.memory_space<vmem_shared>>
        tpu.enqueue_dma source(%dma_start3A_70 : memref<632x128xf32, #tpu.memory_space<vmem_shared>>) target(%dma_start3A_68 : memref<632x128xf32, #tpu.memory_space<hbm>>) target_semaphore(%run_scoped3A_62 : memref<!tpu.dma_semaphore, #tpu.memory_space<semaphore_mem>>)
        %dma_wait3A_71 = arith.constant 0 : i32
        %dma_wait3A_72 = arith.constant 0 : i32
        %dma_wait3A_73 = tpu.memref_slice %arg5[%arg0, %dma_wait3A_71, %dma_wait3A_72] : memref<2x10000x128xf32, #tpu.memory_space<hbm>> -> memref<1x10000x128xf32, #tpu.memory_space<hbm>>
        %dma_wait3A_74 = tpu.memref_squeeze %dma_wait3A_73 : memref<1x10000x128xf32, #tpu.memory_space<hbm>> -> memref<10000x128xf32, #tpu.memory_space<hbm>>
        %dma_wait3A_75 = arith.constant 0 : i32
        %dma_wait3A_76 = tpu.memref_slice %dma_wait3A_74[%mul3A_2, %dma_wait3A_75] : memref<10000x128xf32, #tpu.memory_space<hbm>> -> memref<632x128xf32, #tpu.memory_space<hbm>>
        %dma_wait3A_77 = arith.constant 0 : i32
        %dma_wait3A_78 = tpu.memref_slice %arg11[%mul3A_2, %dma_wait3A_77] : memref<10112x128xf32, #tpu.memory_space<vmem_shared>> -> memref<632x128xf32, #tpu.memory_space<vmem_shared>>
        tpu.wait_dma2 semaphore(%run_scoped3A_62 : memref<!tpu.dma_semaphore, #tpu.memory_space<semaphore_mem>>) src(%dma_wait3A_78 : memref<632x128xf32, #tpu.memory_space<vmem_shared>>) dst(%dma_wait3A_76 : memref<632x128xf32, #tpu.memory_space<hbm>>)
        tpu.yield
      }) : () -> ()
    } else {
    }
    %eq3A_57 = arith.constant 15 : i32
    %eq3A_58 = arith.cmpi eq, %arg1, %eq3A_57 : i32
    %convert_element_type3A_59 = arith.extui %eq3A_58 : i1 to i32
    %cond3A_60 = arith.constant 0 : i32
    %cond3A_61 = arith.cmpi ne, %convert_element_type3A_59, %cond3A_60 : i32
    scf.if %cond3A_61 {
      "tpu.region"() ({
        %run_scoped3A_62 = tpu.sem_alloc : memref<!tpu.dma_semaphore, #tpu.memory_space<semaphore_mem>>
        %dma_start3A_63 = arith.constant 0 : i32
        %dma_start3A_64 = arith.constant 0 : i32
        %dma_start3A_65 = tpu.memref_slice %arg5[%arg0, %dma_start3A_63, %dma_start3A_64] : memref<2x10000x128xf32, #tpu.memory_space<hbm>> -> memref<1x10000x128xf32, #tpu.memory_space<hbm>>
        %dma_start3A_66 = tpu.memref_squeeze %dma_start3A_65 : memref<1x10000x128xf32, #tpu.memory_space<hbm>> -> memref<10000x128xf32, #tpu.memory_space<hbm>>
        %dma_start3A_67 = arith.constant 0 : i32
        %dma_start3A_68 = tpu.memref_slice %dma_start3A_66[%mul3A_2, %dma_start3A_67] : memref<10000x128xf32, #tpu.memory_space<hbm>> -> memref<520x128xf32, #tpu.memory_space<hbm>>
        %dma_start3A_69 = arith.constant 0 : i32
        %dma_start3A_70 = tpu.memref_slice %arg11[%mul3A_2, %dma_start3A_69] : memref<10112x128xf32, #tpu.memory_space<vmem_shared>> -> memref<520x128xf32, #tpu.memory_space<vmem_shared>>
        tpu.enqueue_dma source(%dma_start3A_70 : memref<520x128xf32, #tpu.memory_space<vmem_shared>>) target(%dma_start3A_68 : memref<520x128xf32, #tpu.memory_space<hbm>>) target_semaphore(%run_scoped3A_62 : memref<!tpu.dma_semaphore, #tpu.memory_space<semaphore_mem>>)
        %dma_wait3A_71 = arith.constant 0 : i32
        %dma_wait3A_72 = arith.constant 0 : i32
        %dma_wait3A_73 = tpu.memref_slice %arg5[%arg0, %dma_wait3A_71, %dma_wait3A_72] : memref<2x10000x128xf32, #tpu.memory_space<hbm>> -> memref<1x10000x128xf32, #tpu.memory_space<hbm>>
        %dma_wait3A_74 = tpu.memref_squeeze %dma_wait3A_73 : memref<1x10000x128xf32, #tpu.memory_space<hbm>> -> memref<10000x128xf32, #tpu.memory_space<hbm>>
        %dma_wait3A_75 = arith.constant 0 : i32
        %dma_wait3A_76 = tpu.memref_slice %dma_wait3A_74[%mul3A_2, %dma_wait3A_75] : memref<10000x128xf32, #tpu.memory_space<hbm>> -> memref<520x128xf32, #tpu.memory_space<hbm>>
        %dma_wait3A_77 = arith.constant 0 : i32
        %dma_wait3A_78 = tpu.memref_slice %arg11[%mul3A_2, %dma_wait3A_77] : memref<10112x128xf32, #tpu.memory_space<vmem_shared>> -> memref<520x128xf32, #tpu.memory_space<vmem_shared>>
        tpu.wait_dma2 semaphore(%run_scoped3A_62 : memref<!tpu.dma_semaphore, #tpu.memory_space<semaphore_mem>>) src(%dma_wait3A_78 : memref<520x128xf32, #tpu.memory_space<vmem_shared>>) dst(%dma_wait3A_76 : memref<520x128xf32, #tpu.memory_space<hbm>>)
        tpu.yield
      }) : () -> ()
    } else {
    }
    return
  }
}

#map = affine_map<(d0, d1) -> (0, 0)>
#map1 = affine_map<(d0, d1) -> (0, 0, 0)>
module attributes {stable_mosaic.version = 14 : i64} {
  func.func @_sc_body(%arg0: i32, %arg1: i32, %arg2: memref<10000x128xf32, #tpu.memory_space<hbm>>, %arg3: memref<4096x40xi32, #tpu.memory_space<hbm>>, %arg4: memref<4096x40xi32, #tpu.memory_space<hbm>>, %arg5: memref<2x10000x128xf32, #tpu.memory_space<hbm>>, %arg6: memref<128x40xi32, #tpu.memory_space<vmem>>, %arg7: memref<128x40xi32, #tpu.memory_space<vmem>>, %arg8: memref<40x128xf32, #tpu.memory_space<vmem>>, %arg9: memref<40x128xf32, #tpu.memory_space<vmem>>, %arg10: memref<40x128xf32, #tpu.memory_space<vmem>>, %arg11: memref<10112x128xf32, #tpu.memory_space<vmem_shared>>, %arg12: memref<!tpu.dma_semaphore, #tpu.memory_space<semaphore_mem>>, %arg13: memref<!tpu.dma_semaphore, #tpu.memory_space<semaphore_mem>>, %arg14: memref<!tpu.dma_semaphore, #tpu.memory_space<semaphore_mem>>) attributes {dimension_semantics = [#tpu.dimension_semantics<core_parallel>, #tpu.dimension_semantics<subcore_parallel>], iteration_bounds = array<i64: 2, 16>, scalar_prefetch = 0 : i64, scratch_operands = 9 : i64, tpu.core_type = #tpu.core_type<sc_vector_subcore>, window_params = [{transform_indices = #map}, {transform_indices = #map}, {transform_indices = #map}, {transform_indices = #map1}]} {
    %mul3A = arith.constant 16 : i32
    %mul3A_0 = arith.muli %arg0, %mul3A : i32
    %add3A = arith.addi %mul3A_0, %arg1 : i32
    %mul3A_1 = arith.constant 632 : i32
    %mul3A_2 = arith.muli %arg1, %mul3A_1 : i32
    %lt3A = arith.constant 15 : i32
    %lt3A_3 = arith.cmpi slt, %arg1, %lt3A : i32
    %convert_element_type3A = arith.extui %lt3A_3 : i1 to i32
    %cond3A = arith.constant 0 : i32
    %cond3A_4 = arith.cmpi ne, %convert_element_type3A, %cond3A : i32
    scf.if %cond3A_4 {
      "tpu.region"() ({
        %run_scoped3A_62 = tpu.sem_alloc : memref<!tpu.dma_semaphore, #tpu.memory_space<semaphore_mem>>
        %dma_start3A_63 = arith.constant 0 : i32
        %dma_start3A_64 = tpu.memref_slice %arg11[%mul3A_2, %dma_start3A_63] : memref<10112x128xf32, #tpu.memory_space<vmem_shared>> -> memref<632x128xf32, #tpu.memory_space<vmem_shared>>
        %dma_start3A_65 = arith.constant 0 : i32
        %dma_start3A_66 = tpu.memref_slice %arg2[%mul3A_2, %dma_start3A_65] : memref<10000x128xf32, #tpu.memory_space<hbm>> -> memref<632x128xf32, #tpu.memory_space<hbm>>
        tpu.enqueue_dma source(%dma_start3A_66 : memref<632x128xf32, #tpu.memory_space<hbm>>) target(%dma_start3A_64 : memref<632x128xf32, #tpu.memory_space<vmem_shared>>) target_semaphore(%run_scoped3A_62 : memref<!tpu.dma_semaphore, #tpu.memory_space<semaphore_mem>>)
        %dma_wait3A_67 = arith.constant 0 : i32
        %dma_wait3A_68 = tpu.memref_slice %arg11[%mul3A_2, %dma_wait3A_67] : memref<10112x128xf32, #tpu.memory_space<vmem_shared>> -> memref<632x128xf32, #tpu.memory_space<vmem_shared>>
        %dma_wait3A_69 = arith.constant 0 : i32
        %dma_wait3A_70 = tpu.memref_slice %arg2[%mul3A_2, %dma_wait3A_69] : memref<10000x128xf32, #tpu.memory_space<hbm>> -> memref<632x128xf32, #tpu.memory_space<hbm>>
        tpu.wait_dma2 semaphore(%run_scoped3A_62 : memref<!tpu.dma_semaphore, #tpu.memory_space<semaphore_mem>>) src(%dma_wait3A_70 : memref<632x128xf32, #tpu.memory_space<hbm>>) dst(%dma_wait3A_68 : memref<632x128xf32, #tpu.memory_space<vmem_shared>>)
        tpu.yield
      }) : () -> ()
    } else {
    }
    %eq3A = arith.constant 15 : i32
    %eq3A_5 = arith.cmpi eq, %arg1, %eq3A : i32
    %convert_element_type3A_6 = arith.extui %eq3A_5 : i1 to i32
    %cond3A_7 = arith.constant 0 : i32
    %cond3A_8 = arith.cmpi ne, %convert_element_type3A_6, %cond3A_7 : i32
    scf.if %cond3A_8 {
      "tpu.region"() ({
        %run_scoped3A_62 = tpu.sem_alloc : memref<!tpu.dma_semaphore, #tpu.memory_space<semaphore_mem>>
        %dma_start3A_63 = arith.constant 0 : i32
        %dma_start3A_64 = tpu.memref_slice %arg11[%mul3A_2, %dma_start3A_63] : memref<10112x128xf32, #tpu.memory_space<vmem_shared>> -> memref<520x128xf32, #tpu.memory_space<vmem_shared>>
        %dma_start3A_65 = arith.constant 0 : i32
        %dma_start3A_66 = tpu.memref_slice %arg2[%mul3A_2, %dma_start3A_65] : memref<10000x128xf32, #tpu.memory_space<hbm>> -> memref<520x128xf32, #tpu.memory_space<hbm>>
        tpu.enqueue_dma source(%dma_start3A_66 : memref<520x128xf32, #tpu.memory_space<hbm>>) target(%dma_start3A_64 : memref<520x128xf32, #tpu.memory_space<vmem_shared>>) target_semaphore(%run_scoped3A_62 : memref<!tpu.dma_semaphore, #tpu.memory_space<semaphore_mem>>)
        %dma_wait3A_67 = arith.constant 0 : i32
        %dma_wait3A_68 = tpu.memref_slice %arg11[%mul3A_2, %dma_wait3A_67] : memref<10112x128xf32, #tpu.memory_space<vmem_shared>> -> memref<520x128xf32, #tpu.memory_space<vmem_shared>>
        %dma_wait3A_69 = arith.constant 0 : i32
        %dma_wait3A_70 = tpu.memref_slice %arg2[%mul3A_2, %dma_wait3A_69] : memref<10000x128xf32, #tpu.memory_space<hbm>> -> memref<520x128xf32, #tpu.memory_space<hbm>>
        tpu.wait_dma2 semaphore(%run_scoped3A_62 : memref<!tpu.dma_semaphore, #tpu.memory_space<semaphore_mem>>) src(%dma_wait3A_70 : memref<520x128xf32, #tpu.memory_space<hbm>>) dst(%dma_wait3A_68 : memref<520x128xf32, #tpu.memory_space<vmem_shared>>)
        tpu.yield
      }) : () -> ()
    } else {
    }
    %mul3A_9 = arith.constant 128 : i32
    %mul3A_10 = arith.muli %add3A, %mul3A_9 : i32
    "tpu.region"() ({
      %run_scoped3A_62 = tpu.sem_alloc : memref<!tpu.dma_semaphore, #tpu.memory_space<semaphore_mem>>
      %dma_start3A_63 = arith.constant 0 : i32
      %dma_start3A_64 = tpu.memref_slice %arg3[%mul3A_10, %dma_start3A_63] : memref<4096x40xi32, #tpu.memory_space<hbm>> -> memref<128x40xi32, #tpu.memory_space<hbm>>
      %dma_start3A_65 = arith.constant 0 : i32
      %dma_start3A_66 = tpu.memref_slice %arg3[%mul3A_10, %dma_start3A_65] : memref<4096x40xi32, #tpu.memory_space<hbm>> -> memref<128x40xi32, #tpu.memory_space<hbm>>
      tpu.enqueue_dma source(%dma_start3A_66 : memref<128x40xi32, #tpu.memory_space<hbm>>) target(%arg6 : memref<128x40xi32, #tpu.memory_space<vmem>>) target_semaphore(%run_scoped3A_62 : memref<!tpu.dma_semaphore, #tpu.memory_space<semaphore_mem>>)
      %dma_wait3A_67 = arith.constant 0 : i32
      %dma_wait3A_68 = tpu.memref_slice %arg3[%mul3A_10, %dma_wait3A_67] : memref<4096x40xi32, #tpu.memory_space<hbm>> -> memref<128x40xi32, #tpu.memory_space<hbm>>
      %dma_wait3A_69 = arith.constant 0 : i32
      %dma_wait3A_70 = tpu.memref_slice %arg3[%mul3A_10, %dma_wait3A_69] : memref<4096x40xi32, #tpu.memory_space<hbm>> -> memref<128x40xi32, #tpu.memory_space<hbm>>
      tpu.wait_dma2 semaphore(%run_scoped3A_62 : memref<!tpu.dma_semaphore, #tpu.memory_space<semaphore_mem>>) src(%dma_wait3A_70 : memref<128x40xi32, #tpu.memory_space<hbm>>) dst(%arg6 : memref<128x40xi32, #tpu.memory_space<vmem>>)
      tpu.yield
    }) : () -> ()
    %mul3A_11 = arith.constant 128 : i32
    %mul3A_12 = arith.muli %add3A, %mul3A_11 : i32
    "tpu.region"() ({
      %run_scoped3A_62 = tpu.sem_alloc : memref<!tpu.dma_semaphore, #tpu.memory_space<semaphore_mem>>
      %dma_start3A_63 = arith.constant 0 : i32
      %dma_start3A_64 = tpu.memref_slice %arg4[%mul3A_12, %dma_start3A_63] : memref<4096x40xi32, #tpu.memory_space<hbm>> -> memref<128x40xi32, #tpu.memory_space<hbm>>
      %dma_start3A_65 = arith.constant 0 : i32
      %dma_start3A_66 = tpu.memref_slice %arg4[%mul3A_12, %dma_start3A_65] : memref<4096x40xi32, #tpu.memory_space<hbm>> -> memref<128x40xi32, #tpu.memory_space<hbm>>
      tpu.enqueue_dma source(%dma_start3A_66 : memref<128x40xi32, #tpu.memory_space<hbm>>) target(%arg7 : memref<128x40xi32, #tpu.memory_space<vmem>>) target_semaphore(%run_scoped3A_62 : memref<!tpu.dma_semaphore, #tpu.memory_space<semaphore_mem>>)
      %dma_wait3A_67 = arith.constant 0 : i32
      %dma_wait3A_68 = tpu.memref_slice %arg4[%mul3A_12, %dma_wait3A_67] : memref<4096x40xi32, #tpu.memory_space<hbm>> -> memref<128x40xi32, #tpu.memory_space<hbm>>
      %dma_wait3A_69 = arith.constant 0 : i32
      %dma_wait3A_70 = tpu.memref_slice %arg4[%mul3A_12, %dma_wait3A_69] : memref<4096x40xi32, #tpu.memory_space<hbm>> -> memref<128x40xi32, #tpu.memory_space<hbm>>
      tpu.wait_dma2 semaphore(%run_scoped3A_62 : memref<!tpu.dma_semaphore, #tpu.memory_space<semaphore_mem>>) src(%dma_wait3A_70 : memref<128x40xi32, #tpu.memory_space<hbm>>) dst(%arg7 : memref<128x40xi32, #tpu.memory_space<vmem>>)
      tpu.yield
    }) : () -> ()
    %barrier3A = arith.constant 0 : index
    tpu.barrier barrier_id(%barrier3A)
    %dma_start3A = arith.constant 0 : i32
    %dma_start3A_13 = arith.constant 0 : i32
    %dma_start3A_14 = tpu.memref_slice %arg6[%dma_start3A, %dma_start3A_13] : memref<128x40xi32, #tpu.memory_space<vmem>> -> memref<1x40xi32, #tpu.memory_space<vmem>>
    %dma_start3A_15 = tpu.memref_squeeze %dma_start3A_14 : memref<1x40xi32, #tpu.memory_space<vmem>> -> memref<40xi32, #tpu.memory_space<vmem>>
    %dma_start3A_16 = arith.constant 0 : i32
    %dma_start3A_17 = arith.constant 0 : i32
    %dma_start3A_18 = tpu.memref_slice %arg2[%dma_start3A_16, %dma_start3A_17] : memref<10000x128xf32, #tpu.memory_space<hbm>> -> memref<10000x128xf32, #tpu.memory_space<hbm>>
    tpu.enqueue_indirect_dma source(%dma_start3A_18 : memref<10000x128xf32, #tpu.memory_space<hbm>>) target(%arg8 : memref<40x128xf32, #tpu.memory_space<vmem>>) offsets(%dma_start3A_15 : memref<40xi32, #tpu.memory_space<vmem>>) semaphore(%arg12 : memref<!tpu.dma_semaphore, #tpu.memory_space<semaphore_mem>>)
    %dma_start3A_19 = arith.constant 1 : i32
    %dma_start3A_20 = arith.constant 0 : i32
    %dma_start3A_21 = tpu.memref_slice %arg6[%dma_start3A_19, %dma_start3A_20] : memref<128x40xi32, #tpu.memory_space<vmem>> -> memref<1x40xi32, #tpu.memory_space<vmem>>
    %dma_start3A_22 = tpu.memref_squeeze %dma_start3A_21 : memref<1x40xi32, #tpu.memory_space<vmem>> -> memref<40xi32, #tpu.memory_space<vmem>>
    %dma_start3A_23 = arith.constant 0 : i32
    %dma_start3A_24 = arith.constant 0 : i32
    %dma_start3A_25 = tpu.memref_slice %arg2[%dma_start3A_23, %dma_start3A_24] : memref<10000x128xf32, #tpu.memory_space<hbm>> -> memref<10000x128xf32, #tpu.memory_space<hbm>>
    tpu.enqueue_indirect_dma source(%dma_start3A_25 : memref<10000x128xf32, #tpu.memory_space<hbm>>) target(%arg9 : memref<40x128xf32, #tpu.memory_space<vmem>>) offsets(%dma_start3A_22 : memref<40xi32, #tpu.memory_space<vmem>>) semaphore(%arg13 : memref<!tpu.dma_semaphore, #tpu.memory_space<semaphore_mem>>)
    %dma_start3A_26 = arith.constant 2 : i32
    %dma_start3A_27 = arith.constant 0 : i32
    %dma_start3A_28 = tpu.memref_slice %arg6[%dma_start3A_26, %dma_start3A_27] : memref<128x40xi32, #tpu.memory_space<vmem>> -> memref<1x40xi32, #tpu.memory_space<vmem>>
    %dma_start3A_29 = tpu.memref_squeeze %dma_start3A_28 : memref<1x40xi32, #tpu.memory_space<vmem>> -> memref<40xi32, #tpu.memory_space<vmem>>
    %dma_start3A_30 = arith.constant 0 : i32
    %dma_start3A_31 = arith.constant 0 : i32
    %dma_start3A_32 = tpu.memref_slice %arg2[%dma_start3A_30, %dma_start3A_31] : memref<10000x128xf32, #tpu.memory_space<hbm>> -> memref<10000x128xf32, #tpu.memory_space<hbm>>
    tpu.enqueue_indirect_dma source(%dma_start3A_32 : memref<10000x128xf32, #tpu.memory_space<hbm>>) target(%arg10 : memref<40x128xf32, #tpu.memory_space<vmem>>) offsets(%dma_start3A_29 : memref<40xi32, #tpu.memory_space<vmem>>) semaphore(%arg14 : memref<!tpu.dma_semaphore, #tpu.memory_space<semaphore_mem>>)
    %scan3A = arith.constant 0 : i32
    %scan3A_33 = arith.constant 42 : i32
    %scan3A_34 = arith.addi %scan3A, %scan3A_33 : i32
    %scan3A_35 = arith.constant 1 : i32
    scf.for %scan3A_62 = %scan3A to %scan3A_34 step %scan3A_35  : i32 {
      %mul3A_63 = arith.constant 3 : i32
      %mul3A_64 = arith.muli %scan3A_62, %mul3A_63 : i32
      %add3A_65 = arith.constant 0 : i32
      %add3A_66 = arith.addi %add3A_65, %mul3A_64 : i32
      %add3A_67 = arith.constant 0 : i32
      %add3A_68 = arith.addi %add3A_66, %add3A_67 : i32
      %dma_wait3A_69 = arith.constant 0 : i32
      %dma_wait3A_70 = tpu.memref_slice %arg6[%add3A_68, %dma_wait3A_69] : memref<128x40xi32, #tpu.memory_space<vmem>> -> memref<1x40xi32, #tpu.memory_space<vmem>>
      %dma_wait3A_71 = tpu.memref_squeeze %dma_wait3A_70 : memref<1x40xi32, #tpu.memory_space<vmem>> -> memref<40xi32, #tpu.memory_space<vmem>>
      %dma_wait3A_72 = arith.constant 0 : i32
      %dma_wait3A_73 = arith.constant 0 : i32
      %dma_wait3A_74 = tpu.memref_slice %arg2[%dma_wait3A_72, %dma_wait3A_73] : memref<10000x128xf32, #tpu.memory_space<hbm>> -> memref<10000x128xf32, #tpu.memory_space<hbm>>
      tpu.wait_indirect_dma semaphore(%arg12 : memref<!tpu.dma_semaphore, #tpu.memory_space<semaphore_mem>>) src(%dma_wait3A_74 : memref<10000x128xf32, #tpu.memory_space<hbm>>) dst(%arg8 : memref<40x128xf32, #tpu.memory_space<vmem>>)
      %add3A_75 = arith.constant 0 : i32
      %add3A_76 = arith.addi %add3A_66, %add3A_75 : i32
      "tpu.region"() ({
        %run_scoped3A_124 = tpu.sem_alloc : memref<!tpu.dma_semaphore, #tpu.memory_space<semaphore_mem>>
        %dma_start3A_125 = arith.constant 0 : i32
        %dma_start3A_126 = tpu.memref_slice %arg7[%add3A_76, %dma_start3A_125] : memref<128x40xi32, #tpu.memory_space<vmem>> -> memref<1x40xi32, #tpu.memory_space<vmem>>
        %dma_start3A_127 = tpu.memref_squeeze %dma_start3A_126 : memref<1x40xi32, #tpu.memory_space<vmem>> -> memref<40xi32, #tpu.memory_space<vmem>>
        %dma_start3A_128 = arith.constant 0 : i32
        %dma_start3A_129 = arith.constant 0 : i32
        %dma_start3A_130 = tpu.memref_slice %arg11[%dma_start3A_128, %dma_start3A_129] : memref<10112x128xf32, #tpu.memory_space<vmem_shared>> -> memref<10112x128xf32, #tpu.memory_space<vmem_shared>>
        tpu.enqueue_indirect_dma source(%arg8 : memref<40x128xf32, #tpu.memory_space<vmem>>) target(%dma_start3A_130 : memref<10112x128xf32, #tpu.memory_space<vmem_shared>>) offsets(%dma_start3A_127 : memref<40xi32, #tpu.memory_space<vmem>>) semaphore(%run_scoped3A_124 : memref<!tpu.dma_semaphore, #tpu.memory_space<semaphore_mem>>) {add = true}
        %dma_wait3A_131 = arith.constant 0 : i32
        %dma_wait3A_132 = tpu.memref_slice %arg7[%add3A_76, %dma_wait3A_131] : memref<128x40xi32, #tpu.memory_space<vmem>> -> memref<1x40xi32, #tpu.memory_space<vmem>>
        %dma_wait3A_133 = tpu.memref_squeeze %dma_wait3A_132 : memref<1x40xi32, #tpu.memory_space<vmem>> -> memref<40xi32, #tpu.memory_space<vmem>>
        %dma_wait3A_134 = arith.constant 0 : i32
        %dma_wait3A_135 = arith.constant 0 : i32
        %dma_wait3A_136 = tpu.memref_slice %arg11[%dma_wait3A_134, %dma_wait3A_135] : memref<10112x128xf32, #tpu.memory_space<vmem_shared>> -> memref<10112x128xf32, #tpu.memory_space<vmem_shared>>
        tpu.wait_indirect_dma semaphore(%run_scoped3A_124 : memref<!tpu.dma_semaphore, #tpu.memory_space<semaphore_mem>>) src(%arg8 : memref<40x128xf32, #tpu.memory_space<vmem>>) dst(%dma_wait3A_136 : memref<10112x128xf32, #tpu.memory_space<vmem_shared>>)
        tpu.yield
      }) : () -> ()
      %add3A_77 = arith.constant 0 : i32
      %add3A_78 = arith.addi %add3A_66, %add3A_77 : i32
      %add3A_79 = arith.constant 3 : i32
      %add3A_80 = arith.addi %add3A_78, %add3A_79 : i32
      %lt3A_81 = arith.constant 128 : i32
      %lt3A_82 = arith.cmpi slt, %add3A_80, %lt3A_81 : i32
      %convert_element_type3A_83 = arith.extui %lt3A_82 : i1 to i32
      %cond3A_84 = arith.constant 0 : i32
      %cond3A_85 = arith.cmpi ne, %convert_element_type3A_83, %cond3A_84 : i32
      scf.if %cond3A_85 {
        %add3A_124 = arith.constant 0 : i32
        %add3A_125 = arith.addi %add3A_66, %add3A_124 : i32
        %add3A_126 = arith.constant 3 : i32
        %add3A_127 = arith.addi %add3A_125, %add3A_126 : i32
        %dma_start3A_128 = arith.constant 0 : i32
        %dma_start3A_129 = tpu.memref_slice %arg6[%add3A_127, %dma_start3A_128] : memref<128x40xi32, #tpu.memory_space<vmem>> -> memref<1x40xi32, #tpu.memory_space<vmem>>
        %dma_start3A_130 = tpu.memref_squeeze %dma_start3A_129 : memref<1x40xi32, #tpu.memory_space<vmem>> -> memref<40xi32, #tpu.memory_space<vmem>>
        %dma_start3A_131 = arith.constant 0 : i32
        %dma_start3A_132 = arith.constant 0 : i32
        %dma_start3A_133 = tpu.memref_slice %arg2[%dma_start3A_131, %dma_start3A_132] : memref<10000x128xf32, #tpu.memory_space<hbm>> -> memref<10000x128xf32, #tpu.memory_space<hbm>>
        tpu.enqueue_indirect_dma source(%dma_start3A_133 : memref<10000x128xf32, #tpu.memory_space<hbm>>) target(%arg8 : memref<40x128xf32, #tpu.memory_space<vmem>>) offsets(%dma_start3A_130 : memref<40xi32, #tpu.memory_space<vmem>>) semaphore(%arg12 : memref<!tpu.dma_semaphore, #tpu.memory_space<semaphore_mem>>)
      } else {
      }
      %add3A_86 = arith.constant 1 : i32
      %add3A_87 = arith.addi %add3A_66, %add3A_86 : i32
      %dma_wait3A_88 = arith.constant 0 : i32
      %dma_wait3A_89 = tpu.memref_slice %arg6[%add3A_87, %dma_wait3A_88] : memref<128x40xi32, #tpu.memory_space<vmem>> -> memref<1x40xi32, #tpu.memory_space<vmem>>
      %dma_wait3A_90 = tpu.memref_squeeze %dma_wait3A_89 : memref<1x40xi32, #tpu.memory_space<vmem>> -> memref<40xi32, #tpu.memory_space<vmem>>
      %dma_wait3A_91 = arith.constant 0 : i32
      %dma_wait3A_92 = arith.constant 0 : i32
      %dma_wait3A_93 = tpu.memref_slice %arg2[%dma_wait3A_91, %dma_wait3A_92] : memref<10000x128xf32, #tpu.memory_space<hbm>> -> memref<10000x128xf32, #tpu.memory_space<hbm>>
      tpu.wait_indirect_dma semaphore(%arg13 : memref<!tpu.dma_semaphore, #tpu.memory_space<semaphore_mem>>) src(%dma_wait3A_93 : memref<10000x128xf32, #tpu.memory_space<hbm>>) dst(%arg9 : memref<40x128xf32, #tpu.memory_space<vmem>>)
      %add3A_94 = arith.constant 1 : i32
      %add3A_95 = arith.addi %add3A_66, %add3A_94 : i32
      "tpu.region"() ({
        %run_scoped3A_124 = tpu.sem_alloc : memref<!tpu.dma_semaphore, #tpu.memory_space<semaphore_mem>>
        %dma_start3A_125 = arith.constant 0 : i32
        %dma_start3A_126 = tpu.memref_slice %arg7[%add3A_95, %dma_start3A_125] : memref<128x40xi32, #tpu.memory_space<vmem>> -> memref<1x40xi32, #tpu.memory_space<vmem>>
        %dma_start3A_127 = tpu.memref_squeeze %dma_start3A_126 : memref<1x40xi32, #tpu.memory_space<vmem>> -> memref<40xi32, #tpu.memory_space<vmem>>
        %dma_start3A_128 = arith.constant 0 : i32
        %dma_start3A_129 = arith.constant 0 : i32
        %dma_start3A_130 = tpu.memref_slice %arg11[%dma_start3A_128, %dma_start3A_129] : memref<10112x128xf32, #tpu.memory_space<vmem_shared>> -> memref<10112x128xf32, #tpu.memory_space<vmem_shared>>
        tpu.enqueue_indirect_dma source(%arg9 : memref<40x128xf32, #tpu.memory_space<vmem>>) target(%dma_start3A_130 : memref<10112x128xf32, #tpu.memory_space<vmem_shared>>) offsets(%dma_start3A_127 : memref<40xi32, #tpu.memory_space<vmem>>) semaphore(%run_scoped3A_124 : memref<!tpu.dma_semaphore, #tpu.memory_space<semaphore_mem>>) {add = true}
        %dma_wait3A_131 = arith.constant 0 : i32
        %dma_wait3A_132 = tpu.memref_slice %arg7[%add3A_95, %dma_wait3A_131] : memref<128x40xi32, #tpu.memory_space<vmem>> -> memref<1x40xi32, #tpu.memory_space<vmem>>
        %dma_wait3A_133 = tpu.memref_squeeze %dma_wait3A_132 : memref<1x40xi32, #tpu.memory_space<vmem>> -> memref<40xi32, #tpu.memory_space<vmem>>
        %dma_wait3A_134 = arith.constant 0 : i32
        %dma_wait3A_135 = arith.constant 0 : i32
        %dma_wait3A_136 = tpu.memref_slice %arg11[%dma_wait3A_134, %dma_wait3A_135] : memref<10112x128xf32, #tpu.memory_space<vmem_shared>> -> memref<10112x128xf32, #tpu.memory_space<vmem_shared>>
        tpu.wait_indirect_dma semaphore(%run_scoped3A_124 : memref<!tpu.dma_semaphore, #tpu.memory_space<semaphore_mem>>) src(%arg9 : memref<40x128xf32, #tpu.memory_space<vmem>>) dst(%dma_wait3A_136 : memref<10112x128xf32, #tpu.memory_space<vmem_shared>>)
        tpu.yield
      }) : () -> ()
      %add3A_96 = arith.constant 1 : i32
      %add3A_97 = arith.addi %add3A_66, %add3A_96 : i32
      %add3A_98 = arith.constant 3 : i32
      %add3A_99 = arith.addi %add3A_97, %add3A_98 : i32
      %lt3A_100 = arith.constant 128 : i32
      %lt3A_101 = arith.cmpi slt, %add3A_99, %lt3A_100 : i32
      %convert_element_type3A_102 = arith.extui %lt3A_101 : i1 to i32
      %cond3A_103 = arith.constant 0 : i32
      %cond3A_104 = arith.cmpi ne, %convert_element_type3A_102, %cond3A_103 : i32
      scf.if %cond3A_104 {
        %add3A_124 = arith.constant 1 : i32
        %add3A_125 = arith.addi %add3A_66, %add3A_124 : i32
        %add3A_126 = arith.constant 3 : i32
        %add3A_127 = arith.addi %add3A_125, %add3A_126 : i32
        %dma_start3A_128 = arith.constant 0 : i32
        %dma_start3A_129 = tpu.memref_slice %arg6[%add3A_127, %dma_start3A_128] : memref<128x40xi32, #tpu.memory_space<vmem>> -> memref<1x40xi32, #tpu.memory_space<vmem>>
        %dma_start3A_130 = tpu.memref_squeeze %dma_start3A_129 : memref<1x40xi32, #tpu.memory_space<vmem>> -> memref<40xi32, #tpu.memory_space<vmem>>
        %dma_start3A_131 = arith.constant 0 : i32
        %dma_start3A_132 = arith.constant 0 : i32
        %dma_start3A_133 = tpu.memref_slice %arg2[%dma_start3A_131, %dma_start3A_132] : memref<10000x128xf32, #tpu.memory_space<hbm>> -> memref<10000x128xf32, #tpu.memory_space<hbm>>
        tpu.enqueue_indirect_dma source(%dma_start3A_133 : memref<10000x128xf32, #tpu.memory_space<hbm>>) target(%arg9 : memref<40x128xf32, #tpu.memory_space<vmem>>) offsets(%dma_start3A_130 : memref<40xi32, #tpu.memory_space<vmem>>) semaphore(%arg13 : memref<!tpu.dma_semaphore, #tpu.memory_space<semaphore_mem>>)
      } else {
      }
      %add3A_105 = arith.constant 2 : i32
      %add3A_106 = arith.addi %add3A_66, %add3A_105 : i32
      %dma_wait3A_107 = arith.constant 0 : i32
      %dma_wait3A_108 = tpu.memref_slice %arg6[%add3A_106, %dma_wait3A_107] : memref<128x40xi32, #tpu.memory_space<vmem>> -> memref<1x40xi32, #tpu.memory_space<vmem>>
      %dma_wait3A_109 = tpu.memref_squeeze %dma_wait3A_108 : memref<1x40xi32, #tpu.memory_space<vmem>> -> memref<40xi32, #tpu.memory_space<vmem>>
      %dma_wait3A_110 = arith.constant 0 : i32
      %dma_wait3A_111 = arith.constant 0 : i32
      %dma_wait3A_112 = tpu.memref_slice %arg2[%dma_wait3A_110, %dma_wait3A_111] : memref<10000x128xf32, #tpu.memory_space<hbm>> -> memref<10000x128xf32, #tpu.memory_space<hbm>>
      tpu.wait_indirect_dma semaphore(%arg14 : memref<!tpu.dma_semaphore, #tpu.memory_space<semaphore_mem>>) src(%dma_wait3A_112 : memref<10000x128xf32, #tpu.memory_space<hbm>>) dst(%arg10 : memref<40x128xf32, #tpu.memory_space<vmem>>)
      %add3A_113 = arith.constant 2 : i32
      %add3A_114 = arith.addi %add3A_66, %add3A_113 : i32
      "tpu.region"() ({
        %run_scoped3A_124 = tpu.sem_alloc : memref<!tpu.dma_semaphore, #tpu.memory_space<semaphore_mem>>
        %dma_start3A_125 = arith.constant 0 : i32
        %dma_start3A_126 = tpu.memref_slice %arg7[%add3A_114, %dma_start3A_125] : memref<128x40xi32, #tpu.memory_space<vmem>> -> memref<1x40xi32, #tpu.memory_space<vmem>>
        %dma_start3A_127 = tpu.memref_squeeze %dma_start3A_126 : memref<1x40xi32, #tpu.memory_space<vmem>> -> memref<40xi32, #tpu.memory_space<vmem>>
        %dma_start3A_128 = arith.constant 0 : i32
        %dma_start3A_129 = arith.constant 0 : i32
        %dma_start3A_130 = tpu.memref_slice %arg11[%dma_start3A_128, %dma_start3A_129] : memref<10112x128xf32, #tpu.memory_space<vmem_shared>> -> memref<10112x128xf32, #tpu.memory_space<vmem_shared>>
        tpu.enqueue_indirect_dma source(%arg10 : memref<40x128xf32, #tpu.memory_space<vmem>>) target(%dma_start3A_130 : memref<10112x128xf32, #tpu.memory_space<vmem_shared>>) offsets(%dma_start3A_127 : memref<40xi32, #tpu.memory_space<vmem>>) semaphore(%run_scoped3A_124 : memref<!tpu.dma_semaphore, #tpu.memory_space<semaphore_mem>>) {add = true}
        %dma_wait3A_131 = arith.constant 0 : i32
        %dma_wait3A_132 = tpu.memref_slice %arg7[%add3A_114, %dma_wait3A_131] : memref<128x40xi32, #tpu.memory_space<vmem>> -> memref<1x40xi32, #tpu.memory_space<vmem>>
        %dma_wait3A_133 = tpu.memref_squeeze %dma_wait3A_132 : memref<1x40xi32, #tpu.memory_space<vmem>> -> memref<40xi32, #tpu.memory_space<vmem>>
        %dma_wait3A_134 = arith.constant 0 : i32
        %dma_wait3A_135 = arith.constant 0 : i32
        %dma_wait3A_136 = tpu.memref_slice %arg11[%dma_wait3A_134, %dma_wait3A_135] : memref<10112x128xf32, #tpu.memory_space<vmem_shared>> -> memref<10112x128xf32, #tpu.memory_space<vmem_shared>>
        tpu.wait_indirect_dma semaphore(%run_scoped3A_124 : memref<!tpu.dma_semaphore, #tpu.memory_space<semaphore_mem>>) src(%arg10 : memref<40x128xf32, #tpu.memory_space<vmem>>) dst(%dma_wait3A_136 : memref<10112x128xf32, #tpu.memory_space<vmem_shared>>)
        tpu.yield
      }) : () -> ()
      %add3A_115 = arith.constant 2 : i32
      %add3A_116 = arith.addi %add3A_66, %add3A_115 : i32
      %add3A_117 = arith.constant 3 : i32
      %add3A_118 = arith.addi %add3A_116, %add3A_117 : i32
      %lt3A_119 = arith.constant 128 : i32
      %lt3A_120 = arith.cmpi slt, %add3A_118, %lt3A_119 : i32
      %convert_element_type3A_121 = arith.extui %lt3A_120 : i1 to i32
      %cond3A_122 = arith.constant 0 : i32
      %cond3A_123 = arith.cmpi ne, %convert_element_type3A_121, %cond3A_122 : i32
      scf.if %cond3A_123 {
        %add3A_124 = arith.constant 2 : i32
        %add3A_125 = arith.addi %add3A_66, %add3A_124 : i32
        %add3A_126 = arith.constant 3 : i32
        %add3A_127 = arith.addi %add3A_125, %add3A_126 : i32
        %dma_start3A_128 = arith.constant 0 : i32
        %dma_start3A_129 = tpu.memref_slice %arg6[%add3A_127, %dma_start3A_128] : memref<128x40xi32, #tpu.memory_space<vmem>> -> memref<1x40xi32, #tpu.memory_space<vmem>>
        %dma_start3A_130 = tpu.memref_squeeze %dma_start3A_129 : memref<1x40xi32, #tpu.memory_space<vmem>> -> memref<40xi32, #tpu.memory_space<vmem>>
        %dma_start3A_131 = arith.constant 0 : i32
        %dma_start3A_132 = arith.constant 0 : i32
        %dma_start3A_133 = tpu.memref_slice %arg2[%dma_start3A_131, %dma_start3A_132] : memref<10000x128xf32, #tpu.memory_space<hbm>> -> memref<10000x128xf32, #tpu.memory_space<hbm>>
        tpu.enqueue_indirect_dma source(%dma_start3A_133 : memref<10000x128xf32, #tpu.memory_space<hbm>>) target(%arg10 : memref<40x128xf32, #tpu.memory_space<vmem>>) offsets(%dma_start3A_130 : memref<40xi32, #tpu.memory_space<vmem>>) semaphore(%arg14 : memref<!tpu.dma_semaphore, #tpu.memory_space<semaphore_mem>>)
      } else {
      }
    }
    %scan3A_36 = arith.constant 42 : i32
    %dma_wait3A = arith.constant 126 : i32
    %dma_wait3A_37 = arith.constant 0 : i32
    %dma_wait3A_38 = tpu.memref_slice %arg6[%dma_wait3A, %dma_wait3A_37] : memref<128x40xi32, #tpu.memory_space<vmem>> -> memref<1x40xi32, #tpu.memory_space<vmem>>
    %dma_wait3A_39 = tpu.memref_squeeze %dma_wait3A_38 : memref<1x40xi32, #tpu.memory_space<vmem>> -> memref<40xi32, #tpu.memory_space<vmem>>
    %dma_wait3A_40 = arith.constant 0 : i32
    %dma_wait3A_41 = arith.constant 0 : i32
    %dma_wait3A_42 = tpu.memref_slice %arg2[%dma_wait3A_40, %dma_wait3A_41] : memref<10000x128xf32, #tpu.memory_space<hbm>> -> memref<10000x128xf32, #tpu.memory_space<hbm>>
    tpu.wait_indirect_dma semaphore(%arg12 : memref<!tpu.dma_semaphore, #tpu.memory_space<semaphore_mem>>) src(%dma_wait3A_42 : memref<10000x128xf32, #tpu.memory_space<hbm>>) dst(%arg8 : memref<40x128xf32, #tpu.memory_space<vmem>>)
    %run_scoped3A = arith.constant 126 : i32
    "tpu.region"() ({
      %run_scoped3A_62 = tpu.sem_alloc : memref<!tpu.dma_semaphore, #tpu.memory_space<semaphore_mem>>
      %dma_start3A_63 = arith.constant 0 : i32
      %dma_start3A_64 = tpu.memref_slice %arg7[%run_scoped3A, %dma_start3A_63] : memref<128x40xi32, #tpu.memory_space<vmem>> -> memref<1x40xi32, #tpu.memory_space<vmem>>
      %dma_start3A_65 = tpu.memref_squeeze %dma_start3A_64 : memref<1x40xi32, #tpu.memory_space<vmem>> -> memref<40xi32, #tpu.memory_space<vmem>>
      %dma_start3A_66 = arith.constant 0 : i32
      %dma_start3A_67 = arith.constant 0 : i32
      %dma_start3A_68 = tpu.memref_slice %arg11[%dma_start3A_66, %dma_start3A_67] : memref<10112x128xf32, #tpu.memory_space<vmem_shared>> -> memref<10112x128xf32, #tpu.memory_space<vmem_shared>>
      tpu.enqueue_indirect_dma source(%arg8 : memref<40x128xf32, #tpu.memory_space<vmem>>) target(%dma_start3A_68 : memref<10112x128xf32, #tpu.memory_space<vmem_shared>>) offsets(%dma_start3A_65 : memref<40xi32, #tpu.memory_space<vmem>>) semaphore(%run_scoped3A_62 : memref<!tpu.dma_semaphore, #tpu.memory_space<semaphore_mem>>) {add = true}
      %dma_wait3A_69 = arith.constant 0 : i32
      %dma_wait3A_70 = tpu.memref_slice %arg7[%run_scoped3A, %dma_wait3A_69] : memref<128x40xi32, #tpu.memory_space<vmem>> -> memref<1x40xi32, #tpu.memory_space<vmem>>
      %dma_wait3A_71 = tpu.memref_squeeze %dma_wait3A_70 : memref<1x40xi32, #tpu.memory_space<vmem>> -> memref<40xi32, #tpu.memory_space<vmem>>
      %dma_wait3A_72 = arith.constant 0 : i32
      %dma_wait3A_73 = arith.constant 0 : i32
      %dma_wait3A_74 = tpu.memref_slice %arg11[%dma_wait3A_72, %dma_wait3A_73] : memref<10112x128xf32, #tpu.memory_space<vmem_shared>> -> memref<10112x128xf32, #tpu.memory_space<vmem_shared>>
      tpu.wait_indirect_dma semaphore(%run_scoped3A_62 : memref<!tpu.dma_semaphore, #tpu.memory_space<semaphore_mem>>) src(%arg8 : memref<40x128xf32, #tpu.memory_space<vmem>>) dst(%dma_wait3A_74 : memref<10112x128xf32, #tpu.memory_space<vmem_shared>>)
      tpu.yield
    }) : () -> ()
    %dma_wait3A_43 = arith.constant 127 : i32
    %dma_wait3A_44 = arith.constant 0 : i32
    %dma_wait3A_45 = tpu.memref_slice %arg6[%dma_wait3A_43, %dma_wait3A_44] : memref<128x40xi32, #tpu.memory_space<vmem>> -> memref<1x40xi32, #tpu.memory_space<vmem>>
    %dma_wait3A_46 = tpu.memref_squeeze %dma_wait3A_45 : memref<1x40xi32, #tpu.memory_space<vmem>> -> memref<40xi32, #tpu.memory_space<vmem>>
    %dma_wait3A_47 = arith.constant 0 : i32
    %dma_wait3A_48 = arith.constant 0 : i32
    %dma_wait3A_49 = tpu.memref_slice %arg2[%dma_wait3A_47, %dma_wait3A_48] : memref<10000x128xf32, #tpu.memory_space<hbm>> -> memref<10000x128xf32, #tpu.memory_space<hbm>>
    tpu.wait_indirect_dma semaphore(%arg13 : memref<!tpu.dma_semaphore, #tpu.memory_space<semaphore_mem>>) src(%dma_wait3A_49 : memref<10000x128xf32, #tpu.memory_space<hbm>>) dst(%arg9 : memref<40x128xf32, #tpu.memory_space<vmem>>)
    %run_scoped3A_50 = arith.constant 127 : i32
    "tpu.region"() ({
      %run_scoped3A_62 = tpu.sem_alloc : memref<!tpu.dma_semaphore, #tpu.memory_space<semaphore_mem>>
      %dma_start3A_63 = arith.constant 0 : i32
      %dma_start3A_64 = tpu.memref_slice %arg7[%run_scoped3A_50, %dma_start3A_63] : memref<128x40xi32, #tpu.memory_space<vmem>> -> memref<1x40xi32, #tpu.memory_space<vmem>>
      %dma_start3A_65 = tpu.memref_squeeze %dma_start3A_64 : memref<1x40xi32, #tpu.memory_space<vmem>> -> memref<40xi32, #tpu.memory_space<vmem>>
      %dma_start3A_66 = arith.constant 0 : i32
      %dma_start3A_67 = arith.constant 0 : i32
      %dma_start3A_68 = tpu.memref_slice %arg11[%dma_start3A_66, %dma_start3A_67] : memref<10112x128xf32, #tpu.memory_space<vmem_shared>> -> memref<10112x128xf32, #tpu.memory_space<vmem_shared>>
      tpu.enqueue_indirect_dma source(%arg9 : memref<40x128xf32, #tpu.memory_space<vmem>>) target(%dma_start3A_68 : memref<10112x128xf32, #tpu.memory_space<vmem_shared>>) offsets(%dma_start3A_65 : memref<40xi32, #tpu.memory_space<vmem>>) semaphore(%run_scoped3A_62 : memref<!tpu.dma_semaphore, #tpu.memory_space<semaphore_mem>>) {add = true}
      %dma_wait3A_69 = arith.constant 0 : i32
      %dma_wait3A_70 = tpu.memref_slice %arg7[%run_scoped3A_50, %dma_wait3A_69] : memref<128x40xi32, #tpu.memory_space<vmem>> -> memref<1x40xi32, #tpu.memory_space<vmem>>
      %dma_wait3A_71 = tpu.memref_squeeze %dma_wait3A_70 : memref<1x40xi32, #tpu.memory_space<vmem>> -> memref<40xi32, #tpu.memory_space<vmem>>
      %dma_wait3A_72 = arith.constant 0 : i32
      %dma_wait3A_73 = arith.constant 0 : i32
      %dma_wait3A_74 = tpu.memref_slice %arg11[%dma_wait3A_72, %dma_wait3A_73] : memref<10112x128xf32, #tpu.memory_space<vmem_shared>> -> memref<10112x128xf32, #tpu.memory_space<vmem_shared>>
      tpu.wait_indirect_dma semaphore(%run_scoped3A_62 : memref<!tpu.dma_semaphore, #tpu.memory_space<semaphore_mem>>) src(%arg9 : memref<40x128xf32, #tpu.memory_space<vmem>>) dst(%dma_wait3A_74 : memref<10112x128xf32, #tpu.memory_space<vmem_shared>>)
      tpu.yield
    }) : () -> ()
    %barrier3A_51 = arith.constant 0 : index
    tpu.barrier barrier_id(%barrier3A_51)
    %lt3A_52 = arith.constant 15 : i32
    %lt3A_53 = arith.cmpi slt, %arg1, %lt3A_52 : i32
    %convert_element_type3A_54 = arith.extui %lt3A_53 : i1 to i32
    %cond3A_55 = arith.constant 0 : i32
    %cond3A_56 = arith.cmpi ne, %convert_element_type3A_54, %cond3A_55 : i32
    scf.if %cond3A_56 {
      "tpu.region"() ({
        %run_scoped3A_62 = tpu.sem_alloc : memref<!tpu.dma_semaphore, #tpu.memory_space<semaphore_mem>>
        %dma_start3A_63 = arith.constant 0 : i32
        %dma_start3A_64 = arith.constant 0 : i32
        %dma_start3A_65 = tpu.memref_slice %arg5[%arg0, %dma_start3A_63, %dma_start3A_64] : memref<2x10000x128xf32, #tpu.memory_space<hbm>> -> memref<1x10000x128xf32, #tpu.memory_space<hbm>>
        %dma_start3A_66 = tpu.memref_squeeze %dma_start3A_65 : memref<1x10000x128xf32, #tpu.memory_space<hbm>> -> memref<10000x128xf32, #tpu.memory_space<hbm>>
        %dma_start3A_67 = arith.constant 0 : i32
        %dma_start3A_68 = tpu.memref_slice %dma_start3A_66[%mul3A_2, %dma_start3A_67] : memref<10000x128xf32, #tpu.memory_space<hbm>> -> memref<632x128xf32, #tpu.memory_space<hbm>>
        %dma_start3A_69 = arith.constant 0 : i32
        %dma_start3A_70 = tpu.memref_slice %arg11[%mul3A_2, %dma_start3A_69] : memref<10112x128xf32, #tpu.memory_space<vmem_shared>> -> memref<632x128xf32, #tpu.memory_space<vmem_shared>>
        tpu.enqueue_dma source(%dma_start3A_70 : memref<632x128xf32, #tpu.memory_space<vmem_shared>>) target(%dma_start3A_68 : memref<632x128xf32, #tpu.memory_space<hbm>>) target_semaphore(%run_scoped3A_62 : memref<!tpu.dma_semaphore, #tpu.memory_space<semaphore_mem>>)
        %dma_wait3A_71 = arith.constant 0 : i32
        %dma_wait3A_72 = arith.constant 0 : i32
        %dma_wait3A_73 = tpu.memref_slice %arg5[%arg0, %dma_wait3A_71, %dma_wait3A_72] : memref<2x10000x128xf32, #tpu.memory_space<hbm>> -> memref<1x10000x128xf32, #tpu.memory_space<hbm>>
        %dma_wait3A_74 = tpu.memref_squeeze %dma_wait3A_73 : memref<1x10000x128xf32, #tpu.memory_space<hbm>> -> memref<10000x128xf32, #tpu.memory_space<hbm>>
        %dma_wait3A_75 = arith.constant 0 : i32
        %dma_wait3A_76 = tpu.memref_slice %dma_wait3A_74[%mul3A_2, %dma_wait3A_75] : memref<10000x128xf32, #tpu.memory_space<hbm>> -> memref<632x128xf32, #tpu.memory_space<hbm>>
        %dma_wait3A_77 = arith.constant 0 : i32
        %dma_wait3A_78 = tpu.memref_slice %arg11[%mul3A_2, %dma_wait3A_77] : memref<10112x128xf32, #tpu.memory_space<vmem_shared>> -> memref<632x128xf32, #tpu.memory_space<vmem_shared>>
        tpu.wait_dma2 semaphore(%run_scoped3A_62 : memref<!tpu.dma_semaphore, #tpu.memory_space<semaphore_mem>>) src(%dma_wait3A_78 : memref<632x128xf32, #tpu.memory_space<vmem_shared>>) dst(%dma_wait3A_76 : memref<632x128xf32, #tpu.memory_space<hbm>>)
        tpu.yield
      }) : () -> ()
    } else {
    }
    %eq3A_57 = arith.constant 15 : i32
    %eq3A_58 = arith.cmpi eq, %arg1, %eq3A_57 : i32
    %convert_element_type3A_59 = arith.extui %eq3A_58 : i1 to i32
    %cond3A_60 = arith.constant 0 : i32
    %cond3A_61 = arith.cmpi ne, %convert_element_type3A_59, %cond3A_60 : i32
    scf.if %cond3A_61 {
      "tpu.region"() ({
        %run_scoped3A_62 = tpu.sem_alloc : memref<!tpu.dma_semaphore, #tpu.memory_space<semaphore_mem>>
        %dma_start3A_63 = arith.constant 0 : i32
        %dma_start3A_64 = arith.constant 0 : i32
        %dma_start3A_65 = tpu.memref_slice %arg5[%arg0, %dma_start3A_63, %dma_start3A_64] : memref<2x10000x128xf32, #tpu.memory_space<hbm>> -> memref<1x10000x128xf32, #tpu.memory_space<hbm>>
        %dma_start3A_66 = tpu.memref_squeeze %dma_start3A_65 : memref<1x10000x128xf32, #tpu.memory_space<hbm>> -> memref<10000x128xf32, #tpu.memory_space<hbm>>
        %dma_start3A_67 = arith.constant 0 : i32
        %dma_start3A_68 = tpu.memref_slice %dma_start3A_66[%mul3A_2, %dma_start3A_67] : memref<10000x128xf32, #tpu.memory_space<hbm>> -> memref<520x128xf32, #tpu.memory_space<hbm>>
        %dma_start3A_69 = arith.constant 0 : i32
        %dma_start3A_70 = tpu.memref_slice %arg11[%mul3A_2, %dma_start3A_69] : memref<10112x128xf32, #tpu.memory_space<vmem_shared>> -> memref<520x128xf32, #tpu.memory_space<vmem_shared>>
        tpu.enqueue_dma source(%dma_start3A_70 : memref<520x128xf32, #tpu.memory_space<vmem_shared>>) target(%dma_start3A_68 : memref<520x128xf32, #tpu.memory_space<hbm>>) target_semaphore(%run_scoped3A_62 : memref<!tpu.dma_semaphore, #tpu.memory_space<semaphore_mem>>)
        %dma_wait3A_71 = arith.constant 0 : i32
        %dma_wait3A_72 = arith.constant 0 : i32
        %dma_wait3A_73 = tpu.memref_slice %arg5[%arg0, %dma_wait3A_71, %dma_wait3A_72] : memref<2x10000x128xf32, #tpu.memory_space<hbm>> -> memref<1x10000x128xf32, #tpu.memory_space<hbm>>
        %dma_wait3A_74 = tpu.memref_squeeze %dma_wait3A_73 : memref<1x10000x128xf32, #tpu.memory_space<hbm>> -> memref<10000x128xf32, #tpu.memory_space<hbm>>
        %dma_wait3A_75 = arith.constant 0 : i32
        %dma_wait3A_76 = tpu.memref_slice %dma_wait3A_74[%mul3A_2, %dma_wait3A_75] : memref<10000x128xf32, #tpu.memory_space<hbm>> -> memref<520x128xf32, #tpu.memory_space<hbm>>
        %dma_wait3A_77 = arith.constant 0 : i32
        %dma_wait3A_78 = tpu.memref_slice %arg11[%mul3A_2, %dma_wait3A_77] : memref<10112x128xf32, #tpu.memory_space<vmem_shared>> -> memref<520x128xf32, #tpu.memory_space<vmem_shared>>
        tpu.wait_dma2 semaphore(%run_scoped3A_62 : memref<!tpu.dma_semaphore, #tpu.memory_space<semaphore_mem>>) src(%dma_wait3A_78 : memref<520x128xf32, #tpu.memory_space<vmem_shared>>) dst(%dma_wait3A_76 : memref<520x128xf32, #tpu.memory_space<hbm>>)
        tpu.yield
      }) : () -> ()
    } else {
    }
    return
  }
}

#map = affine_map<(d0, d1) -> (0, 0)>
#map1 = affine_map<(d0, d1) -> (0, 0, 0)>
module attributes {stable_mosaic.version = 14 : i64} {
  func.func @_sc_body(%arg0: i32, %arg1: i32, %arg2: memref<10000x128xf32, #tpu.memory_space<hbm>>, %arg3: memref<4096x40xi32, #tpu.memory_space<hbm>>, %arg4: memref<4096x40xi32, #tpu.memory_space<hbm>>, %arg5: memref<2x10000x128xf32, #tpu.memory_space<hbm>>, %arg6: memref<128x40xi32, #tpu.memory_space<vmem>>, %arg7: memref<128x40xi32, #tpu.memory_space<vmem>>, %arg8: memref<40x128xf32, #tpu.memory_space<vmem>>, %arg9: memref<40x128xf32, #tpu.memory_space<vmem>>, %arg10: memref<40x128xf32, #tpu.memory_space<vmem>>, %arg11: memref<10112x128xf32, #tpu.memory_space<vmem_shared>>, %arg12: memref<!tpu.dma_semaphore, #tpu.memory_space<semaphore_mem>>, %arg13: memref<!tpu.dma_semaphore, #tpu.memory_space<semaphore_mem>>, %arg14: memref<!tpu.dma_semaphore, #tpu.memory_space<semaphore_mem>>) attributes {dimension_semantics = [#tpu.dimension_semantics<core_parallel>, #tpu.dimension_semantics<subcore_parallel>], iteration_bounds = array<i64: 2, 16>, scalar_prefetch = 0 : i64, scratch_operands = 9 : i64, tpu.core_type = #tpu.core_type<sc_vector_subcore>, window_params = [{transform_indices = #map}, {transform_indices = #map}, {transform_indices = #map}, {transform_indices = #map1}]} {
    %mul3A = arith.constant 16 : i32
    %mul3A_0 = arith.muli %arg0, %mul3A : i32
    %add3A = arith.addi %mul3A_0, %arg1 : i32
    %mul3A_1 = arith.constant 632 : i32
    %mul3A_2 = arith.muli %arg1, %mul3A_1 : i32
    %lt3A = arith.constant 15 : i32
    %lt3A_3 = arith.cmpi slt, %arg1, %lt3A : i32
    %convert_element_type3A = arith.extui %lt3A_3 : i1 to i32
    %cond3A = arith.constant 0 : i32
    %cond3A_4 = arith.cmpi ne, %convert_element_type3A, %cond3A : i32
    scf.if %cond3A_4 {
      "tpu.region"() ({
        %run_scoped3A_62 = tpu.sem_alloc : memref<!tpu.dma_semaphore, #tpu.memory_space<semaphore_mem>>
        %dma_start3A_63 = arith.constant 0 : i32
        %dma_start3A_64 = tpu.memref_slice %arg11[%mul3A_2, %dma_start3A_63] : memref<10112x128xf32, #tpu.memory_space<vmem_shared>> -> memref<632x128xf32, #tpu.memory_space<vmem_shared>>
        %dma_start3A_65 = arith.constant 0 : i32
        %dma_start3A_66 = tpu.memref_slice %arg2[%mul3A_2, %dma_start3A_65] : memref<10000x128xf32, #tpu.memory_space<hbm>> -> memref<632x128xf32, #tpu.memory_space<hbm>>
        tpu.enqueue_dma source(%dma_start3A_66 : memref<632x128xf32, #tpu.memory_space<hbm>>) target(%dma_start3A_64 : memref<632x128xf32, #tpu.memory_space<vmem_shared>>) target_semaphore(%run_scoped3A_62 : memref<!tpu.dma_semaphore, #tpu.memory_space<semaphore_mem>>)
        %dma_wait3A_67 = arith.constant 0 : i32
        %dma_wait3A_68 = tpu.memref_slice %arg11[%mul3A_2, %dma_wait3A_67] : memref<10112x128xf32, #tpu.memory_space<vmem_shared>> -> memref<632x128xf32, #tpu.memory_space<vmem_shared>>
        %dma_wait3A_69 = arith.constant 0 : i32
        %dma_wait3A_70 = tpu.memref_slice %arg2[%mul3A_2, %dma_wait3A_69] : memref<10000x128xf32, #tpu.memory_space<hbm>> -> memref<632x128xf32, #tpu.memory_space<hbm>>
        tpu.wait_dma2 semaphore(%run_scoped3A_62 : memref<!tpu.dma_semaphore, #tpu.memory_space<semaphore_mem>>) src(%dma_wait3A_70 : memref<632x128xf32, #tpu.memory_space<hbm>>) dst(%dma_wait3A_68 : memref<632x128xf32, #tpu.memory_space<vmem_shared>>)
        tpu.yield
      }) : () -> ()
    } else {
    }
    %eq3A = arith.constant 15 : i32
    %eq3A_5 = arith.cmpi eq, %arg1, %eq3A : i32
    %convert_element_type3A_6 = arith.extui %eq3A_5 : i1 to i32
    %cond3A_7 = arith.constant 0 : i32
    %cond3A_8 = arith.cmpi ne, %convert_element_type3A_6, %cond3A_7 : i32
    scf.if %cond3A_8 {
      "tpu.region"() ({
        %run_scoped3A_62 = tpu.sem_alloc : memref<!tpu.dma_semaphore, #tpu.memory_space<semaphore_mem>>
        %dma_start3A_63 = arith.constant 0 : i32
        %dma_start3A_64 = tpu.memref_slice %arg11[%mul3A_2, %dma_start3A_63] : memref<10112x128xf32, #tpu.memory_space<vmem_shared>> -> memref<520x128xf32, #tpu.memory_space<vmem_shared>>
        %dma_start3A_65 = arith.constant 0 : i32
        %dma_start3A_66 = tpu.memref_slice %arg2[%mul3A_2, %dma_start3A_65] : memref<10000x128xf32, #tpu.memory_space<hbm>> -> memref<520x128xf32, #tpu.memory_space<hbm>>
        tpu.enqueue_dma source(%dma_start3A_66 : memref<520x128xf32, #tpu.memory_space<hbm>>) target(%dma_start3A_64 : memref<520x128xf32, #tpu.memory_space<vmem_shared>>) target_semaphore(%run_scoped3A_62 : memref<!tpu.dma_semaphore, #tpu.memory_space<semaphore_mem>>)
        %dma_wait3A_67 = arith.constant 0 : i32
        %dma_wait3A_68 = tpu.memref_slice %arg11[%mul3A_2, %dma_wait3A_67] : memref<10112x128xf32, #tpu.memory_space<vmem_shared>> -> memref<520x128xf32, #tpu.memory_space<vmem_shared>>
        %dma_wait3A_69 = arith.constant 0 : i32
        %dma_wait3A_70 = tpu.memref_slice %arg2[%mul3A_2, %dma_wait3A_69] : memref<10000x128xf32, #tpu.memory_space<hbm>> -> memref<520x128xf32, #tpu.memory_space<hbm>>
        tpu.wait_dma2 semaphore(%run_scoped3A_62 : memref<!tpu.dma_semaphore, #tpu.memory_space<semaphore_mem>>) src(%dma_wait3A_70 : memref<520x128xf32, #tpu.memory_space<hbm>>) dst(%dma_wait3A_68 : memref<520x128xf32, #tpu.memory_space<vmem_shared>>)
        tpu.yield
      }) : () -> ()
    } else {
    }
    %mul3A_9 = arith.constant 128 : i32
    %mul3A_10 = arith.muli %add3A, %mul3A_9 : i32
    "tpu.region"() ({
      %run_scoped3A_62 = tpu.sem_alloc : memref<!tpu.dma_semaphore, #tpu.memory_space<semaphore_mem>>
      %dma_start3A_63 = arith.constant 0 : i32
      %dma_start3A_64 = tpu.memref_slice %arg3[%mul3A_10, %dma_start3A_63] : memref<4096x40xi32, #tpu.memory_space<hbm>> -> memref<128x40xi32, #tpu.memory_space<hbm>>
      %dma_start3A_65 = arith.constant 0 : i32
      %dma_start3A_66 = tpu.memref_slice %arg3[%mul3A_10, %dma_start3A_65] : memref<4096x40xi32, #tpu.memory_space<hbm>> -> memref<128x40xi32, #tpu.memory_space<hbm>>
      tpu.enqueue_dma source(%dma_start3A_66 : memref<128x40xi32, #tpu.memory_space<hbm>>) target(%arg6 : memref<128x40xi32, #tpu.memory_space<vmem>>) target_semaphore(%run_scoped3A_62 : memref<!tpu.dma_semaphore, #tpu.memory_space<semaphore_mem>>)
      %dma_wait3A_67 = arith.constant 0 : i32
      %dma_wait3A_68 = tpu.memref_slice %arg3[%mul3A_10, %dma_wait3A_67] : memref<4096x40xi32, #tpu.memory_space<hbm>> -> memref<128x40xi32, #tpu.memory_space<hbm>>
      %dma_wait3A_69 = arith.constant 0 : i32
      %dma_wait3A_70 = tpu.memref_slice %arg3[%mul3A_10, %dma_wait3A_69] : memref<4096x40xi32, #tpu.memory_space<hbm>> -> memref<128x40xi32, #tpu.memory_space<hbm>>
      tpu.wait_dma2 semaphore(%run_scoped3A_62 : memref<!tpu.dma_semaphore, #tpu.memory_space<semaphore_mem>>) src(%dma_wait3A_70 : memref<128x40xi32, #tpu.memory_space<hbm>>) dst(%arg6 : memref<128x40xi32, #tpu.memory_space<vmem>>)
      tpu.yield
    }) : () -> ()
    %mul3A_11 = arith.constant 128 : i32
    %mul3A_12 = arith.muli %add3A, %mul3A_11 : i32
    "tpu.region"() ({
      %run_scoped3A_62 = tpu.sem_alloc : memref<!tpu.dma_semaphore, #tpu.memory_space<semaphore_mem>>
      %dma_start3A_63 = arith.constant 0 : i32
      %dma_start3A_64 = tpu.memref_slice %arg4[%mul3A_12, %dma_start3A_63] : memref<4096x40xi32, #tpu.memory_space<hbm>> -> memref<128x40xi32, #tpu.memory_space<hbm>>
      %dma_start3A_65 = arith.constant 0 : i32
      %dma_start3A_66 = tpu.memref_slice %arg4[%mul3A_12, %dma_start3A_65] : memref<4096x40xi32, #tpu.memory_space<hbm>> -> memref<128x40xi32, #tpu.memory_space<hbm>>
      tpu.enqueue_dma source(%dma_start3A_66 : memref<128x40xi32, #tpu.memory_space<hbm>>) target(%arg7 : memref<128x40xi32, #tpu.memory_space<vmem>>) target_semaphore(%run_scoped3A_62 : memref<!tpu.dma_semaphore, #tpu.memory_space<semaphore_mem>>)
      %dma_wait3A_67 = arith.constant 0 : i32
      %dma_wait3A_68 = tpu.memref_slice %arg4[%mul3A_12, %dma_wait3A_67] : memref<4096x40xi32, #tpu.memory_space<hbm>> -> memref<128x40xi32, #tpu.memory_space<hbm>>
      %dma_wait3A_69 = arith.constant 0 : i32
      %dma_wait3A_70 = tpu.memref_slice %arg4[%mul3A_12, %dma_wait3A_69] : memref<4096x40xi32, #tpu.memory_space<hbm>> -> memref<128x40xi32, #tpu.memory_space<hbm>>
      tpu.wait_dma2 semaphore(%run_scoped3A_62 : memref<!tpu.dma_semaphore, #tpu.memory_space<semaphore_mem>>) src(%dma_wait3A_70 : memref<128x40xi32, #tpu.memory_space<hbm>>) dst(%arg7 : memref<128x40xi32, #tpu.memory_space<vmem>>)
      tpu.yield
    }) : () -> ()
    %barrier3A = arith.constant 0 : index
    tpu.barrier barrier_id(%barrier3A)
    %dma_start3A = arith.constant 0 : i32
    %dma_start3A_13 = arith.constant 0 : i32
    %dma_start3A_14 = tpu.memref_slice %arg6[%dma_start3A, %dma_start3A_13] : memref<128x40xi32, #tpu.memory_space<vmem>> -> memref<1x40xi32, #tpu.memory_space<vmem>>
    %dma_start3A_15 = tpu.memref_squeeze %dma_start3A_14 : memref<1x40xi32, #tpu.memory_space<vmem>> -> memref<40xi32, #tpu.memory_space<vmem>>
    %dma_start3A_16 = arith.constant 0 : i32
    %dma_start3A_17 = arith.constant 0 : i32
    %dma_start3A_18 = tpu.memref_slice %arg2[%dma_start3A_16, %dma_start3A_17] : memref<10000x128xf32, #tpu.memory_space<hbm>> -> memref<10000x128xf32, #tpu.memory_space<hbm>>
    tpu.enqueue_indirect_dma source(%dma_start3A_18 : memref<10000x128xf32, #tpu.memory_space<hbm>>) target(%arg8 : memref<40x128xf32, #tpu.memory_space<vmem>>) offsets(%dma_start3A_15 : memref<40xi32, #tpu.memory_space<vmem>>) semaphore(%arg12 : memref<!tpu.dma_semaphore, #tpu.memory_space<semaphore_mem>>)
    %dma_start3A_19 = arith.constant 1 : i32
    %dma_start3A_20 = arith.constant 0 : i32
    %dma_start3A_21 = tpu.memref_slice %arg6[%dma_start3A_19, %dma_start3A_20] : memref<128x40xi32, #tpu.memory_space<vmem>> -> memref<1x40xi32, #tpu.memory_space<vmem>>
    %dma_start3A_22 = tpu.memref_squeeze %dma_start3A_21 : memref<1x40xi32, #tpu.memory_space<vmem>> -> memref<40xi32, #tpu.memory_space<vmem>>
    %dma_start3A_23 = arith.constant 0 : i32
    %dma_start3A_24 = arith.constant 0 : i32
    %dma_start3A_25 = tpu.memref_slice %arg2[%dma_start3A_23, %dma_start3A_24] : memref<10000x128xf32, #tpu.memory_space<hbm>> -> memref<10000x128xf32, #tpu.memory_space<hbm>>
    tpu.enqueue_indirect_dma source(%dma_start3A_25 : memref<10000x128xf32, #tpu.memory_space<hbm>>) target(%arg9 : memref<40x128xf32, #tpu.memory_space<vmem>>) offsets(%dma_start3A_22 : memref<40xi32, #tpu.memory_space<vmem>>) semaphore(%arg13 : memref<!tpu.dma_semaphore, #tpu.memory_space<semaphore_mem>>)
    %dma_start3A_26 = arith.constant 2 : i32
    %dma_start3A_27 = arith.constant 0 : i32
    %dma_start3A_28 = tpu.memref_slice %arg6[%dma_start3A_26, %dma_start3A_27] : memref<128x40xi32, #tpu.memory_space<vmem>> -> memref<1x40xi32, #tpu.memory_space<vmem>>
    %dma_start3A_29 = tpu.memref_squeeze %dma_start3A_28 : memref<1x40xi32, #tpu.memory_space<vmem>> -> memref<40xi32, #tpu.memory_space<vmem>>
    %dma_start3A_30 = arith.constant 0 : i32
    %dma_start3A_31 = arith.constant 0 : i32
    %dma_start3A_32 = tpu.memref_slice %arg2[%dma_start3A_30, %dma_start3A_31] : memref<10000x128xf32, #tpu.memory_space<hbm>> -> memref<10000x128xf32, #tpu.memory_space<hbm>>
    tpu.enqueue_indirect_dma source(%dma_start3A_32 : memref<10000x128xf32, #tpu.memory_space<hbm>>) target(%arg10 : memref<40x128xf32, #tpu.memory_space<vmem>>) offsets(%dma_start3A_29 : memref<40xi32, #tpu.memory_space<vmem>>) semaphore(%arg14 : memref<!tpu.dma_semaphore, #tpu.memory_space<semaphore_mem>>)
    %scan3A = arith.constant 0 : i32
    %scan3A_33 = arith.constant 42 : i32
    %scan3A_34 = arith.addi %scan3A, %scan3A_33 : i32
    %scan3A_35 = arith.constant 1 : i32
    scf.for %scan3A_62 = %scan3A to %scan3A_34 step %scan3A_35  : i32 {
      %mul3A_63 = arith.constant 3 : i32
      %mul3A_64 = arith.muli %scan3A_62, %mul3A_63 : i32
      %add3A_65 = arith.constant 0 : i32
      %add3A_66 = arith.addi %add3A_65, %mul3A_64 : i32
      %add3A_67 = arith.constant 0 : i32
      %add3A_68 = arith.addi %add3A_66, %add3A_67 : i32
      %dma_wait3A_69 = arith.constant 0 : i32
      %dma_wait3A_70 = tpu.memref_slice %arg6[%add3A_68, %dma_wait3A_69] : memref<128x40xi32, #tpu.memory_space<vmem>> -> memref<1x40xi32, #tpu.memory_space<vmem>>
      %dma_wait3A_71 = tpu.memref_squeeze %dma_wait3A_70 : memref<1x40xi32, #tpu.memory_space<vmem>> -> memref<40xi32, #tpu.memory_space<vmem>>
      %dma_wait3A_72 = arith.constant 0 : i32
      %dma_wait3A_73 = arith.constant 0 : i32
      %dma_wait3A_74 = tpu.memref_slice %arg2[%dma_wait3A_72, %dma_wait3A_73] : memref<10000x128xf32, #tpu.memory_space<hbm>> -> memref<10000x128xf32, #tpu.memory_space<hbm>>
      tpu.wait_indirect_dma semaphore(%arg12 : memref<!tpu.dma_semaphore, #tpu.memory_space<semaphore_mem>>) src(%dma_wait3A_74 : memref<10000x128xf32, #tpu.memory_space<hbm>>) dst(%arg8 : memref<40x128xf32, #tpu.memory_space<vmem>>)
      %add3A_75 = arith.constant 0 : i32
      %add3A_76 = arith.addi %add3A_66, %add3A_75 : i32
      "tpu.region"() ({
        %run_scoped3A_124 = tpu.sem_alloc : memref<!tpu.dma_semaphore, #tpu.memory_space<semaphore_mem>>
        %dma_start3A_125 = arith.constant 0 : i32
        %dma_start3A_126 = tpu.memref_slice %arg7[%add3A_76, %dma_start3A_125] : memref<128x40xi32, #tpu.memory_space<vmem>> -> memref<1x40xi32, #tpu.memory_space<vmem>>
        %dma_start3A_127 = tpu.memref_squeeze %dma_start3A_126 : memref<1x40xi32, #tpu.memory_space<vmem>> -> memref<40xi32, #tpu.memory_space<vmem>>
        %dma_start3A_128 = arith.constant 0 : i32
        %dma_start3A_129 = arith.constant 0 : i32
        %dma_start3A_130 = tpu.memref_slice %arg11[%dma_start3A_128, %dma_start3A_129] : memref<10112x128xf32, #tpu.memory_space<vmem_shared>> -> memref<10112x128xf32, #tpu.memory_space<vmem_shared>>
        tpu.enqueue_indirect_dma source(%arg8 : memref<40x128xf32, #tpu.memory_space<vmem>>) target(%dma_start3A_130 : memref<10112x128xf32, #tpu.memory_space<vmem_shared>>) offsets(%dma_start3A_127 : memref<40xi32, #tpu.memory_space<vmem>>) semaphore(%run_scoped3A_124 : memref<!tpu.dma_semaphore, #tpu.memory_space<semaphore_mem>>) {add = true}
        %dma_wait3A_131 = arith.constant 0 : i32
        %dma_wait3A_132 = tpu.memref_slice %arg7[%add3A_76, %dma_wait3A_131] : memref<128x40xi32, #tpu.memory_space<vmem>> -> memref<1x40xi32, #tpu.memory_space<vmem>>
        %dma_wait3A_133 = tpu.memref_squeeze %dma_wait3A_132 : memref<1x40xi32, #tpu.memory_space<vmem>> -> memref<40xi32, #tpu.memory_space<vmem>>
        %dma_wait3A_134 = arith.constant 0 : i32
        %dma_wait3A_135 = arith.constant 0 : i32
        %dma_wait3A_136 = tpu.memref_slice %arg11[%dma_wait3A_134, %dma_wait3A_135] : memref<10112x128xf32, #tpu.memory_space<vmem_shared>> -> memref<10112x128xf32, #tpu.memory_space<vmem_shared>>
        tpu.wait_indirect_dma semaphore(%run_scoped3A_124 : memref<!tpu.dma_semaphore, #tpu.memory_space<semaphore_mem>>) src(%arg8 : memref<40x128xf32, #tpu.memory_space<vmem>>) dst(%dma_wait3A_136 : memref<10112x128xf32, #tpu.memory_space<vmem_shared>>)
        tpu.yield
      }) : () -> ()
      %add3A_77 = arith.constant 0 : i32
      %add3A_78 = arith.addi %add3A_66, %add3A_77 : i32
      %add3A_79 = arith.constant 3 : i32
      %add3A_80 = arith.addi %add3A_78, %add3A_79 : i32
      %lt3A_81 = arith.constant 128 : i32
      %lt3A_82 = arith.cmpi slt, %add3A_80, %lt3A_81 : i32
      %convert_element_type3A_83 = arith.extui %lt3A_82 : i1 to i32
      %cond3A_84 = arith.constant 0 : i32
      %cond3A_85 = arith.cmpi ne, %convert_element_type3A_83, %cond3A_84 : i32
      scf.if %cond3A_85 {
        %add3A_124 = arith.constant 0 : i32
        %add3A_125 = arith.addi %add3A_66, %add3A_124 : i32
        %add3A_126 = arith.constant 3 : i32
        %add3A_127 = arith.addi %add3A_125, %add3A_126 : i32
        %dma_start3A_128 = arith.constant 0 : i32
        %dma_start3A_129 = tpu.memref_slice %arg6[%add3A_127, %dma_start3A_128] : memref<128x40xi32, #tpu.memory_space<vmem>> -> memref<1x40xi32, #tpu.memory_space<vmem>>
        %dma_start3A_130 = tpu.memref_squeeze %dma_start3A_129 : memref<1x40xi32, #tpu.memory_space<vmem>> -> memref<40xi32, #tpu.memory_space<vmem>>
        %dma_start3A_131 = arith.constant 0 : i32
        %dma_start3A_132 = arith.constant 0 : i32
        %dma_start3A_133 = tpu.memref_slice %arg2[%dma_start3A_131, %dma_start3A_132] : memref<10000x128xf32, #tpu.memory_space<hbm>> -> memref<10000x128xf32, #tpu.memory_space<hbm>>
        tpu.enqueue_indirect_dma source(%dma_start3A_133 : memref<10000x128xf32, #tpu.memory_space<hbm>>) target(%arg8 : memref<40x128xf32, #tpu.memory_space<vmem>>) offsets(%dma_start3A_130 : memref<40xi32, #tpu.memory_space<vmem>>) semaphore(%arg12 : memref<!tpu.dma_semaphore, #tpu.memory_space<semaphore_mem>>)
      } else {
      }
      %add3A_86 = arith.constant 1 : i32
      %add3A_87 = arith.addi %add3A_66, %add3A_86 : i32
      %dma_wait3A_88 = arith.constant 0 : i32
      %dma_wait3A_89 = tpu.memref_slice %arg6[%add3A_87, %dma_wait3A_88] : memref<128x40xi32, #tpu.memory_space<vmem>> -> memref<1x40xi32, #tpu.memory_space<vmem>>
      %dma_wait3A_90 = tpu.memref_squeeze %dma_wait3A_89 : memref<1x40xi32, #tpu.memory_space<vmem>> -> memref<40xi32, #tpu.memory_space<vmem>>
      %dma_wait3A_91 = arith.constant 0 : i32
      %dma_wait3A_92 = arith.constant 0 : i32
      %dma_wait3A_93 = tpu.memref_slice %arg2[%dma_wait3A_91, %dma_wait3A_92] : memref<10000x128xf32, #tpu.memory_space<hbm>> -> memref<10000x128xf32, #tpu.memory_space<hbm>>
      tpu.wait_indirect_dma semaphore(%arg13 : memref<!tpu.dma_semaphore, #tpu.memory_space<semaphore_mem>>) src(%dma_wait3A_93 : memref<10000x128xf32, #tpu.memory_space<hbm>>) dst(%arg9 : memref<40x128xf32, #tpu.memory_space<vmem>>)
      %add3A_94 = arith.constant 1 : i32
      %add3A_95 = arith.addi %add3A_66, %add3A_94 : i32
      "tpu.region"() ({
        %run_scoped3A_124 = tpu.sem_alloc : memref<!tpu.dma_semaphore, #tpu.memory_space<semaphore_mem>>
        %dma_start3A_125 = arith.constant 0 : i32
        %dma_start3A_126 = tpu.memref_slice %arg7[%add3A_95, %dma_start3A_125] : memref<128x40xi32, #tpu.memory_space<vmem>> -> memref<1x40xi32, #tpu.memory_space<vmem>>
        %dma_start3A_127 = tpu.memref_squeeze %dma_start3A_126 : memref<1x40xi32, #tpu.memory_space<vmem>> -> memref<40xi32, #tpu.memory_space<vmem>>
        %dma_start3A_128 = arith.constant 0 : i32
        %dma_start3A_129 = arith.constant 0 : i32
        %dma_start3A_130 = tpu.memref_slice %arg11[%dma_start3A_128, %dma_start3A_129] : memref<10112x128xf32, #tpu.memory_space<vmem_shared>> -> memref<10112x128xf32, #tpu.memory_space<vmem_shared>>
        tpu.enqueue_indirect_dma source(%arg9 : memref<40x128xf32, #tpu.memory_space<vmem>>) target(%dma_start3A_130 : memref<10112x128xf32, #tpu.memory_space<vmem_shared>>) offsets(%dma_start3A_127 : memref<40xi32, #tpu.memory_space<vmem>>) semaphore(%run_scoped3A_124 : memref<!tpu.dma_semaphore, #tpu.memory_space<semaphore_mem>>) {add = true}
        %dma_wait3A_131 = arith.constant 0 : i32
        %dma_wait3A_132 = tpu.memref_slice %arg7[%add3A_95, %dma_wait3A_131] : memref<128x40xi32, #tpu.memory_space<vmem>> -> memref<1x40xi32, #tpu.memory_space<vmem>>
        %dma_wait3A_133 = tpu.memref_squeeze %dma_wait3A_132 : memref<1x40xi32, #tpu.memory_space<vmem>> -> memref<40xi32, #tpu.memory_space<vmem>>
        %dma_wait3A_134 = arith.constant 0 : i32
        %dma_wait3A_135 = arith.constant 0 : i32
        %dma_wait3A_136 = tpu.memref_slice %arg11[%dma_wait3A_134, %dma_wait3A_135] : memref<10112x128xf32, #tpu.memory_space<vmem_shared>> -> memref<10112x128xf32, #tpu.memory_space<vmem_shared>>
        tpu.wait_indirect_dma semaphore(%run_scoped3A_124 : memref<!tpu.dma_semaphore, #tpu.memory_space<semaphore_mem>>) src(%arg9 : memref<40x128xf32, #tpu.memory_space<vmem>>) dst(%dma_wait3A_136 : memref<10112x128xf32, #tpu.memory_space<vmem_shared>>)
        tpu.yield
      }) : () -> ()
      %add3A_96 = arith.constant 1 : i32
      %add3A_97 = arith.addi %add3A_66, %add3A_96 : i32
      %add3A_98 = arith.constant 3 : i32
      %add3A_99 = arith.addi %add3A_97, %add3A_98 : i32
      %lt3A_100 = arith.constant 128 : i32
      %lt3A_101 = arith.cmpi slt, %add3A_99, %lt3A_100 : i32
      %convert_element_type3A_102 = arith.extui %lt3A_101 : i1 to i32
      %cond3A_103 = arith.constant 0 : i32
      %cond3A_104 = arith.cmpi ne, %convert_element_type3A_102, %cond3A_103 : i32
      scf.if %cond3A_104 {
        %add3A_124 = arith.constant 1 : i32
        %add3A_125 = arith.addi %add3A_66, %add3A_124 : i32
        %add3A_126 = arith.constant 3 : i32
        %add3A_127 = arith.addi %add3A_125, %add3A_126 : i32
        %dma_start3A_128 = arith.constant 0 : i32
        %dma_start3A_129 = tpu.memref_slice %arg6[%add3A_127, %dma_start3A_128] : memref<128x40xi32, #tpu.memory_space<vmem>> -> memref<1x40xi32, #tpu.memory_space<vmem>>
        %dma_start3A_130 = tpu.memref_squeeze %dma_start3A_129 : memref<1x40xi32, #tpu.memory_space<vmem>> -> memref<40xi32, #tpu.memory_space<vmem>>
        %dma_start3A_131 = arith.constant 0 : i32
        %dma_start3A_132 = arith.constant 0 : i32
        %dma_start3A_133 = tpu.memref_slice %arg2[%dma_start3A_131, %dma_start3A_132] : memref<10000x128xf32, #tpu.memory_space<hbm>> -> memref<10000x128xf32, #tpu.memory_space<hbm>>
        tpu.enqueue_indirect_dma source(%dma_start3A_133 : memref<10000x128xf32, #tpu.memory_space<hbm>>) target(%arg9 : memref<40x128xf32, #tpu.memory_space<vmem>>) offsets(%dma_start3A_130 : memref<40xi32, #tpu.memory_space<vmem>>) semaphore(%arg13 : memref<!tpu.dma_semaphore, #tpu.memory_space<semaphore_mem>>)
      } else {
      }
      %add3A_105 = arith.constant 2 : i32
      %add3A_106 = arith.addi %add3A_66, %add3A_105 : i32
      %dma_wait3A_107 = arith.constant 0 : i32
      %dma_wait3A_108 = tpu.memref_slice %arg6[%add3A_106, %dma_wait3A_107] : memref<128x40xi32, #tpu.memory_space<vmem>> -> memref<1x40xi32, #tpu.memory_space<vmem>>
      %dma_wait3A_109 = tpu.memref_squeeze %dma_wait3A_108 : memref<1x40xi32, #tpu.memory_space<vmem>> -> memref<40xi32, #tpu.memory_space<vmem>>
      %dma_wait3A_110 = arith.constant 0 : i32
      %dma_wait3A_111 = arith.constant 0 : i32
      %dma_wait3A_112 = tpu.memref_slice %arg2[%dma_wait3A_110, %dma_wait3A_111] : memref<10000x128xf32, #tpu.memory_space<hbm>> -> memref<10000x128xf32, #tpu.memory_space<hbm>>
      tpu.wait_indirect_dma semaphore(%arg14 : memref<!tpu.dma_semaphore, #tpu.memory_space<semaphore_mem>>) src(%dma_wait3A_112 : memref<10000x128xf32, #tpu.memory_space<hbm>>) dst(%arg10 : memref<40x128xf32, #tpu.memory_space<vmem>>)
      %add3A_113 = arith.constant 2 : i32
      %add3A_114 = arith.addi %add3A_66, %add3A_113 : i32
      "tpu.region"() ({
        %run_scoped3A_124 = tpu.sem_alloc : memref<!tpu.dma_semaphore, #tpu.memory_space<semaphore_mem>>
        %dma_start3A_125 = arith.constant 0 : i32
        %dma_start3A_126 = tpu.memref_slice %arg7[%add3A_114, %dma_start3A_125] : memref<128x40xi32, #tpu.memory_space<vmem>> -> memref<1x40xi32, #tpu.memory_space<vmem>>
        %dma_start3A_127 = tpu.memref_squeeze %dma_start3A_126 : memref<1x40xi32, #tpu.memory_space<vmem>> -> memref<40xi32, #tpu.memory_space<vmem>>
        %dma_start3A_128 = arith.constant 0 : i32
        %dma_start3A_129 = arith.constant 0 : i32
        %dma_start3A_130 = tpu.memref_slice %arg11[%dma_start3A_128, %dma_start3A_129] : memref<10112x128xf32, #tpu.memory_space<vmem_shared>> -> memref<10112x128xf32, #tpu.memory_space<vmem_shared>>
        tpu.enqueue_indirect_dma source(%arg10 : memref<40x128xf32, #tpu.memory_space<vmem>>) target(%dma_start3A_130 : memref<10112x128xf32, #tpu.memory_space<vmem_shared>>) offsets(%dma_start3A_127 : memref<40xi32, #tpu.memory_space<vmem>>) semaphore(%run_scoped3A_124 : memref<!tpu.dma_semaphore, #tpu.memory_space<semaphore_mem>>) {add = true}
        %dma_wait3A_131 = arith.constant 0 : i32
        %dma_wait3A_132 = tpu.memref_slice %arg7[%add3A_114, %dma_wait3A_131] : memref<128x40xi32, #tpu.memory_space<vmem>> -> memref<1x40xi32, #tpu.memory_space<vmem>>
        %dma_wait3A_133 = tpu.memref_squeeze %dma_wait3A_132 : memref<1x40xi32, #tpu.memory_space<vmem>> -> memref<40xi32, #tpu.memory_space<vmem>>
        %dma_wait3A_134 = arith.constant 0 : i32
        %dma_wait3A_135 = arith.constant 0 : i32
        %dma_wait3A_136 = tpu.memref_slice %arg11[%dma_wait3A_134, %dma_wait3A_135] : memref<10112x128xf32, #tpu.memory_space<vmem_shared>> -> memref<10112x128xf32, #tpu.memory_space<vmem_shared>>
        tpu.wait_indirect_dma semaphore(%run_scoped3A_124 : memref<!tpu.dma_semaphore, #tpu.memory_space<semaphore_mem>>) src(%arg10 : memref<40x128xf32, #tpu.memory_space<vmem>>) dst(%dma_wait3A_136 : memref<10112x128xf32, #tpu.memory_space<vmem_shared>>)
        tpu.yield
      }) : () -> ()
      %add3A_115 = arith.constant 2 : i32
      %add3A_116 = arith.addi %add3A_66, %add3A_115 : i32
      %add3A_117 = arith.constant 3 : i32
      %add3A_118 = arith.addi %add3A_116, %add3A_117 : i32
      %lt3A_119 = arith.constant 128 : i32
      %lt3A_120 = arith.cmpi slt, %add3A_118, %lt3A_119 : i32
      %convert_element_type3A_121 = arith.extui %lt3A_120 : i1 to i32
      %cond3A_122 = arith.constant 0 : i32
      %cond3A_123 = arith.cmpi ne, %convert_element_type3A_121, %cond3A_122 : i32
      scf.if %cond3A_123 {
        %add3A_124 = arith.constant 2 : i32
        %add3A_125 = arith.addi %add3A_66, %add3A_124 : i32
        %add3A_126 = arith.constant 3 : i32
        %add3A_127 = arith.addi %add3A_125, %add3A_126 : i32
        %dma_start3A_128 = arith.constant 0 : i32
        %dma_start3A_129 = tpu.memref_slice %arg6[%add3A_127, %dma_start3A_128] : memref<128x40xi32, #tpu.memory_space<vmem>> -> memref<1x40xi32, #tpu.memory_space<vmem>>
        %dma_start3A_130 = tpu.memref_squeeze %dma_start3A_129 : memref<1x40xi32, #tpu.memory_space<vmem>> -> memref<40xi32, #tpu.memory_space<vmem>>
        %dma_start3A_131 = arith.constant 0 : i32
        %dma_start3A_132 = arith.constant 0 : i32
        %dma_start3A_133 = tpu.memref_slice %arg2[%dma_start3A_131, %dma_start3A_132] : memref<10000x128xf32, #tpu.memory_space<hbm>> -> memref<10000x128xf32, #tpu.memory_space<hbm>>
        tpu.enqueue_indirect_dma source(%dma_start3A_133 : memref<10000x128xf32, #tpu.memory_space<hbm>>) target(%arg10 : memref<40x128xf32, #tpu.memory_space<vmem>>) offsets(%dma_start3A_130 : memref<40xi32, #tpu.memory_space<vmem>>) semaphore(%arg14 : memref<!tpu.dma_semaphore, #tpu.memory_space<semaphore_mem>>)
      } else {
      }
    }
    %scan3A_36 = arith.constant 42 : i32
    %dma_wait3A = arith.constant 126 : i32
    %dma_wait3A_37 = arith.constant 0 : i32
    %dma_wait3A_38 = tpu.memref_slice %arg6[%dma_wait3A, %dma_wait3A_37] : memref<128x40xi32, #tpu.memory_space<vmem>> -> memref<1x40xi32, #tpu.memory_space<vmem>>
    %dma_wait3A_39 = tpu.memref_squeeze %dma_wait3A_38 : memref<1x40xi32, #tpu.memory_space<vmem>> -> memref<40xi32, #tpu.memory_space<vmem>>
    %dma_wait3A_40 = arith.constant 0 : i32
    %dma_wait3A_41 = arith.constant 0 : i32
    %dma_wait3A_42 = tpu.memref_slice %arg2[%dma_wait3A_40, %dma_wait3A_41] : memref<10000x128xf32, #tpu.memory_space<hbm>> -> memref<10000x128xf32, #tpu.memory_space<hbm>>
    tpu.wait_indirect_dma semaphore(%arg12 : memref<!tpu.dma_semaphore, #tpu.memory_space<semaphore_mem>>) src(%dma_wait3A_42 : memref<10000x128xf32, #tpu.memory_space<hbm>>) dst(%arg8 : memref<40x128xf32, #tpu.memory_space<vmem>>)
    %run_scoped3A = arith.constant 126 : i32
    "tpu.region"() ({
      %run_scoped3A_62 = tpu.sem_alloc : memref<!tpu.dma_semaphore, #tpu.memory_space<semaphore_mem>>
      %dma_start3A_63 = arith.constant 0 : i32
      %dma_start3A_64 = tpu.memref_slice %arg7[%run_scoped3A, %dma_start3A_63] : memref<128x40xi32, #tpu.memory_space<vmem>> -> memref<1x40xi32, #tpu.memory_space<vmem>>
      %dma_start3A_65 = tpu.memref_squeeze %dma_start3A_64 : memref<1x40xi32, #tpu.memory_space<vmem>> -> memref<40xi32, #tpu.memory_space<vmem>>
      %dma_start3A_66 = arith.constant 0 : i32
      %dma_start3A_67 = arith.constant 0 : i32
      %dma_start3A_68 = tpu.memref_slice %arg11[%dma_start3A_66, %dma_start3A_67] : memref<10112x128xf32, #tpu.memory_space<vmem_shared>> -> memref<10112x128xf32, #tpu.memory_space<vmem_shared>>
      tpu.enqueue_indirect_dma source(%arg8 : memref<40x128xf32, #tpu.memory_space<vmem>>) target(%dma_start3A_68 : memref<10112x128xf32, #tpu.memory_space<vmem_shared>>) offsets(%dma_start3A_65 : memref<40xi32, #tpu.memory_space<vmem>>) semaphore(%run_scoped3A_62 : memref<!tpu.dma_semaphore, #tpu.memory_space<semaphore_mem>>) {add = true}
      %dma_wait3A_69 = arith.constant 0 : i32
      %dma_wait3A_70 = tpu.memref_slice %arg7[%run_scoped3A, %dma_wait3A_69] : memref<128x40xi32, #tpu.memory_space<vmem>> -> memref<1x40xi32, #tpu.memory_space<vmem>>
      %dma_wait3A_71 = tpu.memref_squeeze %dma_wait3A_70 : memref<1x40xi32, #tpu.memory_space<vmem>> -> memref<40xi32, #tpu.memory_space<vmem>>
      %dma_wait3A_72 = arith.constant 0 : i32
      %dma_wait3A_73 = arith.constant 0 : i32
      %dma_wait3A_74 = tpu.memref_slice %arg11[%dma_wait3A_72, %dma_wait3A_73] : memref<10112x128xf32, #tpu.memory_space<vmem_shared>> -> memref<10112x128xf32, #tpu.memory_space<vmem_shared>>
      tpu.wait_indirect_dma semaphore(%run_scoped3A_62 : memref<!tpu.dma_semaphore, #tpu.memory_space<semaphore_mem>>) src(%arg8 : memref<40x128xf32, #tpu.memory_space<vmem>>) dst(%dma_wait3A_74 : memref<10112x128xf32, #tpu.memory_space<vmem_shared>>)
      tpu.yield
    }) : () -> ()
    %dma_wait3A_43 = arith.constant 127 : i32
    %dma_wait3A_44 = arith.constant 0 : i32
    %dma_wait3A_45 = tpu.memref_slice %arg6[%dma_wait3A_43, %dma_wait3A_44] : memref<128x40xi32, #tpu.memory_space<vmem>> -> memref<1x40xi32, #tpu.memory_space<vmem>>
    %dma_wait3A_46 = tpu.memref_squeeze %dma_wait3A_45 : memref<1x40xi32, #tpu.memory_space<vmem>> -> memref<40xi32, #tpu.memory_space<vmem>>
    %dma_wait3A_47 = arith.constant 0 : i32
    %dma_wait3A_48 = arith.constant 0 : i32
    %dma_wait3A_49 = tpu.memref_slice %arg2[%dma_wait3A_47, %dma_wait3A_48] : memref<10000x128xf32, #tpu.memory_space<hbm>> -> memref<10000x128xf32, #tpu.memory_space<hbm>>
    tpu.wait_indirect_dma semaphore(%arg13 : memref<!tpu.dma_semaphore, #tpu.memory_space<semaphore_mem>>) src(%dma_wait3A_49 : memref<10000x128xf32, #tpu.memory_space<hbm>>) dst(%arg9 : memref<40x128xf32, #tpu.memory_space<vmem>>)
    %run_scoped3A_50 = arith.constant 127 : i32
    "tpu.region"() ({
      %run_scoped3A_62 = tpu.sem_alloc : memref<!tpu.dma_semaphore, #tpu.memory_space<semaphore_mem>>
      %dma_start3A_63 = arith.constant 0 : i32
      %dma_start3A_64 = tpu.memref_slice %arg7[%run_scoped3A_50, %dma_start3A_63] : memref<128x40xi32, #tpu.memory_space<vmem>> -> memref<1x40xi32, #tpu.memory_space<vmem>>
      %dma_start3A_65 = tpu.memref_squeeze %dma_start3A_64 : memref<1x40xi32, #tpu.memory_space<vmem>> -> memref<40xi32, #tpu.memory_space<vmem>>
      %dma_start3A_66 = arith.constant 0 : i32
      %dma_start3A_67 = arith.constant 0 : i32
      %dma_start3A_68 = tpu.memref_slice %arg11[%dma_start3A_66, %dma_start3A_67] : memref<10112x128xf32, #tpu.memory_space<vmem_shared>> -> memref<10112x128xf32, #tpu.memory_space<vmem_shared>>
      tpu.enqueue_indirect_dma source(%arg9 : memref<40x128xf32, #tpu.memory_space<vmem>>) target(%dma_start3A_68 : memref<10112x128xf32, #tpu.memory_space<vmem_shared>>) offsets(%dma_start3A_65 : memref<40xi32, #tpu.memory_space<vmem>>) semaphore(%run_scoped3A_62 : memref<!tpu.dma_semaphore, #tpu.memory_space<semaphore_mem>>) {add = true}
      %dma_wait3A_69 = arith.constant 0 : i32
      %dma_wait3A_70 = tpu.memref_slice %arg7[%run_scoped3A_50, %dma_wait3A_69] : memref<128x40xi32, #tpu.memory_space<vmem>> -> memref<1x40xi32, #tpu.memory_space<vmem>>
      %dma_wait3A_71 = tpu.memref_squeeze %dma_wait3A_70 : memref<1x40xi32, #tpu.memory_space<vmem>> -> memref<40xi32, #tpu.memory_space<vmem>>
      %dma_wait3A_72 = arith.constant 0 : i32
      %dma_wait3A_73 = arith.constant 0 : i32
      %dma_wait3A_74 = tpu.memref_slice %arg11[%dma_wait3A_72, %dma_wait3A_73] : memref<10112x128xf32, #tpu.memory_space<vmem_shared>> -> memref<10112x128xf32, #tpu.memory_space<vmem_shared>>
      tpu.wait_indirect_dma semaphore(%run_scoped3A_62 : memref<!tpu.dma_semaphore, #tpu.memory_space<semaphore_mem>>) src(%arg9 : memref<40x128xf32, #tpu.memory_space<vmem>>) dst(%dma_wait3A_74 : memref<10112x128xf32, #tpu.memory_space<vmem_shared>>)
      tpu.yield
    }) : () -> ()
    %barrier3A_51 = arith.constant 0 : index
    tpu.barrier barrier_id(%barrier3A_51)
    %lt3A_52 = arith.constant 15 : i32
    %lt3A_53 = arith.cmpi slt, %arg1, %lt3A_52 : i32
    %convert_element_type3A_54 = arith.extui %lt3A_53 : i1 to i32
    %cond3A_55 = arith.constant 0 : i32
    %cond3A_56 = arith.cmpi ne, %convert_element_type3A_54, %cond3A_55 : i32
    scf.if %cond3A_56 {
      "tpu.region"() ({
        %run_scoped3A_62 = tpu.sem_alloc : memref<!tpu.dma_semaphore, #tpu.memory_space<semaphore_mem>>
        %dma_start3A_63 = arith.constant 0 : i32
        %dma_start3A_64 = arith.constant 0 : i32
        %dma_start3A_65 = tpu.memref_slice %arg5[%arg0, %dma_start3A_63, %dma_start3A_64] : memref<2x10000x128xf32, #tpu.memory_space<hbm>> -> memref<1x10000x128xf32, #tpu.memory_space<hbm>>
        %dma_start3A_66 = tpu.memref_squeeze %dma_start3A_65 : memref<1x10000x128xf32, #tpu.memory_space<hbm>> -> memref<10000x128xf32, #tpu.memory_space<hbm>>
        %dma_start3A_67 = arith.constant 0 : i32
        %dma_start3A_68 = tpu.memref_slice %dma_start3A_66[%mul3A_2, %dma_start3A_67] : memref<10000x128xf32, #tpu.memory_space<hbm>> -> memref<632x128xf32, #tpu.memory_space<hbm>>
        %dma_start3A_69 = arith.constant 0 : i32
        %dma_start3A_70 = tpu.memref_slice %arg11[%mul3A_2, %dma_start3A_69] : memref<10112x128xf32, #tpu.memory_space<vmem_shared>> -> memref<632x128xf32, #tpu.memory_space<vmem_shared>>
        tpu.enqueue_dma source(%dma_start3A_70 : memref<632x128xf32, #tpu.memory_space<vmem_shared>>) target(%dma_start3A_68 : memref<632x128xf32, #tpu.memory_space<hbm>>) target_semaphore(%run_scoped3A_62 : memref<!tpu.dma_semaphore, #tpu.memory_space<semaphore_mem>>)
        %dma_wait3A_71 = arith.constant 0 : i32
        %dma_wait3A_72 = arith.constant 0 : i32
        %dma_wait3A_73 = tpu.memref_slice %arg5[%arg0, %dma_wait3A_71, %dma_wait3A_72] : memref<2x10000x128xf32, #tpu.memory_space<hbm>> -> memref<1x10000x128xf32, #tpu.memory_space<hbm>>
        %dma_wait3A_74 = tpu.memref_squeeze %dma_wait3A_73 : memref<1x10000x128xf32, #tpu.memory_space<hbm>> -> memref<10000x128xf32, #tpu.memory_space<hbm>>
        %dma_wait3A_75 = arith.constant 0 : i32
        %dma_wait3A_76 = tpu.memref_slice %dma_wait3A_74[%mul3A_2, %dma_wait3A_75] : memref<10000x128xf32, #tpu.memory_space<hbm>> -> memref<632x128xf32, #tpu.memory_space<hbm>>
        %dma_wait3A_77 = arith.constant 0 : i32
        %dma_wait3A_78 = tpu.memref_slice %arg11[%mul3A_2, %dma_wait3A_77] : memref<10112x128xf32, #tpu.memory_space<vmem_shared>> -> memref<632x128xf32, #tpu.memory_space<vmem_shared>>
        tpu.wait_dma2 semaphore(%run_scoped3A_62 : memref<!tpu.dma_semaphore, #tpu.memory_space<semaphore_mem>>) src(%dma_wait3A_78 : memref<632x128xf32, #tpu.memory_space<vmem_shared>>) dst(%dma_wait3A_76 : memref<632x128xf32, #tpu.memory_space<hbm>>)
        tpu.yield
      }) : () -> ()
    } else {
    }
    %eq3A_57 = arith.constant 15 : i32
    %eq3A_58 = arith.cmpi eq, %arg1, %eq3A_57 : i32
    %convert_element_type3A_59 = arith.extui %eq3A_58 : i1 to i32
    %cond3A_60 = arith.constant 0 : i32
    %cond3A_61 = arith.cmpi ne, %convert_element_type3A_59, %cond3A_60 : i32
    scf.if %cond3A_61 {
      "tpu.region"() ({
        %run_scoped3A_62 = tpu.sem_alloc : memref<!tpu.dma_semaphore, #tpu.memory_space<semaphore_mem>>
        %dma_start3A_63 = arith.constant 0 : i32
        %dma_start3A_64 = arith.constant 0 : i32
        %dma_start3A_65 = tpu.memref_slice %arg5[%arg0, %dma_start3A_63, %dma_start3A_64] : memref<2x10000x128xf32, #tpu.memory_space<hbm>> -> memref<1x10000x128xf32, #tpu.memory_space<hbm>>
        %dma_start3A_66 = tpu.memref_squeeze %dma_start3A_65 : memref<1x10000x128xf32, #tpu.memory_space<hbm>> -> memref<10000x128xf32, #tpu.memory_space<hbm>>
        %dma_start3A_67 = arith.constant 0 : i32
        %dma_start3A_68 = tpu.memref_slice %dma_start3A_66[%mul3A_2, %dma_start3A_67] : memref<10000x128xf32, #tpu.memory_space<hbm>> -> memref<520x128xf32, #tpu.memory_space<hbm>>
        %dma_start3A_69 = arith.constant 0 : i32
        %dma_start3A_70 = tpu.memref_slice %arg11[%mul3A_2, %dma_start3A_69] : memref<10112x128xf32, #tpu.memory_space<vmem_shared>> -> memref<520x128xf32, #tpu.memory_space<vmem_shared>>
        tpu.enqueue_dma source(%dma_start3A_70 : memref<520x128xf32, #tpu.memory_space<vmem_shared>>) target(%dma_start3A_68 : memref<520x128xf32, #tpu.memory_space<hbm>>) target_semaphore(%run_scoped3A_62 : memref<!tpu.dma_semaphore, #tpu.memory_space<semaphore_mem>>)
        %dma_wait3A_71 = arith.constant 0 : i32
        %dma_wait3A_72 = arith.constant 0 : i32
        %dma_wait3A_73 = tpu.memref_slice %arg5[%arg0, %dma_wait3A_71, %dma_wait3A_72] : memref<2x10000x128xf32, #tpu.memory_space<hbm>> -> memref<1x10000x128xf32, #tpu.memory_space<hbm>>
        %dma_wait3A_74 = tpu.memref_squeeze %dma_wait3A_73 : memref<1x10000x128xf32, #tpu.memory_space<hbm>> -> memref<10000x128xf32, #tpu.memory_space<hbm>>
        %dma_wait3A_75 = arith.constant 0 : i32
        %dma_wait3A_76 = tpu.memref_slice %dma_wait3A_74[%mul3A_2, %dma_wait3A_75] : memref<10000x128xf32, #tpu.memory_space<hbm>> -> memref<520x128xf32, #tpu.memory_space<hbm>>
        %dma_wait3A_77 = arith.constant 0 : i32
        %dma_wait3A_78 = tpu.memref_slice %arg11[%mul3A_2, %dma_wait3A_77] : memref<10112x128xf32, #tpu.memory_space<vmem_shared>> -> memref<520x128xf32, #tpu.memory_space<vmem_shared>>
        tpu.wait_dma2 semaphore(%run_scoped3A_62 : memref<!tpu.dma_semaphore, #tpu.memory_space<semaphore_mem>>) src(%dma_wait3A_78 : memref<520x128xf32, #tpu.memory_space<vmem_shared>>) dst(%dma_wait3A_76 : memref<520x128xf32, #tpu.memory_space<hbm>>)
        tpu.yield
      }) : () -> ()
    } else {
    }
    return
  }
}

#map = affine_map<(d0, d1) -> (0, 0)>
#map1 = affine_map<(d0, d1) -> (0, 0, 0)>
module attributes {stable_mosaic.version = 14 : i64} {
  func.func @_sc_body(%arg0: i32, %arg1: i32, %arg2: memref<10000x128xf32, #tpu.memory_space<hbm>>, %arg3: memref<4096x40xi32, #tpu.memory_space<hbm>>, %arg4: memref<4096x40xi32, #tpu.memory_space<hbm>>, %arg5: memref<2x10000x128xf32, #tpu.memory_space<hbm>>, %arg6: memref<128x40xi32, #tpu.memory_space<vmem>>, %arg7: memref<128x40xi32, #tpu.memory_space<vmem>>, %arg8: memref<40x128xf32, #tpu.memory_space<vmem>>, %arg9: memref<40x128xf32, #tpu.memory_space<vmem>>, %arg10: memref<40x128xf32, #tpu.memory_space<vmem>>, %arg11: memref<10112x128xf32, #tpu.memory_space<vmem_shared>>, %arg12: memref<!tpu.dma_semaphore, #tpu.memory_space<semaphore_mem>>, %arg13: memref<!tpu.dma_semaphore, #tpu.memory_space<semaphore_mem>>, %arg14: memref<!tpu.dma_semaphore, #tpu.memory_space<semaphore_mem>>) attributes {dimension_semantics = [#tpu.dimension_semantics<core_parallel>, #tpu.dimension_semantics<subcore_parallel>], iteration_bounds = array<i64: 2, 16>, scalar_prefetch = 0 : i64, scratch_operands = 9 : i64, tpu.core_type = #tpu.core_type<sc_vector_subcore>, window_params = [{transform_indices = #map}, {transform_indices = #map}, {transform_indices = #map}, {transform_indices = #map1}]} {
    %mul3A = arith.constant 16 : i32
    %mul3A_0 = arith.muli %arg0, %mul3A : i32
    %add3A = arith.addi %mul3A_0, %arg1 : i32
    %mul3A_1 = arith.constant 632 : i32
    %mul3A_2 = arith.muli %arg1, %mul3A_1 : i32
    %lt3A = arith.constant 15 : i32
    %lt3A_3 = arith.cmpi slt, %arg1, %lt3A : i32
    %convert_element_type3A = arith.extui %lt3A_3 : i1 to i32
    %cond3A = arith.constant 0 : i32
    %cond3A_4 = arith.cmpi ne, %convert_element_type3A, %cond3A : i32
    scf.if %cond3A_4 {
      "tpu.region"() ({
        %run_scoped3A_62 = tpu.sem_alloc : memref<!tpu.dma_semaphore, #tpu.memory_space<semaphore_mem>>
        %dma_start3A_63 = arith.constant 0 : i32
        %dma_start3A_64 = tpu.memref_slice %arg11[%mul3A_2, %dma_start3A_63] : memref<10112x128xf32, #tpu.memory_space<vmem_shared>> -> memref<632x128xf32, #tpu.memory_space<vmem_shared>>
        %dma_start3A_65 = arith.constant 0 : i32
        %dma_start3A_66 = tpu.memref_slice %arg2[%mul3A_2, %dma_start3A_65] : memref<10000x128xf32, #tpu.memory_space<hbm>> -> memref<632x128xf32, #tpu.memory_space<hbm>>
        tpu.enqueue_dma source(%dma_start3A_66 : memref<632x128xf32, #tpu.memory_space<hbm>>) target(%dma_start3A_64 : memref<632x128xf32, #tpu.memory_space<vmem_shared>>) target_semaphore(%run_scoped3A_62 : memref<!tpu.dma_semaphore, #tpu.memory_space<semaphore_mem>>)
        %dma_wait3A_67 = arith.constant 0 : i32
        %dma_wait3A_68 = tpu.memref_slice %arg11[%mul3A_2, %dma_wait3A_67] : memref<10112x128xf32, #tpu.memory_space<vmem_shared>> -> memref<632x128xf32, #tpu.memory_space<vmem_shared>>
        %dma_wait3A_69 = arith.constant 0 : i32
        %dma_wait3A_70 = tpu.memref_slice %arg2[%mul3A_2, %dma_wait3A_69] : memref<10000x128xf32, #tpu.memory_space<hbm>> -> memref<632x128xf32, #tpu.memory_space<hbm>>
        tpu.wait_dma2 semaphore(%run_scoped3A_62 : memref<!tpu.dma_semaphore, #tpu.memory_space<semaphore_mem>>) src(%dma_wait3A_70 : memref<632x128xf32, #tpu.memory_space<hbm>>) dst(%dma_wait3A_68 : memref<632x128xf32, #tpu.memory_space<vmem_shared>>)
        tpu.yield
      }) : () -> ()
    } else {
    }
    %eq3A = arith.constant 15 : i32
    %eq3A_5 = arith.cmpi eq, %arg1, %eq3A : i32
    %convert_element_type3A_6 = arith.extui %eq3A_5 : i1 to i32
    %cond3A_7 = arith.constant 0 : i32
    %cond3A_8 = arith.cmpi ne, %convert_element_type3A_6, %cond3A_7 : i32
    scf.if %cond3A_8 {
      "tpu.region"() ({
        %run_scoped3A_62 = tpu.sem_alloc : memref<!tpu.dma_semaphore, #tpu.memory_space<semaphore_mem>>
        %dma_start3A_63 = arith.constant 0 : i32
        %dma_start3A_64 = tpu.memref_slice %arg11[%mul3A_2, %dma_start3A_63] : memref<10112x128xf32, #tpu.memory_space<vmem_shared>> -> memref<520x128xf32, #tpu.memory_space<vmem_shared>>
        %dma_start3A_65 = arith.constant 0 : i32
        %dma_start3A_66 = tpu.memref_slice %arg2[%mul3A_2, %dma_start3A_65] : memref<10000x128xf32, #tpu.memory_space<hbm>> -> memref<520x128xf32, #tpu.memory_space<hbm>>
        tpu.enqueue_dma source(%dma_start3A_66 : memref<520x128xf32, #tpu.memory_space<hbm>>) target(%dma_start3A_64 : memref<520x128xf32, #tpu.memory_space<vmem_shared>>) target_semaphore(%run_scoped3A_62 : memref<!tpu.dma_semaphore, #tpu.memory_space<semaphore_mem>>)
        %dma_wait3A_67 = arith.constant 0 : i32
        %dma_wait3A_68 = tpu.memref_slice %arg11[%mul3A_2, %dma_wait3A_67] : memref<10112x128xf32, #tpu.memory_space<vmem_shared>> -> memref<520x128xf32, #tpu.memory_space<vmem_shared>>
        %dma_wait3A_69 = arith.constant 0 : i32
        %dma_wait3A_70 = tpu.memref_slice %arg2[%mul3A_2, %dma_wait3A_69] : memref<10000x128xf32, #tpu.memory_space<hbm>> -> memref<520x128xf32, #tpu.memory_space<hbm>>
        tpu.wait_dma2 semaphore(%run_scoped3A_62 : memref<!tpu.dma_semaphore, #tpu.memory_space<semaphore_mem>>) src(%dma_wait3A_70 : memref<520x128xf32, #tpu.memory_space<hbm>>) dst(%dma_wait3A_68 : memref<520x128xf32, #tpu.memory_space<vmem_shared>>)
        tpu.yield
      }) : () -> ()
    } else {
    }
    %mul3A_9 = arith.constant 128 : i32
    %mul3A_10 = arith.muli %add3A, %mul3A_9 : i32
    "tpu.region"() ({
      %run_scoped3A_62 = tpu.sem_alloc : memref<!tpu.dma_semaphore, #tpu.memory_space<semaphore_mem>>
      %dma_start3A_63 = arith.constant 0 : i32
      %dma_start3A_64 = tpu.memref_slice %arg3[%mul3A_10, %dma_start3A_63] : memref<4096x40xi32, #tpu.memory_space<hbm>> -> memref<128x40xi32, #tpu.memory_space<hbm>>
      %dma_start3A_65 = arith.constant 0 : i32
      %dma_start3A_66 = tpu.memref_slice %arg3[%mul3A_10, %dma_start3A_65] : memref<4096x40xi32, #tpu.memory_space<hbm>> -> memref<128x40xi32, #tpu.memory_space<hbm>>
      tpu.enqueue_dma source(%dma_start3A_66 : memref<128x40xi32, #tpu.memory_space<hbm>>) target(%arg6 : memref<128x40xi32, #tpu.memory_space<vmem>>) target_semaphore(%run_scoped3A_62 : memref<!tpu.dma_semaphore, #tpu.memory_space<semaphore_mem>>)
      %dma_wait3A_67 = arith.constant 0 : i32
      %dma_wait3A_68 = tpu.memref_slice %arg3[%mul3A_10, %dma_wait3A_67] : memref<4096x40xi32, #tpu.memory_space<hbm>> -> memref<128x40xi32, #tpu.memory_space<hbm>>
      %dma_wait3A_69 = arith.constant 0 : i32
      %dma_wait3A_70 = tpu.memref_slice %arg3[%mul3A_10, %dma_wait3A_69] : memref<4096x40xi32, #tpu.memory_space<hbm>> -> memref<128x40xi32, #tpu.memory_space<hbm>>
      tpu.wait_dma2 semaphore(%run_scoped3A_62 : memref<!tpu.dma_semaphore, #tpu.memory_space<semaphore_mem>>) src(%dma_wait3A_70 : memref<128x40xi32, #tpu.memory_space<hbm>>) dst(%arg6 : memref<128x40xi32, #tpu.memory_space<vmem>>)
      tpu.yield
    }) : () -> ()
    %mul3A_11 = arith.constant 128 : i32
    %mul3A_12 = arith.muli %add3A, %mul3A_11 : i32
    "tpu.region"() ({
      %run_scoped3A_62 = tpu.sem_alloc : memref<!tpu.dma_semaphore, #tpu.memory_space<semaphore_mem>>
      %dma_start3A_63 = arith.constant 0 : i32
      %dma_start3A_64 = tpu.memref_slice %arg4[%mul3A_12, %dma_start3A_63] : memref<4096x40xi32, #tpu.memory_space<hbm>> -> memref<128x40xi32, #tpu.memory_space<hbm>>
      %dma_start3A_65 = arith.constant 0 : i32
      %dma_start3A_66 = tpu.memref_slice %arg4[%mul3A_12, %dma_start3A_65] : memref<4096x40xi32, #tpu.memory_space<hbm>> -> memref<128x40xi32, #tpu.memory_space<hbm>>
      tpu.enqueue_dma source(%dma_start3A_66 : memref<128x40xi32, #tpu.memory_space<hbm>>) target(%arg7 : memref<128x40xi32, #tpu.memory_space<vmem>>) target_semaphore(%run_scoped3A_62 : memref<!tpu.dma_semaphore, #tpu.memory_space<semaphore_mem>>)
      %dma_wait3A_67 = arith.constant 0 : i32
      %dma_wait3A_68 = tpu.memref_slice %arg4[%mul3A_12, %dma_wait3A_67] : memref<4096x40xi32, #tpu.memory_space<hbm>> -> memref<128x40xi32, #tpu.memory_space<hbm>>
      %dma_wait3A_69 = arith.constant 0 : i32
      %dma_wait3A_70 = tpu.memref_slice %arg4[%mul3A_12, %dma_wait3A_69] : memref<4096x40xi32, #tpu.memory_space<hbm>> -> memref<128x40xi32, #tpu.memory_space<hbm>>
      tpu.wait_dma2 semaphore(%run_scoped3A_62 : memref<!tpu.dma_semaphore, #tpu.memory_space<semaphore_mem>>) src(%dma_wait3A_70 : memref<128x40xi32, #tpu.memory_space<hbm>>) dst(%arg7 : memref<128x40xi32, #tpu.memory_space<vmem>>)
      tpu.yield
    }) : () -> ()
    %barrier3A = arith.constant 0 : index
    tpu.barrier barrier_id(%barrier3A)
    %dma_start3A = arith.constant 0 : i32
    %dma_start3A_13 = arith.constant 0 : i32
    %dma_start3A_14 = tpu.memref_slice %arg6[%dma_start3A, %dma_start3A_13] : memref<128x40xi32, #tpu.memory_space<vmem>> -> memref<1x40xi32, #tpu.memory_space<vmem>>
    %dma_start3A_15 = tpu.memref_squeeze %dma_start3A_14 : memref<1x40xi32, #tpu.memory_space<vmem>> -> memref<40xi32, #tpu.memory_space<vmem>>
    %dma_start3A_16 = arith.constant 0 : i32
    %dma_start3A_17 = arith.constant 0 : i32
    %dma_start3A_18 = tpu.memref_slice %arg2[%dma_start3A_16, %dma_start3A_17] : memref<10000x128xf32, #tpu.memory_space<hbm>> -> memref<10000x128xf32, #tpu.memory_space<hbm>>
    tpu.enqueue_indirect_dma source(%dma_start3A_18 : memref<10000x128xf32, #tpu.memory_space<hbm>>) target(%arg8 : memref<40x128xf32, #tpu.memory_space<vmem>>) offsets(%dma_start3A_15 : memref<40xi32, #tpu.memory_space<vmem>>) semaphore(%arg12 : memref<!tpu.dma_semaphore, #tpu.memory_space<semaphore_mem>>)
    %dma_start3A_19 = arith.constant 1 : i32
    %dma_start3A_20 = arith.constant 0 : i32
    %dma_start3A_21 = tpu.memref_slice %arg6[%dma_start3A_19, %dma_start3A_20] : memref<128x40xi32, #tpu.memory_space<vmem>> -> memref<1x40xi32, #tpu.memory_space<vmem>>
    %dma_start3A_22 = tpu.memref_squeeze %dma_start3A_21 : memref<1x40xi32, #tpu.memory_space<vmem>> -> memref<40xi32, #tpu.memory_space<vmem>>
    %dma_start3A_23 = arith.constant 0 : i32
    %dma_start3A_24 = arith.constant 0 : i32
    %dma_start3A_25 = tpu.memref_slice %arg2[%dma_start3A_23, %dma_start3A_24] : memref<10000x128xf32, #tpu.memory_space<hbm>> -> memref<10000x128xf32, #tpu.memory_space<hbm>>
    tpu.enqueue_indirect_dma source(%dma_start3A_25 : memref<10000x128xf32, #tpu.memory_space<hbm>>) target(%arg9 : memref<40x128xf32, #tpu.memory_space<vmem>>) offsets(%dma_start3A_22 : memref<40xi32, #tpu.memory_space<vmem>>) semaphore(%arg13 : memref<!tpu.dma_semaphore, #tpu.memory_space<semaphore_mem>>)
    %dma_start3A_26 = arith.constant 2 : i32
    %dma_start3A_27 = arith.constant 0 : i32
    %dma_start3A_28 = tpu.memref_slice %arg6[%dma_start3A_26, %dma_start3A_27] : memref<128x40xi32, #tpu.memory_space<vmem>> -> memref<1x40xi32, #tpu.memory_space<vmem>>
    %dma_start3A_29 = tpu.memref_squeeze %dma_start3A_28 : memref<1x40xi32, #tpu.memory_space<vmem>> -> memref<40xi32, #tpu.memory_space<vmem>>
    %dma_start3A_30 = arith.constant 0 : i32
    %dma_start3A_31 = arith.constant 0 : i32
    %dma_start3A_32 = tpu.memref_slice %arg2[%dma_start3A_30, %dma_start3A_31] : memref<10000x128xf32, #tpu.memory_space<hbm>> -> memref<10000x128xf32, #tpu.memory_space<hbm>>
    tpu.enqueue_indirect_dma source(%dma_start3A_32 : memref<10000x128xf32, #tpu.memory_space<hbm>>) target(%arg10 : memref<40x128xf32, #tpu.memory_space<vmem>>) offsets(%dma_start3A_29 : memref<40xi32, #tpu.memory_space<vmem>>) semaphore(%arg14 : memref<!tpu.dma_semaphore, #tpu.memory_space<semaphore_mem>>)
    %scan3A = arith.constant 0 : i32
    %scan3A_33 = arith.constant 42 : i32
    %scan3A_34 = arith.addi %scan3A, %scan3A_33 : i32
    %scan3A_35 = arith.constant 1 : i32
    scf.for %scan3A_62 = %scan3A to %scan3A_34 step %scan3A_35  : i32 {
      %mul3A_63 = arith.constant 3 : i32
      %mul3A_64 = arith.muli %scan3A_62, %mul3A_63 : i32
      %add3A_65 = arith.constant 0 : i32
      %add3A_66 = arith.addi %add3A_65, %mul3A_64 : i32
      %add3A_67 = arith.constant 0 : i32
      %add3A_68 = arith.addi %add3A_66, %add3A_67 : i32
      %dma_wait3A_69 = arith.constant 0 : i32
      %dma_wait3A_70 = tpu.memref_slice %arg6[%add3A_68, %dma_wait3A_69] : memref<128x40xi32, #tpu.memory_space<vmem>> -> memref<1x40xi32, #tpu.memory_space<vmem>>
      %dma_wait3A_71 = tpu.memref_squeeze %dma_wait3A_70 : memref<1x40xi32, #tpu.memory_space<vmem>> -> memref<40xi32, #tpu.memory_space<vmem>>
      %dma_wait3A_72 = arith.constant 0 : i32
      %dma_wait3A_73 = arith.constant 0 : i32
      %dma_wait3A_74 = tpu.memref_slice %arg2[%dma_wait3A_72, %dma_wait3A_73] : memref<10000x128xf32, #tpu.memory_space<hbm>> -> memref<10000x128xf32, #tpu.memory_space<hbm>>
      tpu.wait_indirect_dma semaphore(%arg12 : memref<!tpu.dma_semaphore, #tpu.memory_space<semaphore_mem>>) src(%dma_wait3A_74 : memref<10000x128xf32, #tpu.memory_space<hbm>>) dst(%arg8 : memref<40x128xf32, #tpu.memory_space<vmem>>)
      %add3A_75 = arith.constant 0 : i32
      %add3A_76 = arith.addi %add3A_66, %add3A_75 : i32
      "tpu.region"() ({
        %run_scoped3A_124 = tpu.sem_alloc : memref<!tpu.dma_semaphore, #tpu.memory_space<semaphore_mem>>
        %dma_start3A_125 = arith.constant 0 : i32
        %dma_start3A_126 = tpu.memref_slice %arg7[%add3A_76, %dma_start3A_125] : memref<128x40xi32, #tpu.memory_space<vmem>> -> memref<1x40xi32, #tpu.memory_space<vmem>>
        %dma_start3A_127 = tpu.memref_squeeze %dma_start3A_126 : memref<1x40xi32, #tpu.memory_space<vmem>> -> memref<40xi32, #tpu.memory_space<vmem>>
        %dma_start3A_128 = arith.constant 0 : i32
        %dma_start3A_129 = arith.constant 0 : i32
        %dma_start3A_130 = tpu.memref_slice %arg11[%dma_start3A_128, %dma_start3A_129] : memref<10112x128xf32, #tpu.memory_space<vmem_shared>> -> memref<10112x128xf32, #tpu.memory_space<vmem_shared>>
        tpu.enqueue_indirect_dma source(%arg8 : memref<40x128xf32, #tpu.memory_space<vmem>>) target(%dma_start3A_130 : memref<10112x128xf32, #tpu.memory_space<vmem_shared>>) offsets(%dma_start3A_127 : memref<40xi32, #tpu.memory_space<vmem>>) semaphore(%run_scoped3A_124 : memref<!tpu.dma_semaphore, #tpu.memory_space<semaphore_mem>>) {add = true}
        %dma_wait3A_131 = arith.constant 0 : i32
        %dma_wait3A_132 = tpu.memref_slice %arg7[%add3A_76, %dma_wait3A_131] : memref<128x40xi32, #tpu.memory_space<vmem>> -> memref<1x40xi32, #tpu.memory_space<vmem>>
        %dma_wait3A_133 = tpu.memref_squeeze %dma_wait3A_132 : memref<1x40xi32, #tpu.memory_space<vmem>> -> memref<40xi32, #tpu.memory_space<vmem>>
        %dma_wait3A_134 = arith.constant 0 : i32
        %dma_wait3A_135 = arith.constant 0 : i32
        %dma_wait3A_136 = tpu.memref_slice %arg11[%dma_wait3A_134, %dma_wait3A_135] : memref<10112x128xf32, #tpu.memory_space<vmem_shared>> -> memref<10112x128xf32, #tpu.memory_space<vmem_shared>>
        tpu.wait_indirect_dma semaphore(%run_scoped3A_124 : memref<!tpu.dma_semaphore, #tpu.memory_space<semaphore_mem>>) src(%arg8 : memref<40x128xf32, #tpu.memory_space<vmem>>) dst(%dma_wait3A_136 : memref<10112x128xf32, #tpu.memory_space<vmem_shared>>)
        tpu.yield
      }) : () -> ()
      %add3A_77 = arith.constant 0 : i32
      %add3A_78 = arith.addi %add3A_66, %add3A_77 : i32
      %add3A_79 = arith.constant 3 : i32
      %add3A_80 = arith.addi %add3A_78, %add3A_79 : i32
      %lt3A_81 = arith.constant 128 : i32
      %lt3A_82 = arith.cmpi slt, %add3A_80, %lt3A_81 : i32
      %convert_element_type3A_83 = arith.extui %lt3A_82 : i1 to i32
      %cond3A_84 = arith.constant 0 : i32
      %cond3A_85 = arith.cmpi ne, %convert_element_type3A_83, %cond3A_84 : i32
      scf.if %cond3A_85 {
        %add3A_124 = arith.constant 0 : i32
        %add3A_125 = arith.addi %add3A_66, %add3A_124 : i32
        %add3A_126 = arith.constant 3 : i32
        %add3A_127 = arith.addi %add3A_125, %add3A_126 : i32
        %dma_start3A_128 = arith.constant 0 : i32
        %dma_start3A_129 = tpu.memref_slice %arg6[%add3A_127, %dma_start3A_128] : memref<128x40xi32, #tpu.memory_space<vmem>> -> memref<1x40xi32, #tpu.memory_space<vmem>>
        %dma_start3A_130 = tpu.memref_squeeze %dma_start3A_129 : memref<1x40xi32, #tpu.memory_space<vmem>> -> memref<40xi32, #tpu.memory_space<vmem>>
        %dma_start3A_131 = arith.constant 0 : i32
        %dma_start3A_132 = arith.constant 0 : i32
        %dma_start3A_133 = tpu.memref_slice %arg2[%dma_start3A_131, %dma_start3A_132] : memref<10000x128xf32, #tpu.memory_space<hbm>> -> memref<10000x128xf32, #tpu.memory_space<hbm>>
        tpu.enqueue_indirect_dma source(%dma_start3A_133 : memref<10000x128xf32, #tpu.memory_space<hbm>>) target(%arg8 : memref<40x128xf32, #tpu.memory_space<vmem>>) offsets(%dma_start3A_130 : memref<40xi32, #tpu.memory_space<vmem>>) semaphore(%arg12 : memref<!tpu.dma_semaphore, #tpu.memory_space<semaphore_mem>>)
      } else {
      }
      %add3A_86 = arith.constant 1 : i32
      %add3A_87 = arith.addi %add3A_66, %add3A_86 : i32
      %dma_wait3A_88 = arith.constant 0 : i32
      %dma_wait3A_89 = tpu.memref_slice %arg6[%add3A_87, %dma_wait3A_88] : memref<128x40xi32, #tpu.memory_space<vmem>> -> memref<1x40xi32, #tpu.memory_space<vmem>>
      %dma_wait3A_90 = tpu.memref_squeeze %dma_wait3A_89 : memref<1x40xi32, #tpu.memory_space<vmem>> -> memref<40xi32, #tpu.memory_space<vmem>>
      %dma_wait3A_91 = arith.constant 0 : i32
      %dma_wait3A_92 = arith.constant 0 : i32
      %dma_wait3A_93 = tpu.memref_slice %arg2[%dma_wait3A_91, %dma_wait3A_92] : memref<10000x128xf32, #tpu.memory_space<hbm>> -> memref<10000x128xf32, #tpu.memory_space<hbm>>
      tpu.wait_indirect_dma semaphore(%arg13 : memref<!tpu.dma_semaphore, #tpu.memory_space<semaphore_mem>>) src(%dma_wait3A_93 : memref<10000x128xf32, #tpu.memory_space<hbm>>) dst(%arg9 : memref<40x128xf32, #tpu.memory_space<vmem>>)
      %add3A_94 = arith.constant 1 : i32
      %add3A_95 = arith.addi %add3A_66, %add3A_94 : i32
      "tpu.region"() ({
        %run_scoped3A_124 = tpu.sem_alloc : memref<!tpu.dma_semaphore, #tpu.memory_space<semaphore_mem>>
        %dma_start3A_125 = arith.constant 0 : i32
        %dma_start3A_126 = tpu.memref_slice %arg7[%add3A_95, %dma_start3A_125] : memref<128x40xi32, #tpu.memory_space<vmem>> -> memref<1x40xi32, #tpu.memory_space<vmem>>
        %dma_start3A_127 = tpu.memref_squeeze %dma_start3A_126 : memref<1x40xi32, #tpu.memory_space<vmem>> -> memref<40xi32, #tpu.memory_space<vmem>>
        %dma_start3A_128 = arith.constant 0 : i32
        %dma_start3A_129 = arith.constant 0 : i32
        %dma_start3A_130 = tpu.memref_slice %arg11[%dma_start3A_128, %dma_start3A_129] : memref<10112x128xf32, #tpu.memory_space<vmem_shared>> -> memref<10112x128xf32, #tpu.memory_space<vmem_shared>>
        tpu.enqueue_indirect_dma source(%arg9 : memref<40x128xf32, #tpu.memory_space<vmem>>) target(%dma_start3A_130 : memref<10112x128xf32, #tpu.memory_space<vmem_shared>>) offsets(%dma_start3A_127 : memref<40xi32, #tpu.memory_space<vmem>>) semaphore(%run_scoped3A_124 : memref<!tpu.dma_semaphore, #tpu.memory_space<semaphore_mem>>) {add = true}
        %dma_wait3A_131 = arith.constant 0 : i32
        %dma_wait3A_132 = tpu.memref_slice %arg7[%add3A_95, %dma_wait3A_131] : memref<128x40xi32, #tpu.memory_space<vmem>> -> memref<1x40xi32, #tpu.memory_space<vmem>>
        %dma_wait3A_133 = tpu.memref_squeeze %dma_wait3A_132 : memref<1x40xi32, #tpu.memory_space<vmem>> -> memref<40xi32, #tpu.memory_space<vmem>>
        %dma_wait3A_134 = arith.constant 0 : i32
        %dma_wait3A_135 = arith.constant 0 : i32
        %dma_wait3A_136 = tpu.memref_slice %arg11[%dma_wait3A_134, %dma_wait3A_135] : memref<10112x128xf32, #tpu.memory_space<vmem_shared>> -> memref<10112x128xf32, #tpu.memory_space<vmem_shared>>
        tpu.wait_indirect_dma semaphore(%run_scoped3A_124 : memref<!tpu.dma_semaphore, #tpu.memory_space<semaphore_mem>>) src(%arg9 : memref<40x128xf32, #tpu.memory_space<vmem>>) dst(%dma_wait3A_136 : memref<10112x128xf32, #tpu.memory_space<vmem_shared>>)
        tpu.yield
      }) : () -> ()
      %add3A_96 = arith.constant 1 : i32
      %add3A_97 = arith.addi %add3A_66, %add3A_96 : i32
      %add3A_98 = arith.constant 3 : i32
      %add3A_99 = arith.addi %add3A_97, %add3A_98 : i32
      %lt3A_100 = arith.constant 128 : i32
      %lt3A_101 = arith.cmpi slt, %add3A_99, %lt3A_100 : i32
      %convert_element_type3A_102 = arith.extui %lt3A_101 : i1 to i32
      %cond3A_103 = arith.constant 0 : i32
      %cond3A_104 = arith.cmpi ne, %convert_element_type3A_102, %cond3A_103 : i32
      scf.if %cond3A_104 {
        %add3A_124 = arith.constant 1 : i32
        %add3A_125 = arith.addi %add3A_66, %add3A_124 : i32
        %add3A_126 = arith.constant 3 : i32
        %add3A_127 = arith.addi %add3A_125, %add3A_126 : i32
        %dma_start3A_128 = arith.constant 0 : i32
        %dma_start3A_129 = tpu.memref_slice %arg6[%add3A_127, %dma_start3A_128] : memref<128x40xi32, #tpu.memory_space<vmem>> -> memref<1x40xi32, #tpu.memory_space<vmem>>
        %dma_start3A_130 = tpu.memref_squeeze %dma_start3A_129 : memref<1x40xi32, #tpu.memory_space<vmem>> -> memref<40xi32, #tpu.memory_space<vmem>>
        %dma_start3A_131 = arith.constant 0 : i32
        %dma_start3A_132 = arith.constant 0 : i32
        %dma_start3A_133 = tpu.memref_slice %arg2[%dma_start3A_131, %dma_start3A_132] : memref<10000x128xf32, #tpu.memory_space<hbm>> -> memref<10000x128xf32, #tpu.memory_space<hbm>>
        tpu.enqueue_indirect_dma source(%dma_start3A_133 : memref<10000x128xf32, #tpu.memory_space<hbm>>) target(%arg9 : memref<40x128xf32, #tpu.memory_space<vmem>>) offsets(%dma_start3A_130 : memref<40xi32, #tpu.memory_space<vmem>>) semaphore(%arg13 : memref<!tpu.dma_semaphore, #tpu.memory_space<semaphore_mem>>)
      } else {
      }
      %add3A_105 = arith.constant 2 : i32
      %add3A_106 = arith.addi %add3A_66, %add3A_105 : i32
      %dma_wait3A_107 = arith.constant 0 : i32
      %dma_wait3A_108 = tpu.memref_slice %arg6[%add3A_106, %dma_wait3A_107] : memref<128x40xi32, #tpu.memory_space<vmem>> -> memref<1x40xi32, #tpu.memory_space<vmem>>
      %dma_wait3A_109 = tpu.memref_squeeze %dma_wait3A_108 : memref<1x40xi32, #tpu.memory_space<vmem>> -> memref<40xi32, #tpu.memory_space<vmem>>
      %dma_wait3A_110 = arith.constant 0 : i32
      %dma_wait3A_111 = arith.constant 0 : i32
      %dma_wait3A_112 = tpu.memref_slice %arg2[%dma_wait3A_110, %dma_wait3A_111] : memref<10000x128xf32, #tpu.memory_space<hbm>> -> memref<10000x128xf32, #tpu.memory_space<hbm>>
      tpu.wait_indirect_dma semaphore(%arg14 : memref<!tpu.dma_semaphore, #tpu.memory_space<semaphore_mem>>) src(%dma_wait3A_112 : memref<10000x128xf32, #tpu.memory_space<hbm>>) dst(%arg10 : memref<40x128xf32, #tpu.memory_space<vmem>>)
      %add3A_113 = arith.constant 2 : i32
      %add3A_114 = arith.addi %add3A_66, %add3A_113 : i32
      "tpu.region"() ({
        %run_scoped3A_124 = tpu.sem_alloc : memref<!tpu.dma_semaphore, #tpu.memory_space<semaphore_mem>>
        %dma_start3A_125 = arith.constant 0 : i32
        %dma_start3A_126 = tpu.memref_slice %arg7[%add3A_114, %dma_start3A_125] : memref<128x40xi32, #tpu.memory_space<vmem>> -> memref<1x40xi32, #tpu.memory_space<vmem>>
        %dma_start3A_127 = tpu.memref_squeeze %dma_start3A_126 : memref<1x40xi32, #tpu.memory_space<vmem>> -> memref<40xi32, #tpu.memory_space<vmem>>
        %dma_start3A_128 = arith.constant 0 : i32
        %dma_start3A_129 = arith.constant 0 : i32
        %dma_start3A_130 = tpu.memref_slice %arg11[%dma_start3A_128, %dma_start3A_129] : memref<10112x128xf32, #tpu.memory_space<vmem_shared>> -> memref<10112x128xf32, #tpu.memory_space<vmem_shared>>
        tpu.enqueue_indirect_dma source(%arg10 : memref<40x128xf32, #tpu.memory_space<vmem>>) target(%dma_start3A_130 : memref<10112x128xf32, #tpu.memory_space<vmem_shared>>) offsets(%dma_start3A_127 : memref<40xi32, #tpu.memory_space<vmem>>) semaphore(%run_scoped3A_124 : memref<!tpu.dma_semaphore, #tpu.memory_space<semaphore_mem>>) {add = true}
        %dma_wait3A_131 = arith.constant 0 : i32
        %dma_wait3A_132 = tpu.memref_slice %arg7[%add3A_114, %dma_wait3A_131] : memref<128x40xi32, #tpu.memory_space<vmem>> -> memref<1x40xi32, #tpu.memory_space<vmem>>
        %dma_wait3A_133 = tpu.memref_squeeze %dma_wait3A_132 : memref<1x40xi32, #tpu.memory_space<vmem>> -> memref<40xi32, #tpu.memory_space<vmem>>
        %dma_wait3A_134 = arith.constant 0 : i32
        %dma_wait3A_135 = arith.constant 0 : i32
        %dma_wait3A_136 = tpu.memref_slice %arg11[%dma_wait3A_134, %dma_wait3A_135] : memref<10112x128xf32, #tpu.memory_space<vmem_shared>> -> memref<10112x128xf32, #tpu.memory_space<vmem_shared>>
        tpu.wait_indirect_dma semaphore(%run_scoped3A_124 : memref<!tpu.dma_semaphore, #tpu.memory_space<semaphore_mem>>) src(%arg10 : memref<40x128xf32, #tpu.memory_space<vmem>>) dst(%dma_wait3A_136 : memref<10112x128xf32, #tpu.memory_space<vmem_shared>>)
        tpu.yield
      }) : () -> ()
      %add3A_115 = arith.constant 2 : i32
      %add3A_116 = arith.addi %add3A_66, %add3A_115 : i32
      %add3A_117 = arith.constant 3 : i32
      %add3A_118 = arith.addi %add3A_116, %add3A_117 : i32
      %lt3A_119 = arith.constant 128 : i32
      %lt3A_120 = arith.cmpi slt, %add3A_118, %lt3A_119 : i32
      %convert_element_type3A_121 = arith.extui %lt3A_120 : i1 to i32
      %cond3A_122 = arith.constant 0 : i32
      %cond3A_123 = arith.cmpi ne, %convert_element_type3A_121, %cond3A_122 : i32
      scf.if %cond3A_123 {
        %add3A_124 = arith.constant 2 : i32
        %add3A_125 = arith.addi %add3A_66, %add3A_124 : i32
        %add3A_126 = arith.constant 3 : i32
        %add3A_127 = arith.addi %add3A_125, %add3A_126 : i32
        %dma_start3A_128 = arith.constant 0 : i32
        %dma_start3A_129 = tpu.memref_slice %arg6[%add3A_127, %dma_start3A_128] : memref<128x40xi32, #tpu.memory_space<vmem>> -> memref<1x40xi32, #tpu.memory_space<vmem>>
        %dma_start3A_130 = tpu.memref_squeeze %dma_start3A_129 : memref<1x40xi32, #tpu.memory_space<vmem>> -> memref<40xi32, #tpu.memory_space<vmem>>
        %dma_start3A_131 = arith.constant 0 : i32
        %dma_start3A_132 = arith.constant 0 : i32
        %dma_start3A_133 = tpu.memref_slice %arg2[%dma_start3A_131, %dma_start3A_132] : memref<10000x128xf32, #tpu.memory_space<hbm>> -> memref<10000x128xf32, #tpu.memory_space<hbm>>
        tpu.enqueue_indirect_dma source(%dma_start3A_133 : memref<10000x128xf32, #tpu.memory_space<hbm>>) target(%arg10 : memref<40x128xf32, #tpu.memory_space<vmem>>) offsets(%dma_start3A_130 : memref<40xi32, #tpu.memory_space<vmem>>) semaphore(%arg14 : memref<!tpu.dma_semaphore, #tpu.memory_space<semaphore_mem>>)
      } else {
      }
    }
    %scan3A_36 = arith.constant 42 : i32
    %dma_wait3A = arith.constant 126 : i32
    %dma_wait3A_37 = arith.constant 0 : i32
    %dma_wait3A_38 = tpu.memref_slice %arg6[%dma_wait3A, %dma_wait3A_37] : memref<128x40xi32, #tpu.memory_space<vmem>> -> memref<1x40xi32, #tpu.memory_space<vmem>>
    %dma_wait3A_39 = tpu.memref_squeeze %dma_wait3A_38 : memref<1x40xi32, #tpu.memory_space<vmem>> -> memref<40xi32, #tpu.memory_space<vmem>>
    %dma_wait3A_40 = arith.constant 0 : i32
    %dma_wait3A_41 = arith.constant 0 : i32
    %dma_wait3A_42 = tpu.memref_slice %arg2[%dma_wait3A_40, %dma_wait3A_41] : memref<10000x128xf32, #tpu.memory_space<hbm>> -> memref<10000x128xf32, #tpu.memory_space<hbm>>
    tpu.wait_indirect_dma semaphore(%arg12 : memref<!tpu.dma_semaphore, #tpu.memory_space<semaphore_mem>>) src(%dma_wait3A_42 : memref<10000x128xf32, #tpu.memory_space<hbm>>) dst(%arg8 : memref<40x128xf32, #tpu.memory_space<vmem>>)
    %run_scoped3A = arith.constant 126 : i32
    "tpu.region"() ({
      %run_scoped3A_62 = tpu.sem_alloc : memref<!tpu.dma_semaphore, #tpu.memory_space<semaphore_mem>>
      %dma_start3A_63 = arith.constant 0 : i32
      %dma_start3A_64 = tpu.memref_slice %arg7[%run_scoped3A, %dma_start3A_63] : memref<128x40xi32, #tpu.memory_space<vmem>> -> memref<1x40xi32, #tpu.memory_space<vmem>>
      %dma_start3A_65 = tpu.memref_squeeze %dma_start3A_64 : memref<1x40xi32, #tpu.memory_space<vmem>> -> memref<40xi32, #tpu.memory_space<vmem>>
      %dma_start3A_66 = arith.constant 0 : i32
      %dma_start3A_67 = arith.constant 0 : i32
      %dma_start3A_68 = tpu.memref_slice %arg11[%dma_start3A_66, %dma_start3A_67] : memref<10112x128xf32, #tpu.memory_space<vmem_shared>> -> memref<10112x128xf32, #tpu.memory_space<vmem_shared>>
      tpu.enqueue_indirect_dma source(%arg8 : memref<40x128xf32, #tpu.memory_space<vmem>>) target(%dma_start3A_68 : memref<10112x128xf32, #tpu.memory_space<vmem_shared>>) offsets(%dma_start3A_65 : memref<40xi32, #tpu.memory_space<vmem>>) semaphore(%run_scoped3A_62 : memref<!tpu.dma_semaphore, #tpu.memory_space<semaphore_mem>>) {add = true}
      %dma_wait3A_69 = arith.constant 0 : i32
      %dma_wait3A_70 = tpu.memref_slice %arg7[%run_scoped3A, %dma_wait3A_69] : memref<128x40xi32, #tpu.memory_space<vmem>> -> memref<1x40xi32, #tpu.memory_space<vmem>>
      %dma_wait3A_71 = tpu.memref_squeeze %dma_wait3A_70 : memref<1x40xi32, #tpu.memory_space<vmem>> -> memref<40xi32, #tpu.memory_space<vmem>>
      %dma_wait3A_72 = arith.constant 0 : i32
      %dma_wait3A_73 = arith.constant 0 : i32
      %dma_wait3A_74 = tpu.memref_slice %arg11[%dma_wait3A_72, %dma_wait3A_73] : memref<10112x128xf32, #tpu.memory_space<vmem_shared>> -> memref<10112x128xf32, #tpu.memory_space<vmem_shared>>
      tpu.wait_indirect_dma semaphore(%run_scoped3A_62 : memref<!tpu.dma_semaphore, #tpu.memory_space<semaphore_mem>>) src(%arg8 : memref<40x128xf32, #tpu.memory_space<vmem>>) dst(%dma_wait3A_74 : memref<10112x128xf32, #tpu.memory_space<vmem_shared>>)
      tpu.yield
    }) : () -> ()
    %dma_wait3A_43 = arith.constant 127 : i32
    %dma_wait3A_44 = arith.constant 0 : i32
    %dma_wait3A_45 = tpu.memref_slice %arg6[%dma_wait3A_43, %dma_wait3A_44] : memref<128x40xi32, #tpu.memory_space<vmem>> -> memref<1x40xi32, #tpu.memory_space<vmem>>
    %dma_wait3A_46 = tpu.memref_squeeze %dma_wait3A_45 : memref<1x40xi32, #tpu.memory_space<vmem>> -> memref<40xi32, #tpu.memory_space<vmem>>
    %dma_wait3A_47 = arith.constant 0 : i32
    %dma_wait3A_48 = arith.constant 0 : i32
    %dma_wait3A_49 = tpu.memref_slice %arg2[%dma_wait3A_47, %dma_wait3A_48] : memref<10000x128xf32, #tpu.memory_space<hbm>> -> memref<10000x128xf32, #tpu.memory_space<hbm>>
    tpu.wait_indirect_dma semaphore(%arg13 : memref<!tpu.dma_semaphore, #tpu.memory_space<semaphore_mem>>) src(%dma_wait3A_49 : memref<10000x128xf32, #tpu.memory_space<hbm>>) dst(%arg9 : memref<40x128xf32, #tpu.memory_space<vmem>>)
    %run_scoped3A_50 = arith.constant 127 : i32
    "tpu.region"() ({
      %run_scoped3A_62 = tpu.sem_alloc : memref<!tpu.dma_semaphore, #tpu.memory_space<semaphore_mem>>
      %dma_start3A_63 = arith.constant 0 : i32
      %dma_start3A_64 = tpu.memref_slice %arg7[%run_scoped3A_50, %dma_start3A_63] : memref<128x40xi32, #tpu.memory_space<vmem>> -> memref<1x40xi32, #tpu.memory_space<vmem>>
      %dma_start3A_65 = tpu.memref_squeeze %dma_start3A_64 : memref<1x40xi32, #tpu.memory_space<vmem>> -> memref<40xi32, #tpu.memory_space<vmem>>
      %dma_start3A_66 = arith.constant 0 : i32
      %dma_start3A_67 = arith.constant 0 : i32
      %dma_start3A_68 = tpu.memref_slice %arg11[%dma_start3A_66, %dma_start3A_67] : memref<10112x128xf32, #tpu.memory_space<vmem_shared>> -> memref<10112x128xf32, #tpu.memory_space<vmem_shared>>
      tpu.enqueue_indirect_dma source(%arg9 : memref<40x128xf32, #tpu.memory_space<vmem>>) target(%dma_start3A_68 : memref<10112x128xf32, #tpu.memory_space<vmem_shared>>) offsets(%dma_start3A_65 : memref<40xi32, #tpu.memory_space<vmem>>) semaphore(%run_scoped3A_62 : memref<!tpu.dma_semaphore, #tpu.memory_space<semaphore_mem>>) {add = true}
      %dma_wait3A_69 = arith.constant 0 : i32
      %dma_wait3A_70 = tpu.memref_slice %arg7[%run_scoped3A_50, %dma_wait3A_69] : memref<128x40xi32, #tpu.memory_space<vmem>> -> memref<1x40xi32, #tpu.memory_space<vmem>>
      %dma_wait3A_71 = tpu.memref_squeeze %dma_wait3A_70 : memref<1x40xi32, #tpu.memory_space<vmem>> -> memref<40xi32, #tpu.memory_space<vmem>>
      %dma_wait3A_72 = arith.constant 0 : i32
      %dma_wait3A_73 = arith.constant 0 : i32
      %dma_wait3A_74 = tpu.memref_slice %arg11[%dma_wait3A_72, %dma_wait3A_73] : memref<10112x128xf32, #tpu.memory_space<vmem_shared>> -> memref<10112x128xf32, #tpu.memory_space<vmem_shared>>
      tpu.wait_indirect_dma semaphore(%run_scoped3A_62 : memref<!tpu.dma_semaphore, #tpu.memory_space<semaphore_mem>>) src(%arg9 : memref<40x128xf32, #tpu.memory_space<vmem>>) dst(%dma_wait3A_74 : memref<10112x128xf32, #tpu.memory_space<vmem_shared>>)
      tpu.yield
    }) : () -> ()
    %barrier3A_51 = arith.constant 0 : index
    tpu.barrier barrier_id(%barrier3A_51)
    %lt3A_52 = arith.constant 15 : i32
    %lt3A_53 = arith.cmpi slt, %arg1, %lt3A_52 : i32
    %convert_element_type3A_54 = arith.extui %lt3A_53 : i1 to i32
    %cond3A_55 = arith.constant 0 : i32
    %cond3A_56 = arith.cmpi ne, %convert_element_type3A_54, %cond3A_55 : i32
    scf.if %cond3A_56 {
      "tpu.region"() ({
        %run_scoped3A_62 = tpu.sem_alloc : memref<!tpu.dma_semaphore, #tpu.memory_space<semaphore_mem>>
        %dma_start3A_63 = arith.constant 0 : i32
        %dma_start3A_64 = arith.constant 0 : i32
        %dma_start3A_65 = tpu.memref_slice %arg5[%arg0, %dma_start3A_63, %dma_start3A_64] : memref<2x10000x128xf32, #tpu.memory_space<hbm>> -> memref<1x10000x128xf32, #tpu.memory_space<hbm>>
        %dma_start3A_66 = tpu.memref_squeeze %dma_start3A_65 : memref<1x10000x128xf32, #tpu.memory_space<hbm>> -> memref<10000x128xf32, #tpu.memory_space<hbm>>
        %dma_start3A_67 = arith.constant 0 : i32
        %dma_start3A_68 = tpu.memref_slice %dma_start3A_66[%mul3A_2, %dma_start3A_67] : memref<10000x128xf32, #tpu.memory_space<hbm>> -> memref<632x128xf32, #tpu.memory_space<hbm>>
        %dma_start3A_69 = arith.constant 0 : i32
        %dma_start3A_70 = tpu.memref_slice %arg11[%mul3A_2, %dma_start3A_69] : memref<10112x128xf32, #tpu.memory_space<vmem_shared>> -> memref<632x128xf32, #tpu.memory_space<vmem_shared>>
        tpu.enqueue_dma source(%dma_start3A_70 : memref<632x128xf32, #tpu.memory_space<vmem_shared>>) target(%dma_start3A_68 : memref<632x128xf32, #tpu.memory_space<hbm>>) target_semaphore(%run_scoped3A_62 : memref<!tpu.dma_semaphore, #tpu.memory_space<semaphore_mem>>)
        %dma_wait3A_71 = arith.constant 0 : i32
        %dma_wait3A_72 = arith.constant 0 : i32
        %dma_wait3A_73 = tpu.memref_slice %arg5[%arg0, %dma_wait3A_71, %dma_wait3A_72] : memref<2x10000x128xf32, #tpu.memory_space<hbm>> -> memref<1x10000x128xf32, #tpu.memory_space<hbm>>
        %dma_wait3A_74 = tpu.memref_squeeze %dma_wait3A_73 : memref<1x10000x128xf32, #tpu.memory_space<hbm>> -> memref<10000x128xf32, #tpu.memory_space<hbm>>
        %dma_wait3A_75 = arith.constant 0 : i32
        %dma_wait3A_76 = tpu.memref_slice %dma_wait3A_74[%mul3A_2, %dma_wait3A_75] : memref<10000x128xf32, #tpu.memory_space<hbm>> -> memref<632x128xf32, #tpu.memory_space<hbm>>
        %dma_wait3A_77 = arith.constant 0 : i32
        %dma_wait3A_78 = tpu.memref_slice %arg11[%mul3A_2, %dma_wait3A_77] : memref<10112x128xf32, #tpu.memory_space<vmem_shared>> -> memref<632x128xf32, #tpu.memory_space<vmem_shared>>
        tpu.wait_dma2 semaphore(%run_scoped3A_62 : memref<!tpu.dma_semaphore, #tpu.memory_space<semaphore_mem>>) src(%dma_wait3A_78 : memref<632x128xf32, #tpu.memory_space<vmem_shared>>) dst(%dma_wait3A_76 : memref<632x128xf32, #tpu.memory_space<hbm>>)
        tpu.yield
      }) : () -> ()
    } else {
    }
    %eq3A_57 = arith.constant 15 : i32
    %eq3A_58 = arith.cmpi eq, %arg1, %eq3A_57 : i32
    %convert_element_type3A_59 = arith.extui %eq3A_58 : i1 to i32
    %cond3A_60 = arith.constant 0 : i32
    %cond3A_61 = arith.cmpi ne, %convert_element_type3A_59, %cond3A_60 : i32
    scf.if %cond3A_61 {
      "tpu.region"() ({
        %run_scoped3A_62 = tpu.sem_alloc : memref<!tpu.dma_semaphore, #tpu.memory_space<semaphore_mem>>
        %dma_start3A_63 = arith.constant 0 : i32
        %dma_start3A_64 = arith.constant 0 : i32
        %dma_start3A_65 = tpu.memref_slice %arg5[%arg0, %dma_start3A_63, %dma_start3A_64] : memref<2x10000x128xf32, #tpu.memory_space<hbm>> -> memref<1x10000x128xf32, #tpu.memory_space<hbm>>
        %dma_start3A_66 = tpu.memref_squeeze %dma_start3A_65 : memref<1x10000x128xf32, #tpu.memory_space<hbm>> -> memref<10000x128xf32, #tpu.memory_space<hbm>>
        %dma_start3A_67 = arith.constant 0 : i32
        %dma_start3A_68 = tpu.memref_slice %dma_start3A_66[%mul3A_2, %dma_start3A_67] : memref<10000x128xf32, #tpu.memory_space<hbm>> -> memref<520x128xf32, #tpu.memory_space<hbm>>
        %dma_start3A_69 = arith.constant 0 : i32
        %dma_start3A_70 = tpu.memref_slice %arg11[%mul3A_2, %dma_start3A_69] : memref<10112x128xf32, #tpu.memory_space<vmem_shared>> -> memref<520x128xf32, #tpu.memory_space<vmem_shared>>
        tpu.enqueue_dma source(%dma_start3A_70 : memref<520x128xf32, #tpu.memory_space<vmem_shared>>) target(%dma_start3A_68 : memref<520x128xf32, #tpu.memory_space<hbm>>) target_semaphore(%run_scoped3A_62 : memref<!tpu.dma_semaphore, #tpu.memory_space<semaphore_mem>>)
        %dma_wait3A_71 = arith.constant 0 : i32
        %dma_wait3A_72 = arith.constant 0 : i32
        %dma_wait3A_73 = tpu.memref_slice %arg5[%arg0, %dma_wait3A_71, %dma_wait3A_72] : memref<2x10000x128xf32, #tpu.memory_space<hbm>> -> memref<1x10000x128xf32, #tpu.memory_space<hbm>>
        %dma_wait3A_74 = tpu.memref_squeeze %dma_wait3A_73 : memref<1x10000x128xf32, #tpu.memory_space<hbm>> -> memref<10000x128xf32, #tpu.memory_space<hbm>>
        %dma_wait3A_75 = arith.constant 0 : i32
        %dma_wait3A_76 = tpu.memref_slice %dma_wait3A_74[%mul3A_2, %dma_wait3A_75] : memref<10000x128xf32, #tpu.memory_space<hbm>> -> memref<520x128xf32, #tpu.memory_space<hbm>>
        %dma_wait3A_77 = arith.constant 0 : i32
        %dma_wait3A_78 = tpu.memref_slice %arg11[%mul3A_2, %dma_wait3A_77] : memref<10112x128xf32, #tpu.memory_space<vmem_shared>> -> memref<520x128xf32, #tpu.memory_space<vmem_shared>>
        tpu.wait_dma2 semaphore(%run_scoped3A_62 : memref<!tpu.dma_semaphore, #tpu.memory_space<semaphore_mem>>) src(%dma_wait3A_78 : memref<520x128xf32, #tpu.memory_space<vmem_shared>>) dst(%dma_wait3A_76 : memref<520x128xf32, #tpu.memory_space<hbm>>)
        tpu.yield
      }) : () -> ()
    } else {
    }
    return
  }
}

module attributes {stable_mosaic.version = 14 : i64} {
  func.func @_pre_body(%arg0: i32, %arg1: memref<2000x256xf32, #tpu.memory_space<vmem>>, %arg2: memref<2x256xf32, #tpu.memory_space<vmem>>, %arg3: memref<256x128xf32, #tpu.memory_space<vmem>>, %arg4: memref<2000x128xf32, #tpu.memory_space<vmem>>) attributes {dimension_semantics = [#tpu.dimension_semantics<arbitrary>], iteration_bounds = array<i64: 5>, scalar_prefetch = 0 : i64, scratch_operands = 0 : i64, tpu.core_type = #tpu.core_type<tc>, window_params = [{transform_indices = @transform_0, window_bounds = array<i64: 2000, 256>}, {pipeline_mode = #tpu.pipeline_mode<synchronous>, transform_indices = @transform_1, window_bounds = array<i64: 2, 256>}, {pipeline_mode = #tpu.pipeline_mode<synchronous>, transform_indices = @transform_2, window_bounds = array<i64: 256, 128>}, {transform_indices = @transform_3, window_bounds = array<i64: 2000, 128>}]} {
    %get3A = arith.constant 0 : index
    %get3A_0 = arith.constant 0 : index
    %get3A_1 = vector.load %arg1[%get3A, %get3A_0] : memref<2000x256xf32, #tpu.memory_space<vmem>>, vector<2000x256xf32>
    %get3A_2 = arith.constant 0 : index
    %get3A_3 = arith.constant 0 : index
    %get3A_4 = vector.load %arg2[%get3A_2, %get3A_3] : memref<2x256xf32, #tpu.memory_space<vmem>>, vector<1x256xf32>
    %get3A_5 = arith.constant 1 : index
    %get3A_6 = arith.constant 0 : index
    %get3A_7 = vector.load %arg2[%get3A_5, %get3A_6] : memref<2x256xf32, #tpu.memory_space<vmem>>, vector<1x256xf32>
    %reduce_sum3A = arith.constant dense<0.000000e+00> : vector<2000xf32>
    %reduce_sum3A_8 = vector.multi_reduction <add>, %get3A_1, %reduce_sum3A [1] : vector<2000x256xf32> to vector<2000xf32>
    %broadcast_in_dim3A = vector.shape_cast %reduce_sum3A_8 : vector<2000xf32> to vector<2000x1xf32>
    %div3A = arith.constant 2.560000e+02 : f32
    %div3A_9 = vector.broadcast %div3A : f32 to vector<2000x1xf32>
    %div3A_10 = arith.divf %broadcast_in_dim3A, %div3A_9 : vector<2000x1xf32>
    %sub3A = vector.broadcast %div3A_10 : vector<2000x1xf32> to vector<2000x256xf32>
    %sub3A_11 = arith.subf %get3A_1, %sub3A : vector<2000x256xf32>
    %mul3A = arith.mulf %sub3A_11, %sub3A_11 : vector<2000x256xf32>
    %reduce_sum3A_12 = arith.constant dense<0.000000e+00> : vector<2000xf32>
    %reduce_sum3A_13 = vector.multi_reduction <add>, %mul3A, %reduce_sum3A_12 [1] : vector<2000x256xf32> to vector<2000xf32>
    %broadcast_in_dim3A_14 = vector.shape_cast %reduce_sum3A_13 : vector<2000xf32> to vector<2000x1xf32>
    %div3A_15 = arith.constant 2.560000e+02 : f32
    %div3A_16 = vector.broadcast %div3A_15 : f32 to vector<2000x1xf32>
    %div3A_17 = arith.divf %broadcast_in_dim3A_14, %div3A_16 : vector<2000x1xf32>
    %add3A = arith.constant 9.99999974E-6 : f32
    %add3A_18 = vector.broadcast %add3A : f32 to vector<2000x1xf32>
    %add3A_19 = arith.addf %div3A_17, %add3A_18 : vector<2000x1xf32>
    %rsqrt3A = math.rsqrt %add3A_19 : vector<2000x1xf32>
    %mul3A_20 = vector.broadcast %rsqrt3A : vector<2000x1xf32> to vector<2000x256xf32>
    %mul3A_21 = arith.mulf %sub3A_11, %mul3A_20 : vector<2000x256xf32>
    %mul3A_22 = vector.broadcast %get3A_4 : vector<1x256xf32> to vector<2000x256xf32>
    %mul3A_23 = arith.mulf %mul3A_21, %mul3A_22 : vector<2000x256xf32>
    %add3A_24 = vector.broadcast %get3A_7 : vector<1x256xf32> to vector<2000x256xf32>
    %add3A_25 = arith.addf %mul3A_23, %add3A_24 : vector<2000x256xf32>
    %get3A_26 = arith.constant 0 : index
    %get3A_27 = arith.constant 0 : index
    %get3A_28 = vector.load %arg3[%get3A_26, %get3A_27] : memref<256x128xf32, #tpu.memory_space<vmem>>, vector<256x128xf32>
    %dot_general3A = arith.constant dense<0.000000e+00> : vector<2000x128xf32>
    %dot_general3A_29 = tpu.matmul %add3A_25, %get3A_28, %dot_general3A {dimension_numbers = #tpu.dot_dimension_numbers<[1], [0], [0], [1], [0, 0, 1, 1], [], []>, transpose_lhs_hint = false} : vector<2000x256xf32>, vector<256x128xf32>, vector<2000x128xf32> -> vector<2000x128xf32>
    %swap3A = arith.constant 0 : index
    %swap3A_30 = arith.constant 0 : index
    %swap3A_31 = vector.load %arg4[%swap3A, %swap3A_30] : memref<2000x128xf32, #tpu.memory_space<vmem>>, vector<2000x128xf32>
    tpu.vector_store %arg4[%swap3A, %swap3A_30], %dot_general3A_29 {strides = array<i32>} : memref<2000x128xf32, #tpu.memory_space<vmem>>, vector<2000x128xf32>,
    return
  }
  func.func @transform_0(%arg0: i32) -> (i32, i32) {
    %c0_i32 = arith.constant 0 : i32
    %c0_i32_0 = arith.constant 0 : i32
    return %arg0, %c0_i32 : i32, i32
  }
  func.func @transform_1(%arg0: i32) -> (i32, i32) {
    %c0_i32 = arith.constant 0 : i32
    %c0_i32_0 = arith.constant 0 : i32
    %c0_i32_1 = arith.constant 0 : i32
    return %c0_i32, %c0_i32_0 : i32, i32
  }
  func.func @transform_2(%arg0: i32) -> (i32, i32) {
    %c0_i32 = arith.constant 0 : i32
    %c0_i32_0 = arith.constant 0 : i32
    %c0_i32_1 = arith.constant 0 : i32
    return %c0_i32, %c0_i32_0 : i32, i32
  }
  func.func @transform_3(%arg0: i32) -> (i32, i32) {
    %c0_i32 = arith.constant 0 : i32
    %c0_i32_0 = arith.constant 0 : i32
    return %arg0, %c0_i32 : i32, i32
  }
}

module attributes {stable_mosaic.version = 14 : i64} {
  func.func @_post_body(%arg0: i32, %arg1: memref<2x2000x128xf32, #tpu.memory_space<vmem>>, %arg2: memref<2000x128xf32, #tpu.memory_space<vmem>>, %arg3: memref<8x128xf32, #tpu.memory_space<vmem>>, %arg4: memref<128x128xf32, #tpu.memory_space<vmem>>, %arg5: memref<128x128xf32, #tpu.memory_space<vmem>>, %arg6: memref<2000x128xf32, #tpu.memory_space<vmem>>, %arg7: memref<2000x128xf32, #tpu.memory_space<vmem>>, %arg8: memref<2000x128xf32, #tpu.memory_space<vmem>>) attributes {dimension_semantics = [#tpu.dimension_semantics<arbitrary>], iteration_bounds = array<i64: 5>, scalar_prefetch = 0 : i64, scratch_operands = 0 : i64, tpu.core_type = #tpu.core_type<tc>, window_params = [{transform_indices = @transform_0, window_bounds = array<i64: 2, 2000, 128>}, {transform_indices = @transform_1, window_bounds = array<i64: 2000, 128>}, {pipeline_mode = #tpu.pipeline_mode<synchronous>, transform_indices = @transform_2, window_bounds = array<i64: 8, 128>}, {pipeline_mode = #tpu.pipeline_mode<synchronous>, transform_indices = @transform_3, window_bounds = array<i64: 128, 128>}, {pipeline_mode = #tpu.pipeline_mode<synchronous>, transform_indices = @transform_4, window_bounds = array<i64: 128, 128>}, {transform_indices = @transform_5, window_bounds = array<i64: 2000, 128>}, {transform_indices = @transform_6, window_bounds = array<i64: 2000, 128>}, {transform_indices = @transform_7, window_bounds = array<i64: 2000, 128>}]} {
    %get3A = arith.constant 0 : index
    %get3A_0 = arith.constant 0 : index
    %get3A_1 = arith.constant 0 : index
    %get3A_2 = vector.load %arg1[%get3A, %get3A_0, %get3A_1] : memref<2x2000x128xf32, #tpu.memory_space<vmem>>, vector<2x2000x128xf32>
    %slice3A = vector.extract_strided_slice %get3A_2 {offsets = [0, 0, 0], sizes = [1, 2000, 128], strides = [1, 1, 1]} : vector<2x2000x128xf32> to vector<1x2000x128xf32>
    %squeeze3A = vector.shape_cast %slice3A : vector<1x2000x128xf32> to vector<2000x128xf32>
    %slice3A_3 = vector.extract_strided_slice %get3A_2 {offsets = [1, 0, 0], sizes = [1, 2000, 128], strides = [1, 1, 1]} : vector<2x2000x128xf32> to vector<1x2000x128xf32>
    %squeeze3A_4 = vector.shape_cast %slice3A_3 : vector<1x2000x128xf32> to vector<2000x128xf32>
    %add3A = arith.addf %squeeze3A, %squeeze3A_4 : vector<2000x128xf32>
    %get3A_5 = arith.constant 0 : index
    %get3A_6 = arith.constant 0 : index
    %get3A_7 = vector.load %arg2[%get3A_5, %get3A_6] : memref<2000x128xf32, #tpu.memory_space<vmem>>, vector<2000x128xf32>
    %sub3A = arith.subf %add3A, %get3A_7 : vector<2000x128xf32>
    %get3A_8 = arith.constant 0 : index
    %get3A_9 = arith.constant 0 : index
    %get3A_10 = vector.load %arg3[%get3A_8, %get3A_9] : memref<8x128xf32, #tpu.memory_space<vmem>>, vector<1x128xf32>
    %add3A_11 = vector.broadcast %get3A_10 : vector<1x128xf32> to vector<2000x128xf32>
    %add3A_12 = arith.addf %sub3A, %add3A_11 : vector<2000x128xf32>
    %get3A_13 = arith.constant 1 : index
    %get3A_14 = arith.constant 0 : index
    %get3A_15 = vector.load %arg3[%get3A_13, %get3A_14] : memref<8x128xf32, #tpu.memory_space<vmem>>, vector<1x128xf32>
    %get3A_16 = arith.constant 2 : index
    %get3A_17 = arith.constant 0 : index
    %get3A_18 = vector.load %arg3[%get3A_16, %get3A_17] : memref<8x128xf32, #tpu.memory_space<vmem>>, vector<1x128xf32>
    %reduce_sum3A = arith.constant dense<0.000000e+00> : vector<2000xf32>
    %reduce_sum3A_19 = vector.multi_reduction <add>, %add3A_12, %reduce_sum3A [1] : vector<2000x128xf32> to vector<2000xf32>
    %broadcast_in_dim3A = vector.shape_cast %reduce_sum3A_19 : vector<2000xf32> to vector<2000x1xf32>
    %div3A = arith.constant 1.280000e+02 : f32
    %div3A_20 = vector.broadcast %div3A : f32 to vector<2000x1xf32>
    %div3A_21 = arith.divf %broadcast_in_dim3A, %div3A_20 : vector<2000x1xf32>
    %sub3A_22 = vector.broadcast %div3A_21 : vector<2000x1xf32> to vector<2000x128xf32>
    %sub3A_23 = arith.subf %add3A_12, %sub3A_22 : vector<2000x128xf32>
    %mul3A = arith.mulf %sub3A_23, %sub3A_23 : vector<2000x128xf32>
    %reduce_sum3A_24 = arith.constant dense<0.000000e+00> : vector<2000xf32>
    %reduce_sum3A_25 = vector.multi_reduction <add>, %mul3A, %reduce_sum3A_24 [1] : vector<2000x128xf32> to vector<2000xf32>
    %broadcast_in_dim3A_26 = vector.shape_cast %reduce_sum3A_25 : vector<2000xf32> to vector<2000x1xf32>
    %div3A_27 = arith.constant 1.280000e+02 : f32
    %div3A_28 = vector.broadcast %div3A_27 : f32 to vector<2000x1xf32>
    %div3A_29 = arith.divf %broadcast_in_dim3A_26, %div3A_28 : vector<2000x1xf32>
    %add3A_30 = arith.constant 9.99999974E-6 : f32
    %add3A_31 = vector.broadcast %add3A_30 : f32 to vector<2000x1xf32>
    %add3A_32 = arith.addf %div3A_29, %add3A_31 : vector<2000x1xf32>
    %rsqrt3A = math.rsqrt %add3A_32 : vector<2000x1xf32>
    %mul3A_33 = vector.broadcast %rsqrt3A : vector<2000x1xf32> to vector<2000x128xf32>
    %mul3A_34 = arith.mulf %sub3A_23, %mul3A_33 : vector<2000x128xf32>
    %mul3A_35 = vector.broadcast %get3A_15 : vector<1x128xf32> to vector<2000x128xf32>
    %mul3A_36 = arith.mulf %mul3A_34, %mul3A_35 : vector<2000x128xf32>
    %add3A_37 = vector.broadcast %get3A_18 : vector<1x128xf32> to vector<2000x128xf32>
    %add3A_38 = arith.addf %mul3A_36, %add3A_37 : vector<2000x128xf32>
    %max3A = arith.constant 0.000000e+00 : f32
    %max3A_39 = vector.broadcast %max3A : f32 to vector<2000x128xf32>
    %max3A_40 = arith.maximumf %add3A_38, %max3A_39 : vector<2000x128xf32>
    %get3A_41 = arith.constant 0 : index
    %get3A_42 = arith.constant 0 : index
    %get3A_43 = vector.load %arg4[%get3A_41, %get3A_42] : memref<128x128xf32, #tpu.memory_space<vmem>>, vector<128x128xf32>
    %dot_general3A = arith.constant dense<0.000000e+00> : vector<2000x128xf32>
    %dot_general3A_44 = tpu.matmul %max3A_40, %get3A_43, %dot_general3A {dimension_numbers = #tpu.dot_dimension_numbers<[1], [0], [0], [1], [0, 0, 1, 1], [], []>, transpose_lhs_hint = false} : vector<2000x128xf32>, vector<128x128xf32>, vector<2000x128xf32> -> vector<2000x128xf32>
    %get3A_45 = arith.constant 3 : index
    %get3A_46 = arith.constant 0 : index
    %get3A_47 = vector.load %arg3[%get3A_45, %get3A_46] : memref<8x128xf32, #tpu.memory_space<vmem>>, vector<1x128xf32>
    %add3A_48 = vector.broadcast %get3A_47 : vector<1x128xf32> to vector<2000x128xf32>
    %add3A_49 = arith.addf %dot_general3A_44, %add3A_48 : vector<2000x128xf32>
    %get3A_50 = arith.constant 4 : index
    %get3A_51 = arith.constant 0 : index
    %get3A_52 = vector.load %arg3[%get3A_50, %get3A_51] : memref<8x128xf32, #tpu.memory_space<vmem>>, vector<1x128xf32>
    %get3A_53 = arith.constant 5 : index
    %get3A_54 = arith.constant 0 : index
    %get3A_55 = vector.load %arg3[%get3A_53, %get3A_54] : memref<8x128xf32, #tpu.memory_space<vmem>>, vector<1x128xf32>
    %reduce_sum3A_56 = arith.constant dense<0.000000e+00> : vector<2000xf32>
    %reduce_sum3A_57 = vector.multi_reduction <add>, %add3A_49, %reduce_sum3A_56 [1] : vector<2000x128xf32> to vector<2000xf32>
    %broadcast_in_dim3A_58 = vector.shape_cast %reduce_sum3A_57 : vector<2000xf32> to vector<2000x1xf32>
    %div3A_59 = arith.constant 1.280000e+02 : f32
    %div3A_60 = vector.broadcast %div3A_59 : f32 to vector<2000x1xf32>
    %div3A_61 = arith.divf %broadcast_in_dim3A_58, %div3A_60 : vector<2000x1xf32>
    %sub3A_62 = vector.broadcast %div3A_61 : vector<2000x1xf32> to vector<2000x128xf32>
    %sub3A_63 = arith.subf %add3A_49, %sub3A_62 : vector<2000x128xf32>
    %mul3A_64 = arith.mulf %sub3A_63, %sub3A_63 : vector<2000x128xf32>
    %reduce_sum3A_65 = arith.constant dense<0.000000e+00> : vector<2000xf32>
    %reduce_sum3A_66 = vector.multi_reduction <add>, %mul3A_64, %reduce_sum3A_65 [1] : vector<2000x128xf32> to vector<2000xf32>
    %broadcast_in_dim3A_67 = vector.shape_cast %reduce_sum3A_66 : vector<2000xf32> to vector<2000x1xf32>
    %div3A_68 = arith.constant 1.280000e+02 : f32
    %div3A_69 = vector.broadcast %div3A_68 : f32 to vector<2000x1xf32>
    %div3A_70 = arith.divf %broadcast_in_dim3A_67, %div3A_69 : vector<2000x1xf32>
    %add3A_71 = arith.constant 9.99999974E-6 : f32
    %add3A_72 = vector.broadcast %add3A_71 : f32 to vector<2000x1xf32>
    %add3A_73 = arith.addf %div3A_70, %add3A_72 : vector<2000x1xf32>
    %rsqrt3A_74 = math.rsqrt %add3A_73 : vector<2000x1xf32>
    %mul3A_75 = vector.broadcast %rsqrt3A_74 : vector<2000x1xf32> to vector<2000x128xf32>
    %mul3A_76 = arith.mulf %sub3A_63, %mul3A_75 : vector<2000x128xf32>
    %mul3A_77 = vector.broadcast %get3A_52 : vector<1x128xf32> to vector<2000x128xf32>
    %mul3A_78 = arith.mulf %mul3A_76, %mul3A_77 : vector<2000x128xf32>
    %add3A_79 = vector.broadcast %get3A_55 : vector<1x128xf32> to vector<2000x128xf32>
    %add3A_80 = arith.addf %mul3A_78, %add3A_79 : vector<2000x128xf32>
    %max3A_81 = arith.constant 0.000000e+00 : f32
    %max3A_82 = vector.broadcast %max3A_81 : f32 to vector<2000x128xf32>
    %max3A_83 = arith.maximumf %add3A_80, %max3A_82 : vector<2000x128xf32>
    %get3A_84 = arith.constant 6 : index
    %get3A_85 = arith.constant 0 : index
    %get3A_86 = vector.load %arg3[%get3A_84, %get3A_85] : memref<8x128xf32, #tpu.memory_space<vmem>>, vector<1x128xf32>
    %get3A_87 = arith.constant 7 : index
    %get3A_88 = arith.constant 0 : index
    %get3A_89 = vector.load %arg3[%get3A_87, %get3A_88] : memref<8x128xf32, #tpu.memory_space<vmem>>, vector<1x128xf32>
    %reduce_sum3A_90 = arith.constant dense<0.000000e+00> : vector<2000xf32>
    %reduce_sum3A_91 = vector.multi_reduction <add>, %max3A_83, %reduce_sum3A_90 [1] : vector<2000x128xf32> to vector<2000xf32>
    %broadcast_in_dim3A_92 = vector.shape_cast %reduce_sum3A_91 : vector<2000xf32> to vector<2000x1xf32>
    %div3A_93 = arith.constant 1.280000e+02 : f32
    %div3A_94 = vector.broadcast %div3A_93 : f32 to vector<2000x1xf32>
    %div3A_95 = arith.divf %broadcast_in_dim3A_92, %div3A_94 : vector<2000x1xf32>
    %sub3A_96 = vector.broadcast %div3A_95 : vector<2000x1xf32> to vector<2000x128xf32>
    %sub3A_97 = arith.subf %max3A_83, %sub3A_96 : vector<2000x128xf32>
    %mul3A_98 = arith.mulf %sub3A_97, %sub3A_97 : vector<2000x128xf32>
    %reduce_sum3A_99 = arith.constant dense<0.000000e+00> : vector<2000xf32>
    %reduce_sum3A_100 = vector.multi_reduction <add>, %mul3A_98, %reduce_sum3A_99 [1] : vector<2000x128xf32> to vector<2000xf32>
    %broadcast_in_dim3A_101 = vector.shape_cast %reduce_sum3A_100 : vector<2000xf32> to vector<2000x1xf32>
    %div3A_102 = arith.constant 1.280000e+02 : f32
    %div3A_103 = vector.broadcast %div3A_102 : f32 to vector<2000x1xf32>
    %div3A_104 = arith.divf %broadcast_in_dim3A_101, %div3A_103 : vector<2000x1xf32>
    %add3A_105 = arith.constant 9.99999974E-6 : f32
    %add3A_106 = vector.broadcast %add3A_105 : f32 to vector<2000x1xf32>
    %add3A_107 = arith.addf %div3A_104, %add3A_106 : vector<2000x1xf32>
    %rsqrt3A_108 = math.rsqrt %add3A_107 : vector<2000x1xf32>
    %mul3A_109 = vector.broadcast %rsqrt3A_108 : vector<2000x1xf32> to vector<2000x128xf32>
    %mul3A_110 = arith.mulf %sub3A_97, %mul3A_109 : vector<2000x128xf32>
    %mul3A_111 = vector.broadcast %get3A_86 : vector<1x128xf32> to vector<2000x128xf32>
    %mul3A_112 = arith.mulf %mul3A_110, %mul3A_111 : vector<2000x128xf32>
    %add3A_113 = vector.broadcast %get3A_89 : vector<1x128xf32> to vector<2000x128xf32>
    %add3A_114 = arith.addf %mul3A_112, %add3A_113 : vector<2000x128xf32>
    %max3A_115 = arith.constant 0.000000e+00 : f32
    %max3A_116 = vector.broadcast %max3A_115 : f32 to vector<2000x128xf32>
    %max3A_117 = arith.maximumf %add3A_114, %max3A_116 : vector<2000x128xf32>
    %swap3A = arith.constant 0 : index
    %swap3A_118 = arith.constant 0 : index
    %swap3A_119 = vector.load %arg7[%swap3A, %swap3A_118] : memref<2000x128xf32, #tpu.memory_space<vmem>>, vector<2000x128xf32>
    tpu.vector_store %arg7[%swap3A, %swap3A_118], %max3A_117 {strides = array<i32>} : memref<2000x128xf32, #tpu.memory_space<vmem>>, vector<2000x128xf32>,
    %get3A_120 = arith.constant 0 : index
    %get3A_121 = arith.constant 0 : index
    %get3A_122 = vector.load %arg5[%get3A_120, %get3A_121] : memref<128x128xf32, #tpu.memory_space<vmem>>, vector<128x128xf32>
    %dot_general3A_123 = arith.constant dense<0.000000e+00> : vector<2000x128xf32>
    %dot_general3A_124 = tpu.matmul %max3A_117, %get3A_122, %dot_general3A_123 {dimension_numbers = #tpu.dot_dimension_numbers<[1], [0], [0], [1], [0, 0, 1, 1], [], []>, transpose_lhs_hint = false} : vector<2000x128xf32>, vector<128x128xf32>, vector<2000x128xf32> -> vector<2000x128xf32>
    %swap3A_125 = arith.constant 0 : index
    %swap3A_126 = arith.constant 0 : index
    %swap3A_127 = vector.load %arg8[%swap3A_125, %swap3A_126] : memref<2000x128xf32, #tpu.memory_space<vmem>>, vector<2000x128xf32>
    tpu.vector_store %arg8[%swap3A_125, %swap3A_126], %dot_general3A_124 {strides = array<i32>} : memref<2000x128xf32, #tpu.memory_space<vmem>>, vector<2000x128xf32>,
    return
  }
  func.func @transform_0(%arg0: i32) -> (i32, i32, i32) {
    %c0_i32 = arith.constant 0 : i32
    %c0_i32_0 = arith.constant 0 : i32
    %c0_i32_1 = arith.constant 0 : i32
    return %c0_i32, %arg0, %c0_i32_0 : i32, i32, i32
  }
  func.func @transform_1(%arg0: i32) -> (i32, i32) {
    %c0_i32 = arith.constant 0 : i32
    %c0_i32_0 = arith.constant 0 : i32
    return %arg0, %c0_i32 : i32, i32
  }
  func.func @transform_2(%arg0: i32) -> (i32, i32) {
    %c0_i32 = arith.constant 0 : i32
    %c0_i32_0 = arith.constant 0 : i32
    %c0_i32_1 = arith.constant 0 : i32
    return %c0_i32, %c0_i32_0 : i32, i32
  }
  func.func @transform_3(%arg0: i32) -> (i32, i32) {
    %c0_i32 = arith.constant 0 : i32
    %c0_i32_0 = arith.constant 0 : i32
    %c0_i32_1 = arith.constant 0 : i32
    return %c0_i32, %c0_i32_0 : i32, i32
  }
  func.func @transform_4(%arg0: i32) -> (i32, i32) {
    %c0_i32 = arith.constant 0 : i32
    %c0_i32_0 = arith.constant 0 : i32
    %c0_i32_1 = arith.constant 0 : i32
    return %c0_i32, %c0_i32_0 : i32, i32
  }
  func.func @transform_5(%arg0: i32) -> (i32, i32) {
    %c0_i32 = arith.constant 0 : i32
    %c0_i32_0 = arith.constant 0 : i32
    return %arg0, %c0_i32 : i32, i32
  }
  func.func @transform_6(%arg0: i32) -> (i32, i32) {
    %c0_i32 = arith.constant 0 : i32
    %c0_i32_0 = arith.constant 0 : i32
    return %arg0, %c0_i32 : i32, i32
  }
  func.func @transform_7(%arg0: i32) -> (i32, i32) {
    %c0_i32 = arith.constant 0 : i32
    %c0_i32_0 = arith.constant 0 : i32
    return %arg0, %c0_i32 : i32, i32
  }
}

module attributes {stable_mosaic.version = 14 : i64} {
  func.func @_post_body(%arg0: i32, %arg1: memref<2x2000x128xf32, #tpu.memory_space<vmem>>, %arg2: memref<2000x128xf32, #tpu.memory_space<vmem>>, %arg3: memref<8x128xf32, #tpu.memory_space<vmem>>, %arg4: memref<128x128xf32, #tpu.memory_space<vmem>>, %arg5: memref<128x128xf32, #tpu.memory_space<vmem>>, %arg6: memref<2000x128xf32, #tpu.memory_space<vmem>>, %arg7: memref<2000x128xf32, #tpu.memory_space<vmem>>, %arg8: memref<2000x128xf32, #tpu.memory_space<vmem>>) attributes {dimension_semantics = [#tpu.dimension_semantics<arbitrary>], iteration_bounds = array<i64: 5>, scalar_prefetch = 0 : i64, scratch_operands = 0 : i64, tpu.core_type = #tpu.core_type<tc>, window_params = [{transform_indices = @transform_0, window_bounds = array<i64: 2, 2000, 128>}, {transform_indices = @transform_1, window_bounds = array<i64: 2000, 128>}, {pipeline_mode = #tpu.pipeline_mode<synchronous>, transform_indices = @transform_2, window_bounds = array<i64: 8, 128>}, {pipeline_mode = #tpu.pipeline_mode<synchronous>, transform_indices = @transform_3, window_bounds = array<i64: 128, 128>}, {pipeline_mode = #tpu.pipeline_mode<synchronous>, transform_indices = @transform_4, window_bounds = array<i64: 128, 128>}, {transform_indices = @transform_5, window_bounds = array<i64: 2000, 128>}, {transform_indices = @transform_6, window_bounds = array<i64: 2000, 128>}, {transform_indices = @transform_7, window_bounds = array<i64: 2000, 128>}]} {
    %get3A = arith.constant 0 : index
    %get3A_0 = arith.constant 0 : index
    %get3A_1 = arith.constant 0 : index
    %get3A_2 = vector.load %arg1[%get3A, %get3A_0, %get3A_1] : memref<2x2000x128xf32, #tpu.memory_space<vmem>>, vector<2x2000x128xf32>
    %slice3A = vector.extract_strided_slice %get3A_2 {offsets = [0, 0, 0], sizes = [1, 2000, 128], strides = [1, 1, 1]} : vector<2x2000x128xf32> to vector<1x2000x128xf32>
    %squeeze3A = vector.shape_cast %slice3A : vector<1x2000x128xf32> to vector<2000x128xf32>
    %slice3A_3 = vector.extract_strided_slice %get3A_2 {offsets = [1, 0, 0], sizes = [1, 2000, 128], strides = [1, 1, 1]} : vector<2x2000x128xf32> to vector<1x2000x128xf32>
    %squeeze3A_4 = vector.shape_cast %slice3A_3 : vector<1x2000x128xf32> to vector<2000x128xf32>
    %add3A = arith.addf %squeeze3A, %squeeze3A_4 : vector<2000x128xf32>
    %get3A_5 = arith.constant 0 : index
    %get3A_6 = arith.constant 0 : index
    %get3A_7 = vector.load %arg2[%get3A_5, %get3A_6] : memref<2000x128xf32, #tpu.memory_space<vmem>>, vector<2000x128xf32>
    %sub3A = arith.subf %add3A, %get3A_7 : vector<2000x128xf32>
    %get3A_8 = arith.constant 0 : index
    %get3A_9 = arith.constant 0 : index
    %get3A_10 = vector.load %arg3[%get3A_8, %get3A_9] : memref<8x128xf32, #tpu.memory_space<vmem>>, vector<1x128xf32>
    %add3A_11 = vector.broadcast %get3A_10 : vector<1x128xf32> to vector<2000x128xf32>
    %add3A_12 = arith.addf %sub3A, %add3A_11 : vector<2000x128xf32>
    %get3A_13 = arith.constant 1 : index
    %get3A_14 = arith.constant 0 : index
    %get3A_15 = vector.load %arg3[%get3A_13, %get3A_14] : memref<8x128xf32, #tpu.memory_space<vmem>>, vector<1x128xf32>
    %get3A_16 = arith.constant 2 : index
    %get3A_17 = arith.constant 0 : index
    %get3A_18 = vector.load %arg3[%get3A_16, %get3A_17] : memref<8x128xf32, #tpu.memory_space<vmem>>, vector<1x128xf32>
    %reduce_sum3A = arith.constant dense<0.000000e+00> : vector<2000xf32>
    %reduce_sum3A_19 = vector.multi_reduction <add>, %add3A_12, %reduce_sum3A [1] : vector<2000x128xf32> to vector<2000xf32>
    %broadcast_in_dim3A = vector.shape_cast %reduce_sum3A_19 : vector<2000xf32> to vector<2000x1xf32>
    %div3A = arith.constant 1.280000e+02 : f32
    %div3A_20 = vector.broadcast %div3A : f32 to vector<2000x1xf32>
    %div3A_21 = arith.divf %broadcast_in_dim3A, %div3A_20 : vector<2000x1xf32>
    %sub3A_22 = vector.broadcast %div3A_21 : vector<2000x1xf32> to vector<2000x128xf32>
    %sub3A_23 = arith.subf %add3A_12, %sub3A_22 : vector<2000x128xf32>
    %mul3A = arith.mulf %sub3A_23, %sub3A_23 : vector<2000x128xf32>
    %reduce_sum3A_24 = arith.constant dense<0.000000e+00> : vector<2000xf32>
    %reduce_sum3A_25 = vector.multi_reduction <add>, %mul3A, %reduce_sum3A_24 [1] : vector<2000x128xf32> to vector<2000xf32>
    %broadcast_in_dim3A_26 = vector.shape_cast %reduce_sum3A_25 : vector<2000xf32> to vector<2000x1xf32>
    %div3A_27 = arith.constant 1.280000e+02 : f32
    %div3A_28 = vector.broadcast %div3A_27 : f32 to vector<2000x1xf32>
    %div3A_29 = arith.divf %broadcast_in_dim3A_26, %div3A_28 : vector<2000x1xf32>
    %add3A_30 = arith.constant 9.99999974E-6 : f32
    %add3A_31 = vector.broadcast %add3A_30 : f32 to vector<2000x1xf32>
    %add3A_32 = arith.addf %div3A_29, %add3A_31 : vector<2000x1xf32>
    %rsqrt3A = math.rsqrt %add3A_32 : vector<2000x1xf32>
    %mul3A_33 = vector.broadcast %rsqrt3A : vector<2000x1xf32> to vector<2000x128xf32>
    %mul3A_34 = arith.mulf %sub3A_23, %mul3A_33 : vector<2000x128xf32>
    %mul3A_35 = vector.broadcast %get3A_15 : vector<1x128xf32> to vector<2000x128xf32>
    %mul3A_36 = arith.mulf %mul3A_34, %mul3A_35 : vector<2000x128xf32>
    %add3A_37 = vector.broadcast %get3A_18 : vector<1x128xf32> to vector<2000x128xf32>
    %add3A_38 = arith.addf %mul3A_36, %add3A_37 : vector<2000x128xf32>
    %max3A = arith.constant 0.000000e+00 : f32
    %max3A_39 = vector.broadcast %max3A : f32 to vector<2000x128xf32>
    %max3A_40 = arith.maximumf %add3A_38, %max3A_39 : vector<2000x128xf32>
    %get3A_41 = arith.constant 0 : index
    %get3A_42 = arith.constant 0 : index
    %get3A_43 = vector.load %arg4[%get3A_41, %get3A_42] : memref<128x128xf32, #tpu.memory_space<vmem>>, vector<128x128xf32>
    %dot_general3A = arith.constant dense<0.000000e+00> : vector<2000x128xf32>
    %dot_general3A_44 = tpu.matmul %max3A_40, %get3A_43, %dot_general3A {dimension_numbers = #tpu.dot_dimension_numbers<[1], [0], [0], [1], [0, 0, 1, 1], [], []>, transpose_lhs_hint = false} : vector<2000x128xf32>, vector<128x128xf32>, vector<2000x128xf32> -> vector<2000x128xf32>
    %get3A_45 = arith.constant 3 : index
    %get3A_46 = arith.constant 0 : index
    %get3A_47 = vector.load %arg3[%get3A_45, %get3A_46] : memref<8x128xf32, #tpu.memory_space<vmem>>, vector<1x128xf32>
    %add3A_48 = vector.broadcast %get3A_47 : vector<1x128xf32> to vector<2000x128xf32>
    %add3A_49 = arith.addf %dot_general3A_44, %add3A_48 : vector<2000x128xf32>
    %get3A_50 = arith.constant 4 : index
    %get3A_51 = arith.constant 0 : index
    %get3A_52 = vector.load %arg3[%get3A_50, %get3A_51] : memref<8x128xf32, #tpu.memory_space<vmem>>, vector<1x128xf32>
    %get3A_53 = arith.constant 5 : index
    %get3A_54 = arith.constant 0 : index
    %get3A_55 = vector.load %arg3[%get3A_53, %get3A_54] : memref<8x128xf32, #tpu.memory_space<vmem>>, vector<1x128xf32>
    %reduce_sum3A_56 = arith.constant dense<0.000000e+00> : vector<2000xf32>
    %reduce_sum3A_57 = vector.multi_reduction <add>, %add3A_49, %reduce_sum3A_56 [1] : vector<2000x128xf32> to vector<2000xf32>
    %broadcast_in_dim3A_58 = vector.shape_cast %reduce_sum3A_57 : vector<2000xf32> to vector<2000x1xf32>
    %div3A_59 = arith.constant 1.280000e+02 : f32
    %div3A_60 = vector.broadcast %div3A_59 : f32 to vector<2000x1xf32>
    %div3A_61 = arith.divf %broadcast_in_dim3A_58, %div3A_60 : vector<2000x1xf32>
    %sub3A_62 = vector.broadcast %div3A_61 : vector<2000x1xf32> to vector<2000x128xf32>
    %sub3A_63 = arith.subf %add3A_49, %sub3A_62 : vector<2000x128xf32>
    %mul3A_64 = arith.mulf %sub3A_63, %sub3A_63 : vector<2000x128xf32>
    %reduce_sum3A_65 = arith.constant dense<0.000000e+00> : vector<2000xf32>
    %reduce_sum3A_66 = vector.multi_reduction <add>, %mul3A_64, %reduce_sum3A_65 [1] : vector<2000x128xf32> to vector<2000xf32>
    %broadcast_in_dim3A_67 = vector.shape_cast %reduce_sum3A_66 : vector<2000xf32> to vector<2000x1xf32>
    %div3A_68 = arith.constant 1.280000e+02 : f32
    %div3A_69 = vector.broadcast %div3A_68 : f32 to vector<2000x1xf32>
    %div3A_70 = arith.divf %broadcast_in_dim3A_67, %div3A_69 : vector<2000x1xf32>
    %add3A_71 = arith.constant 9.99999974E-6 : f32
    %add3A_72 = vector.broadcast %add3A_71 : f32 to vector<2000x1xf32>
    %add3A_73 = arith.addf %div3A_70, %add3A_72 : vector<2000x1xf32>
    %rsqrt3A_74 = math.rsqrt %add3A_73 : vector<2000x1xf32>
    %mul3A_75 = vector.broadcast %rsqrt3A_74 : vector<2000x1xf32> to vector<2000x128xf32>
    %mul3A_76 = arith.mulf %sub3A_63, %mul3A_75 : vector<2000x128xf32>
    %mul3A_77 = vector.broadcast %get3A_52 : vector<1x128xf32> to vector<2000x128xf32>
    %mul3A_78 = arith.mulf %mul3A_76, %mul3A_77 : vector<2000x128xf32>
    %add3A_79 = vector.broadcast %get3A_55 : vector<1x128xf32> to vector<2000x128xf32>
    %add3A_80 = arith.addf %mul3A_78, %add3A_79 : vector<2000x128xf32>
    %max3A_81 = arith.constant 0.000000e+00 : f32
    %max3A_82 = vector.broadcast %max3A_81 : f32 to vector<2000x128xf32>
    %max3A_83 = arith.maximumf %add3A_80, %max3A_82 : vector<2000x128xf32>
    %get3A_84 = arith.constant 6 : index
    %get3A_85 = arith.constant 0 : index
    %get3A_86 = vector.load %arg3[%get3A_84, %get3A_85] : memref<8x128xf32, #tpu.memory_space<vmem>>, vector<1x128xf32>
    %get3A_87 = arith.constant 7 : index
    %get3A_88 = arith.constant 0 : index
    %get3A_89 = vector.load %arg3[%get3A_87, %get3A_88] : memref<8x128xf32, #tpu.memory_space<vmem>>, vector<1x128xf32>
    %reduce_sum3A_90 = arith.constant dense<0.000000e+00> : vector<2000xf32>
    %reduce_sum3A_91 = vector.multi_reduction <add>, %max3A_83, %reduce_sum3A_90 [1] : vector<2000x128xf32> to vector<2000xf32>
    %broadcast_in_dim3A_92 = vector.shape_cast %reduce_sum3A_91 : vector<2000xf32> to vector<2000x1xf32>
    %div3A_93 = arith.constant 1.280000e+02 : f32
    %div3A_94 = vector.broadcast %div3A_93 : f32 to vector<2000x1xf32>
    %div3A_95 = arith.divf %broadcast_in_dim3A_92, %div3A_94 : vector<2000x1xf32>
    %sub3A_96 = vector.broadcast %div3A_95 : vector<2000x1xf32> to vector<2000x128xf32>
    %sub3A_97 = arith.subf %max3A_83, %sub3A_96 : vector<2000x128xf32>
    %mul3A_98 = arith.mulf %sub3A_97, %sub3A_97 : vector<2000x128xf32>
    %reduce_sum3A_99 = arith.constant dense<0.000000e+00> : vector<2000xf32>
    %reduce_sum3A_100 = vector.multi_reduction <add>, %mul3A_98, %reduce_sum3A_99 [1] : vector<2000x128xf32> to vector<2000xf32>
    %broadcast_in_dim3A_101 = vector.shape_cast %reduce_sum3A_100 : vector<2000xf32> to vector<2000x1xf32>
    %div3A_102 = arith.constant 1.280000e+02 : f32
    %div3A_103 = vector.broadcast %div3A_102 : f32 to vector<2000x1xf32>
    %div3A_104 = arith.divf %broadcast_in_dim3A_101, %div3A_103 : vector<2000x1xf32>
    %add3A_105 = arith.constant 9.99999974E-6 : f32
    %add3A_106 = vector.broadcast %add3A_105 : f32 to vector<2000x1xf32>
    %add3A_107 = arith.addf %div3A_104, %add3A_106 : vector<2000x1xf32>
    %rsqrt3A_108 = math.rsqrt %add3A_107 : vector<2000x1xf32>
    %mul3A_109 = vector.broadcast %rsqrt3A_108 : vector<2000x1xf32> to vector<2000x128xf32>
    %mul3A_110 = arith.mulf %sub3A_97, %mul3A_109 : vector<2000x128xf32>
    %mul3A_111 = vector.broadcast %get3A_86 : vector<1x128xf32> to vector<2000x128xf32>
    %mul3A_112 = arith.mulf %mul3A_110, %mul3A_111 : vector<2000x128xf32>
    %add3A_113 = vector.broadcast %get3A_89 : vector<1x128xf32> to vector<2000x128xf32>
    %add3A_114 = arith.addf %mul3A_112, %add3A_113 : vector<2000x128xf32>
    %max3A_115 = arith.constant 0.000000e+00 : f32
    %max3A_116 = vector.broadcast %max3A_115 : f32 to vector<2000x128xf32>
    %max3A_117 = arith.maximumf %add3A_114, %max3A_116 : vector<2000x128xf32>
    %get3A_118 = arith.constant 0 : index
    %get3A_119 = arith.constant 0 : index
    %get3A_120 = vector.load %arg6[%get3A_118, %get3A_119] : memref<2000x128xf32, #tpu.memory_space<vmem>>, vector<2000x128xf32>
    %add3A_121 = arith.addf %max3A_117, %get3A_120 : vector<2000x128xf32>
    %swap3A = arith.constant 0 : index
    %swap3A_122 = arith.constant 0 : index
    %swap3A_123 = vector.load %arg7[%swap3A, %swap3A_122] : memref<2000x128xf32, #tpu.memory_space<vmem>>, vector<2000x128xf32>
    tpu.vector_store %arg7[%swap3A, %swap3A_122], %add3A_121 {strides = array<i32>} : memref<2000x128xf32, #tpu.memory_space<vmem>>, vector<2000x128xf32>,
    %get3A_124 = arith.constant 0 : index
    %get3A_125 = arith.constant 0 : index
    %get3A_126 = vector.load %arg5[%get3A_124, %get3A_125] : memref<128x128xf32, #tpu.memory_space<vmem>>, vector<128x128xf32>
    %dot_general3A_127 = arith.constant dense<0.000000e+00> : vector<2000x128xf32>
    %dot_general3A_128 = tpu.matmul %add3A_121, %get3A_126, %dot_general3A_127 {dimension_numbers = #tpu.dot_dimension_numbers<[1], [0], [0], [1], [0, 0, 1, 1], [], []>, transpose_lhs_hint = false} : vector<2000x128xf32>, vector<128x128xf32>, vector<2000x128xf32> -> vector<2000x128xf32>
    %swap3A_129 = arith.constant 0 : index
    %swap3A_130 = arith.constant 0 : index
    %swap3A_131 = vector.load %arg8[%swap3A_129, %swap3A_130] : memref<2000x128xf32, #tpu.memory_space<vmem>>, vector<2000x128xf32>
    tpu.vector_store %arg8[%swap3A_129, %swap3A_130], %dot_general3A_128 {strides = array<i32>} : memref<2000x128xf32, #tpu.memory_space<vmem>>, vector<2000x128xf32>,
    return
  }
  func.func @transform_0(%arg0: i32) -> (i32, i32, i32) {
    %c0_i32 = arith.constant 0 : i32
    %c0_i32_0 = arith.constant 0 : i32
    %c0_i32_1 = arith.constant 0 : i32
    return %c0_i32, %arg0, %c0_i32_0 : i32, i32, i32
  }
  func.func @transform_1(%arg0: i32) -> (i32, i32) {
    %c0_i32 = arith.constant 0 : i32
    %c0_i32_0 = arith.constant 0 : i32
    return %arg0, %c0_i32 : i32, i32
  }
  func.func @transform_2(%arg0: i32) -> (i32, i32) {
    %c0_i32 = arith.constant 0 : i32
    %c0_i32_0 = arith.constant 0 : i32
    %c0_i32_1 = arith.constant 0 : i32
    return %c0_i32, %c0_i32_0 : i32, i32
  }
  func.func @transform_3(%arg0: i32) -> (i32, i32) {
    %c0_i32 = arith.constant 0 : i32
    %c0_i32_0 = arith.constant 0 : i32
    %c0_i32_1 = arith.constant 0 : i32
    return %c0_i32, %c0_i32_0 : i32, i32
  }
  func.func @transform_4(%arg0: i32) -> (i32, i32) {
    %c0_i32 = arith.constant 0 : i32
    %c0_i32_0 = arith.constant 0 : i32
    %c0_i32_1 = arith.constant 0 : i32
    return %c0_i32, %c0_i32_0 : i32, i32
  }
  func.func @transform_5(%arg0: i32) -> (i32, i32) {
    %c0_i32 = arith.constant 0 : i32
    %c0_i32_0 = arith.constant 0 : i32
    return %arg0, %c0_i32 : i32, i32
  }
  func.func @transform_6(%arg0: i32) -> (i32, i32) {
    %c0_i32 = arith.constant 0 : i32
    %c0_i32_0 = arith.constant 0 : i32
    return %arg0, %c0_i32 : i32, i32
  }
  func.func @transform_7(%arg0: i32) -> (i32, i32) {
    %c0_i32 = arith.constant 0 : i32
    %c0_i32_0 = arith.constant 0 : i32
    return %arg0, %c0_i32 : i32, i32
  }
}

module attributes {stable_mosaic.version = 14 : i64} {
  func.func @_last_body(%arg0: i32, %arg1: memref<2x2000x128xf32, #tpu.memory_space<vmem>>, %arg2: memref<2000x128xf32, #tpu.memory_space<vmem>>, %arg3: memref<8x128xf32, #tpu.memory_space<vmem>>, %arg4: memref<128x128xf32, #tpu.memory_space<vmem>>, %arg5: memref<2000x128xf32, #tpu.memory_space<vmem>>, %arg6: memref<1x128xf32, #tpu.memory_space<vmem>>) attributes {dimension_semantics = [#tpu.dimension_semantics<arbitrary>], iteration_bounds = array<i64: 5>, scalar_prefetch = 0 : i64, scratch_operands = 0 : i64, tpu.core_type = #tpu.core_type<tc>, window_params = [{transform_indices = @transform_0, window_bounds = array<i64: 2, 2000, 128>}, {transform_indices = @transform_1, window_bounds = array<i64: 2000, 128>}, {pipeline_mode = #tpu.pipeline_mode<synchronous>, transform_indices = @transform_2, window_bounds = array<i64: 8, 128>}, {pipeline_mode = #tpu.pipeline_mode<synchronous>, transform_indices = @transform_3, window_bounds = array<i64: 128, 128>}, {transform_indices = @transform_4, window_bounds = array<i64: 2000, 128>}, {pipeline_mode = #tpu.pipeline_mode<synchronous>, transform_indices = @transform_5, window_bounds = array<i64: 1, 128>}]} {
    %get3A = arith.constant 0 : index
    %get3A_0 = arith.constant 0 : index
    %get3A_1 = arith.constant 0 : index
    %get3A_2 = vector.load %arg1[%get3A, %get3A_0, %get3A_1] : memref<2x2000x128xf32, #tpu.memory_space<vmem>>, vector<2x2000x128xf32>
    %slice3A = vector.extract_strided_slice %get3A_2 {offsets = [0, 0, 0], sizes = [1, 2000, 128], strides = [1, 1, 1]} : vector<2x2000x128xf32> to vector<1x2000x128xf32>
    %squeeze3A = vector.shape_cast %slice3A : vector<1x2000x128xf32> to vector<2000x128xf32>
    %slice3A_3 = vector.extract_strided_slice %get3A_2 {offsets = [1, 0, 0], sizes = [1, 2000, 128], strides = [1, 1, 1]} : vector<2x2000x128xf32> to vector<1x2000x128xf32>
    %squeeze3A_4 = vector.shape_cast %slice3A_3 : vector<1x2000x128xf32> to vector<2000x128xf32>
    %add3A = arith.addf %squeeze3A, %squeeze3A_4 : vector<2000x128xf32>
    %get3A_5 = arith.constant 0 : index
    %get3A_6 = arith.constant 0 : index
    %get3A_7 = vector.load %arg2[%get3A_5, %get3A_6] : memref<2000x128xf32, #tpu.memory_space<vmem>>, vector<2000x128xf32>
    %sub3A = arith.subf %add3A, %get3A_7 : vector<2000x128xf32>
    %get3A_8 = arith.constant 0 : index
    %get3A_9 = arith.constant 0 : index
    %get3A_10 = vector.load %arg3[%get3A_8, %get3A_9] : memref<8x128xf32, #tpu.memory_space<vmem>>, vector<1x128xf32>
    %add3A_11 = vector.broadcast %get3A_10 : vector<1x128xf32> to vector<2000x128xf32>
    %add3A_12 = arith.addf %sub3A, %add3A_11 : vector<2000x128xf32>
    %get3A_13 = arith.constant 1 : index
    %get3A_14 = arith.constant 0 : index
    %get3A_15 = vector.load %arg3[%get3A_13, %get3A_14] : memref<8x128xf32, #tpu.memory_space<vmem>>, vector<1x128xf32>
    %get3A_16 = arith.constant 2 : index
    %get3A_17 = arith.constant 0 : index
    %get3A_18 = vector.load %arg3[%get3A_16, %get3A_17] : memref<8x128xf32, #tpu.memory_space<vmem>>, vector<1x128xf32>
    %reduce_sum3A = arith.constant dense<0.000000e+00> : vector<2000xf32>
    %reduce_sum3A_19 = vector.multi_reduction <add>, %add3A_12, %reduce_sum3A [1] : vector<2000x128xf32> to vector<2000xf32>
    %broadcast_in_dim3A = vector.shape_cast %reduce_sum3A_19 : vector<2000xf32> to vector<2000x1xf32>
    %div3A = arith.constant 1.280000e+02 : f32
    %div3A_20 = vector.broadcast %div3A : f32 to vector<2000x1xf32>
    %div3A_21 = arith.divf %broadcast_in_dim3A, %div3A_20 : vector<2000x1xf32>
    %sub3A_22 = vector.broadcast %div3A_21 : vector<2000x1xf32> to vector<2000x128xf32>
    %sub3A_23 = arith.subf %add3A_12, %sub3A_22 : vector<2000x128xf32>
    %mul3A = arith.mulf %sub3A_23, %sub3A_23 : vector<2000x128xf32>
    %reduce_sum3A_24 = arith.constant dense<0.000000e+00> : vector<2000xf32>
    %reduce_sum3A_25 = vector.multi_reduction <add>, %mul3A, %reduce_sum3A_24 [1] : vector<2000x128xf32> to vector<2000xf32>
    %broadcast_in_dim3A_26 = vector.shape_cast %reduce_sum3A_25 : vector<2000xf32> to vector<2000x1xf32>
    %div3A_27 = arith.constant 1.280000e+02 : f32
    %div3A_28 = vector.broadcast %div3A_27 : f32 to vector<2000x1xf32>
    %div3A_29 = arith.divf %broadcast_in_dim3A_26, %div3A_28 : vector<2000x1xf32>
    %add3A_30 = arith.constant 9.99999974E-6 : f32
    %add3A_31 = vector.broadcast %add3A_30 : f32 to vector<2000x1xf32>
    %add3A_32 = arith.addf %div3A_29, %add3A_31 : vector<2000x1xf32>
    %rsqrt3A = math.rsqrt %add3A_32 : vector<2000x1xf32>
    %mul3A_33 = vector.broadcast %rsqrt3A : vector<2000x1xf32> to vector<2000x128xf32>
    %mul3A_34 = arith.mulf %sub3A_23, %mul3A_33 : vector<2000x128xf32>
    %mul3A_35 = vector.broadcast %get3A_15 : vector<1x128xf32> to vector<2000x128xf32>
    %mul3A_36 = arith.mulf %mul3A_34, %mul3A_35 : vector<2000x128xf32>
    %add3A_37 = vector.broadcast %get3A_18 : vector<1x128xf32> to vector<2000x128xf32>
    %add3A_38 = arith.addf %mul3A_36, %add3A_37 : vector<2000x128xf32>
    %max3A = arith.constant 0.000000e+00 : f32
    %max3A_39 = vector.broadcast %max3A : f32 to vector<2000x128xf32>
    %max3A_40 = arith.maximumf %add3A_38, %max3A_39 : vector<2000x128xf32>
    %get3A_41 = arith.constant 0 : index
    %get3A_42 = arith.constant 0 : index
    %get3A_43 = vector.load %arg4[%get3A_41, %get3A_42] : memref<128x128xf32, #tpu.memory_space<vmem>>, vector<128x128xf32>
    %dot_general3A = arith.constant dense<0.000000e+00> : vector<2000x128xf32>
    %dot_general3A_44 = tpu.matmul %max3A_40, %get3A_43, %dot_general3A {dimension_numbers = #tpu.dot_dimension_numbers<[1], [0], [0], [1], [0, 0, 1, 1], [], []>, transpose_lhs_hint = false} : vector<2000x128xf32>, vector<128x128xf32>, vector<2000x128xf32> -> vector<2000x128xf32>
    %get3A_45 = arith.constant 3 : index
    %get3A_46 = arith.constant 0 : index
    %get3A_47 = vector.load %arg3[%get3A_45, %get3A_46] : memref<8x128xf32, #tpu.memory_space<vmem>>, vector<1x128xf32>
    %add3A_48 = vector.broadcast %get3A_47 : vector<1x128xf32> to vector<2000x128xf32>
    %add3A_49 = arith.addf %dot_general3A_44, %add3A_48 : vector<2000x128xf32>
    %get3A_50 = arith.constant 4 : index
    %get3A_51 = arith.constant 0 : index
    %get3A_52 = vector.load %arg3[%get3A_50, %get3A_51] : memref<8x128xf32, #tpu.memory_space<vmem>>, vector<1x128xf32>
    %get3A_53 = arith.constant 5 : index
    %get3A_54 = arith.constant 0 : index
    %get3A_55 = vector.load %arg3[%get3A_53, %get3A_54] : memref<8x128xf32, #tpu.memory_space<vmem>>, vector<1x128xf32>
    %reduce_sum3A_56 = arith.constant dense<0.000000e+00> : vector<2000xf32>
    %reduce_sum3A_57 = vector.multi_reduction <add>, %add3A_49, %reduce_sum3A_56 [1] : vector<2000x128xf32> to vector<2000xf32>
    %broadcast_in_dim3A_58 = vector.shape_cast %reduce_sum3A_57 : vector<2000xf32> to vector<2000x1xf32>
    %div3A_59 = arith.constant 1.280000e+02 : f32
    %div3A_60 = vector.broadcast %div3A_59 : f32 to vector<2000x1xf32>
    %div3A_61 = arith.divf %broadcast_in_dim3A_58, %div3A_60 : vector<2000x1xf32>
    %sub3A_62 = vector.broadcast %div3A_61 : vector<2000x1xf32> to vector<2000x128xf32>
    %sub3A_63 = arith.subf %add3A_49, %sub3A_62 : vector<2000x128xf32>
    %mul3A_64 = arith.mulf %sub3A_63, %sub3A_63 : vector<2000x128xf32>
    %reduce_sum3A_65 = arith.constant dense<0.000000e+00> : vector<2000xf32>
    %reduce_sum3A_66 = vector.multi_reduction <add>, %mul3A_64, %reduce_sum3A_65 [1] : vector<2000x128xf32> to vector<2000xf32>
    %broadcast_in_dim3A_67 = vector.shape_cast %reduce_sum3A_66 : vector<2000xf32> to vector<2000x1xf32>
    %div3A_68 = arith.constant 1.280000e+02 : f32
    %div3A_69 = vector.broadcast %div3A_68 : f32 to vector<2000x1xf32>
    %div3A_70 = arith.divf %broadcast_in_dim3A_67, %div3A_69 : vector<2000x1xf32>
    %add3A_71 = arith.constant 9.99999974E-6 : f32
    %add3A_72 = vector.broadcast %add3A_71 : f32 to vector<2000x1xf32>
    %add3A_73 = arith.addf %div3A_70, %add3A_72 : vector<2000x1xf32>
    %rsqrt3A_74 = math.rsqrt %add3A_73 : vector<2000x1xf32>
    %mul3A_75 = vector.broadcast %rsqrt3A_74 : vector<2000x1xf32> to vector<2000x128xf32>
    %mul3A_76 = arith.mulf %sub3A_63, %mul3A_75 : vector<2000x128xf32>
    %mul3A_77 = vector.broadcast %get3A_52 : vector<1x128xf32> to vector<2000x128xf32>
    %mul3A_78 = arith.mulf %mul3A_76, %mul3A_77 : vector<2000x128xf32>
    %add3A_79 = vector.broadcast %get3A_55 : vector<1x128xf32> to vector<2000x128xf32>
    %add3A_80 = arith.addf %mul3A_78, %add3A_79 : vector<2000x128xf32>
    %max3A_81 = arith.constant 0.000000e+00 : f32
    %max3A_82 = vector.broadcast %max3A_81 : f32 to vector<2000x128xf32>
    %max3A_83 = arith.maximumf %add3A_80, %max3A_82 : vector<2000x128xf32>
    %get3A_84 = arith.constant 6 : index
    %get3A_85 = arith.constant 0 : index
    %get3A_86 = vector.load %arg3[%get3A_84, %get3A_85] : memref<8x128xf32, #tpu.memory_space<vmem>>, vector<1x128xf32>
    %get3A_87 = arith.constant 7 : index
    %get3A_88 = arith.constant 0 : index
    %get3A_89 = vector.load %arg3[%get3A_87, %get3A_88] : memref<8x128xf32, #tpu.memory_space<vmem>>, vector<1x128xf32>
    %reduce_sum3A_90 = arith.constant dense<0.000000e+00> : vector<2000xf32>
    %reduce_sum3A_91 = vector.multi_reduction <add>, %max3A_83, %reduce_sum3A_90 [1] : vector<2000x128xf32> to vector<2000xf32>
    %broadcast_in_dim3A_92 = vector.shape_cast %reduce_sum3A_91 : vector<2000xf32> to vector<2000x1xf32>
    %div3A_93 = arith.constant 1.280000e+02 : f32
    %div3A_94 = vector.broadcast %div3A_93 : f32 to vector<2000x1xf32>
    %div3A_95 = arith.divf %broadcast_in_dim3A_92, %div3A_94 : vector<2000x1xf32>
    %sub3A_96 = vector.broadcast %div3A_95 : vector<2000x1xf32> to vector<2000x128xf32>
    %sub3A_97 = arith.subf %max3A_83, %sub3A_96 : vector<2000x128xf32>
    %mul3A_98 = arith.mulf %sub3A_97, %sub3A_97 : vector<2000x128xf32>
    %reduce_sum3A_99 = arith.constant dense<0.000000e+00> : vector<2000xf32>
    %reduce_sum3A_100 = vector.multi_reduction <add>, %mul3A_98, %reduce_sum3A_99 [1] : vector<2000x128xf32> to vector<2000xf32>
    %broadcast_in_dim3A_101 = vector.shape_cast %reduce_sum3A_100 : vector<2000xf32> to vector<2000x1xf32>
    %div3A_102 = arith.constant 1.280000e+02 : f32
    %div3A_103 = vector.broadcast %div3A_102 : f32 to vector<2000x1xf32>
    %div3A_104 = arith.divf %broadcast_in_dim3A_101, %div3A_103 : vector<2000x1xf32>
    %add3A_105 = arith.constant 9.99999974E-6 : f32
    %add3A_106 = vector.broadcast %add3A_105 : f32 to vector<2000x1xf32>
    %add3A_107 = arith.addf %div3A_104, %add3A_106 : vector<2000x1xf32>
    %rsqrt3A_108 = math.rsqrt %add3A_107 : vector<2000x1xf32>
    %mul3A_109 = vector.broadcast %rsqrt3A_108 : vector<2000x1xf32> to vector<2000x128xf32>
    %mul3A_110 = arith.mulf %sub3A_97, %mul3A_109 : vector<2000x128xf32>
    %mul3A_111 = vector.broadcast %get3A_86 : vector<1x128xf32> to vector<2000x128xf32>
    %mul3A_112 = arith.mulf %mul3A_110, %mul3A_111 : vector<2000x128xf32>
    %add3A_113 = vector.broadcast %get3A_89 : vector<1x128xf32> to vector<2000x128xf32>
    %add3A_114 = arith.addf %mul3A_112, %add3A_113 : vector<2000x128xf32>
    %max3A_115 = arith.constant 0.000000e+00 : f32
    %max3A_116 = vector.broadcast %max3A_115 : f32 to vector<2000x128xf32>
    %max3A_117 = arith.maximumf %add3A_114, %max3A_116 : vector<2000x128xf32>
    %get3A_118 = arith.constant 0 : index
    %get3A_119 = arith.constant 0 : index
    %get3A_120 = vector.load %arg5[%get3A_118, %get3A_119] : memref<2000x128xf32, #tpu.memory_space<vmem>>, vector<2000x128xf32>
    %add3A_121 = arith.addf %max3A_117, %get3A_120 : vector<2000x128xf32>
    %reduce_sum3A_122 = arith.constant dense<0.000000e+00> : vector<128xf32>
    %reduce_sum3A_123 = vector.multi_reduction <add>, %add3A_121, %reduce_sum3A_122 [0] : vector<2000x128xf32> to vector<128xf32>
    %broadcast_in_dim3A_124 = vector.shape_cast %reduce_sum3A_123 : vector<128xf32> to vector<1x128xf32>
    %mul3A_125 = arith.constant 9.99999974E-5 : f32
    %mul3A_126 = vector.broadcast %mul3A_125 : f32 to vector<1x128xf32>
    %mul3A_127 = arith.mulf %broadcast_in_dim3A_124, %mul3A_126 : vector<1x128xf32>
    %eq3A = arith.constant 0 : i32
    %eq3A_128 = arith.cmpi eq, %arg0, %eq3A : i32
    %convert_element_type3A = arith.extui %eq3A_128 : i1 to i32
    %cond3A = arith.constant 0 : i32
    %cond3A_129 = arith.cmpi ne, %convert_element_type3A, %cond3A : i32
    scf.if %cond3A_129 {
      %broadcast_in_dim3A_136 = arith.constant 0.000000e+00 : f32
      %broadcast_in_dim3A_137 = vector.broadcast %broadcast_in_dim3A_136 : f32 to vector<1x128xf32>
      %swap3A_138 = arith.constant 0 : index
      %swap3A_139 = arith.constant 0 : index
      %swap3A_140 = vector.load %arg6[%swap3A_138, %swap3A_139] : memref<1x128xf32, #tpu.memory_space<vmem>>, vector<1x128xf32>
      tpu.vector_store %arg6[%swap3A_138, %swap3A_139], %broadcast_in_dim3A_137 {strides = array<i32>} : memref<1x128xf32, #tpu.memory_space<vmem>>, vector<1x128xf32>,
    } else {
    }
    %get3A_130 = arith.constant 0 : index
    %get3A_131 = arith.constant 0 : index
    %get3A_132 = vector.load %arg6[%get3A_130, %get3A_131] : memref<1x128xf32, #tpu.memory_space<vmem>>, vector<1x128xf32>
    %add3A_133 = arith.addf %get3A_132, %mul3A_127 : vector<1x128xf32>
    %swap3A = arith.constant 0 : index
    %swap3A_134 = arith.constant 0 : index
    %swap3A_135 = vector.load %arg6[%swap3A, %swap3A_134] : memref<1x128xf32, #tpu.memory_space<vmem>>, vector<1x128xf32>
    tpu.vector_store %arg6[%swap3A, %swap3A_134], %add3A_133 {strides = array<i32>} : memref<1x128xf32, #tpu.memory_space<vmem>>, vector<1x128xf32>,
    return
  }
  func.func @transform_0(%arg0: i32) -> (i32, i32, i32) {
    %c0_i32 = arith.constant 0 : i32
    %c0_i32_0 = arith.constant 0 : i32
    %c0_i32_1 = arith.constant 0 : i32
    return %c0_i32, %arg0, %c0_i32_0 : i32, i32, i32
  }
  func.func @transform_1(%arg0: i32) -> (i32, i32) {
    %c0_i32 = arith.constant 0 : i32
    %c0_i32_0 = arith.constant 0 : i32
    return %arg0, %c0_i32 : i32, i32
  }
  func.func @transform_2(%arg0: i32) -> (i32, i32) {
    %c0_i32 = arith.constant 0 : i32
    %c0_i32_0 = arith.constant 0 : i32
    %c0_i32_1 = arith.constant 0 : i32
    return %c0_i32, %c0_i32_0 : i32, i32
  }
  func.func @transform_3(%arg0: i32) -> (i32, i32) {
    %c0_i32 = arith.constant 0 : i32
    %c0_i32_0 = arith.constant 0 : i32
    %c0_i32_1 = arith.constant 0 : i32
    return %c0_i32, %c0_i32_0 : i32, i32
  }
  func.func @transform_4(%arg0: i32) -> (i32, i32) {
    %c0_i32 = arith.constant 0 : i32
    %c0_i32_0 = arith.constant 0 : i32
    return %arg0, %c0_i32 : i32, i32
  }
  func.func @transform_5(%arg0: i32) -> (i32, i32) {
    %c0_i32 = arith.constant 0 : i32
    %c0_i32_0 = arith.constant 0 : i32
    %c0_i32_1 = arith.constant 0 : i32
    return %c0_i32, %c0_i32_0 : i32, i32
  }
}

</mosaic_0001>

<sc_bundles>
// kernel: kernel.11.cloned.1.call-start
scs
__scs_entry_jumppad:
0x0: {  	(pc) =	sbr.rel $0x88, $3  }
0x1: {  	(tag) =	ssettag $0x0;
	lr =	simm.s32 $0x1  }
0x2: {  	[smem:$0x3F75] =	sst lr;
	_ =	strace $0xD0000000  }
0x3: {  	_ = 	snop  }
0x4: {  	_ = 	snop  }
0x5: {  	_ = 	snop  }
0x6: {  	_ = 	snop  }
0x7: {  	_ = 	snop  }
__scs_overlays_trampoline_lowered:
0x8: {  	[smem:$0x3F84] =	sst s0  }
0x9: {  	[smem:$0x3F85] =	sst s1  }
0xa: {  	[smem:$0x3F86] =	sst s2  }
0xb: {  	[smem:$0x3F87] =	sst s3  }
0xc: {  	[smem:$0x3F88] =	sst s4  }
0xd: {  	[smem:$0x3F89] =	sst s5  }
0xe: {  	[smem:$0x3F8A] =	sst s6  }
0xf: {  	[smem:$0x3F8B] =	sst s7  }
0x10: {  	[smem:$0x3F8C] =	sst s8  }
0x11: {  	[smem:$0x3F8D] =	sst s9;
	s0 =	simm.s32 @!p0 $0x0  }
0x12: {  	s1 =	sld [smem:$0x3F73];
	s0 =	simm.s32 @p0 $0x1  }
0x13: {  	[smem:$0x3F8E] =	sst s0;
	s0 =	simm.s32 @!p1 $0x0  }
0x14: {  	s2 =	sld [smem:$0x3F72];
	s0 =	simm.s32 @p1 $0x1  }
0x15: {  	[smem:$0x3F8F] =	sst s0;
	s0 =	simm.s32 @!p2 $0x0  }
0x16: {  	s3 =	sld [smem:$0x3FDB];
	s0 =	simm.s32 @p2 $0x1  }
0x17: {  	s4 =	simm.s32 $0x1BF5;
	[smem:$0x3F91] =	sst s0  }
0x18: {  	s0 =	sld [smem:$0x3F74];
	_ =	swait.ge [sflag:s4], $0x0  }
0x19: {  	s7 =	sld [smem:$0x3F75]  }
0x1a: {  	s8 =	sadd.s32 $0xFFFFE003, lr  }
0x1b: {  	s9 =	sadd.s32 $0xFFFFFEF7, lr;
	s5 =	simm.s32 $0xFFFFFFFF;
	p2 =	slt.u32 s8, $0xFFFFF086  }
0x1c: {  	p1 =	slt.u32 s9, $0xF7A;
	s5 =	simm.s32 @!p2 $0x0  }
0x1d: {  	s5 =	simm.s32 @p1 $0x1;
	p0 =	seq.s32 s7, s2  }
0x1e: {  	s7 =	smul.u32 @!p0 $0xF7A, s2;
	p2 =	seq.s32 @!p0 s5, $0x0  }
0x1f: {  	s9 =	smul.u32 $0xF7A, s1;
	s8 =	simm.s32 @!p0 $0x1BF5;
	p2 =	por !p2, p0  }
0x20: {  	[sflag:s8] =	ssyncset.s32 @!p0 $0xFFFFF086;
	s6 =	sadd.s32 @!p0 s3, s7;
	s7 =	simm.s32 @!p0 $0x108  }
0x21: {  	s3 =	sadd.s32 s3, s9;
	s6 =	sadd.s32 @!p0 $0x88, s6;
	s7 =	simm.s32 @p2 $0x1082  }
0x22: {  	[simem:s7], [sflag:s8] =	dma.local @!p0 [hbm:s6], $0xF7A  }
0x23: {  	s9 =	sor.u32 $0xD0000000, s2;
	s6 =	simm.s32 $0x108;
	_ =	swait.ge @!p0 [sflag:s8], $0x0  }
0x24: {  	s3 =	sadd.s32 $0x88, s3;
	s6 =	simm.s32 @!p1 $0x1082;
	[sflag:s4] =	ssyncset.s32 $0xFFFFF086  }
0x25: {  	[simem:s6], [sflag:s4] =	dma.local [hbm:s3], $0xF7A  }
0x26: {  	[smem:$0x3F75] =	sst s1;
	(tag) =	ssettag s2;
	_ =	strace s9  }
0x27: {  	s1 =	sld [smem:$0x3F85]  }
0x28: {  	s2 =	sld [smem:$0x3F86]  }
0x29: {  	s4 =	sld [smem:$0x3F88]  }
0x2a: {  	p0 =	seq.s32 s5, $0x0;
	s5 =	sld [smem:$0x3F89]  }
0x2b: {  	s6 =	sld [smem:$0x3F8A]  }
0x2c: {  	s7 =	sld [smem:$0x3F8B]  }
0x2d: {  	s3 =	simm.s32 $0x108;
	s8 =	sld [smem:$0x3F8C]  }
0x2e: {  	s3 =	simm.s32 @!p0 $0x1082;
	s9 =	sld [smem:$0x3F8D]  }
0x2f: {  	lr =	sadd.s32 s0, s3;
	s0 =	sld [smem:$0x3F84]  }
0x30: {  	s3 =	sld [smem:$0x3F87]  }
0x31: {  	[smem:$0x3F90] =	sst s10  }
0x32: {  	s10 =	sld [smem:$0x3F8E];
	_ =	sdelay $0x3  }
0x33: {  	p0 =	seq.s32 s10, $0x1;
	s10 =	sld [smem:$0x3F90];
	_ =	sdelay $0x3  }
0x34: {  	[smem:$0x3F90] =	sst s10  }
0x35: {  	s10 =	sld [smem:$0x3F8F];
	_ =	sdelay $0x3  }
0x36: {  	p1 =	seq.s32 s10, $0x1;
	s10 =	sld [smem:$0x3F90];
	_ =	sdelay $0x3  }
0x37: {  	[smem:$0x3F90] =	sst s10  }
0x38: {  	s10 =	sld [smem:$0x3F91]  }
0x39: {  	_ = 	snop;
	(pc) =	sbr.ind lr, $3  }
0x3a: {  	_ = 	snop  }
0x3b: {  	_ = 	snop  }
0x3c: {  	p2 =	seq.s32 s10, $0x1;
	s10 =	sld [smem:$0x3F90]  }
0x3d: {  	_ =	shalt  }
0x3e: {  	_ =	shalt  }
0x3f: {  	_ =	shalt  }
0x40: {  	_ =	shalt  }
0x41: {  	_ =	shalt  }
0x42: {  	_ =	shalt  }
0x43: {  	_ =	shalt  }
0x44: {  	_ =	shalt  }
0x45: {  	_ =	shalt  }
0x46: {  	_ =	shalt  }
0x47: {  	_ =	shalt  }
0x48: {  	_ =	shalt  }
0x49: {  	_ =	shalt  }
0x4a: {  	_ =	shalt  }
0x4b: {  	_ =	shalt  }
0x4c: {  	_ =	shalt  }
0x4d: {  	_ =	shalt  }
0x4e: {  	_ =	shalt  }
0x4f: {  	_ =	shalt  }
0x50: {  	_ =	shalt  }
0x51: {  	_ =	shalt  }
0x52: {  	_ =	shalt  }
0x53: {  	_ =	shalt  }
0x54: {  	_ =	shalt  }
0x55: {  	_ =	shalt  }
0x56: {  	_ =	shalt  }
0x57: {  	_ =	shalt  }
0x58: {  	_ =	shalt  }
0x59: {  	_ =	shalt  }
0x5a: {  	_ =	shalt  }
0x5b: {  	_ =	shalt  }
0x5c: {  	_ =	shalt  }
0x5d: {  	_ =	shalt  }
0x5e: {  	_ =	shalt  }
0x5f: {  	_ =	shalt  }
0x60: {  	_ =	shalt  }
0x61: {  	_ =	shalt  }
0x62: {  	_ =	shalt  }
0x63: {  	_ =	shalt  }
0x64: {  	_ =	shalt  }
0x65: {  	_ =	shalt  }
0x66: {  	_ =	shalt  }
0x67: {  	_ =	shalt  }
0x68: {  	_ =	shalt  }
0x69: {  	_ =	shalt  }
0x6a: {  	_ =	shalt  }
0x6b: {  	_ =	shalt  }
0x6c: {  	_ =	shalt  }
0x6d: {  	_ =	shalt  }
0x6e: {  	_ =	shalt  }
0x6f: {  	_ =	shalt  }
0x70: {  	_ =	shalt  }
0x71: {  	_ =	shalt  }
0x72: {  	_ =	shalt  }
0x73: {  	_ =	shalt  }
0x74: {  	_ =	shalt  }
0x75: {  	_ =	shalt  }
0x76: {  	_ =	shalt  }
0x77: {  	_ =	shalt  }
0x78: {  	_ =	shalt  }
0x79: {  	_ =	shalt  }
0x7a: {  	_ =	shalt  }
0x7b: {  	_ =	shalt  }
0x7c: {  	_ =	shalt  }
0x7d: {  	_ =	shalt  }
0x7e: {  	_ =	shalt  }
0x7f: {  	_ =	shalt  }
0x80: {  	_ =	shalt  }
0x81: {  	_ =	shalt  }
0x82: {  	_ =	shalt  }
0x83: {  	_ =	shalt  }
0x84: {  	_ =	shalt  }
0x85: {  	_ =	shalt  }
0x86: {  	_ =	shalt  }
0x87: {  	_ =	shalt  }
.Lfunc_end0:
.L_simem_size_0:
called_computation_lowered:
.L_overlay_start_0:
0x88: {  	s2 =	sld [smem:$0x3FD9]  }
0x89: {  	s3 =	sld [smem:$0x3FFE];
	_ =	sdelay $0x1  }
0x8a: {  	s1 =	srdreg.scid  }
0x8b: {  	s0 =	sand.u32 $0x1, s1  }
0x8c: {  	s16 =	sshll.u32 s0, $0xA;
	s2 =	sadd.s32 s3, s2  }
0x8d: {  	s2 =	sadd.s32 s2, s16  }
0x8e: {  	[smem:$0x3F9C] =	sst s2  }
0x8f: {  	_ = 	snop  }
0x90: {  	(tm) =	ssettm $0x1  }
0x91: {  	s17 =	sld [smem:$0x3FFB];
	_ =	sdelay $0x3  }
0x92: {  	_ =	strace s17  }
0x93: {  	s2 =	sld [smem:$0x3FFC];
	_ =	sdelay $0x3  }
0x94: {  	_ =	strace s2  }
0x95: {  	s2 =	sld [smem:$0x3FFD];
	_ =	sdelay $0x3  }
0x96: {  	_ =	strace s2  }
0x97: {  	_ =	strace $0x8FFFFFFF  }
0x98: {  	s18 =	sld [smem:$0x3FDB];
	_ =	sdelay $0x1  }
0x99: {  	s19 =	simm.s32 $_scs_section_size  }
0x9a: {  	s4 =	simm.s32 $_size__tile_overlayer_lowered;
	s5 =	simm.s32 $_tile_overlayer_lowered  }
0x9b: {  	s22 =	simm.s32 $0x1BFF;
	s21 =	sshll.u32 s5, $0x1;
	s2 =	sadd.s32 s19, s18  }
0x9c: {  	s6 =	simm.s32 $0x0;
	s20 =	sshll.u32 s4, $0x1;
	s4 =	sadd.s32 s21, s2  }
0x9d: {  	[timem:s6], [sflag:s22] =	dma.local [hbm:s4], s20  }
0x9e: {  	_ =	swait.ge [sflag:s22], s20  }
0x9f: {  	s3 =	ssub.s32 $0x0, s20;
	[sflag:s22] =	ssyncset.done $0x0  }
0xa0: {  	[sflag:s22] =	ssyncadd.s32 s3;
	_ =	sdelay $0x1  }
0xa1: {  	s23 =	simm.s32 $0x1B8B  }
0xa2: {  	_ =	swait.ge [sflag:s23], $0x1  }
0xa3: {  	[sflag:s23] =	ssyncset.done $0x0  }
0xa4: {  	s25 =	simm.s32 $0x1B8E;
	s24 =	sld [smem:$0x3FFE];
	[sflag:s23] =	ssyncadd.s32 $0xFFFFFFFF  }
0xa5: {  	s26 =	simm.s32 $execute0_lowered;
	[smem:$0x3FD2] =	sst s25  }
0xa6: {  	s4 =	sshll.u32 s26, $0x1;
	_ =	strace $0x80000046;
	[dreg:$0x1] =	wrdreg $0xFFFFFFFF  }
0xa7: {  	s28 =	simm.s32 $_size_execute0_lowered;
	s2 =	sadd.s32 s2, s4;
	[dreg:$0x0] =	wrdreg $0x0  }
0xa8: {  	s4 =	sshll.u32 s28, $0x1;
	[dreg:$0x2] =	wrdreg s2  }
0xa9: {  	[dreg:$0x3] =	wrdreg s4  }
0xaa: {  	[dreg:$0x4] =	wrdreg $0xC0  }
0xab: {  	_ =	task [dreg:s6], $0x5FFFF  }
0xac: {  	[dreg:$0x1] =	wrdreg $0xFFFFFFFF  }
0xad: {  	[dreg:$0x0] =	wrdreg $0x60  }
0xae: {  	[dreg:$0x2] =	wrdreg s24  }
0xaf: {  	[dreg:$0x3] =	wrdreg $0xBC000  }
0xb0: {  	[dreg:$0x4] =	wrdreg $0x9  }
0xb1: {  	_ =	task.clear_ibuf [dreg:s6], $0x5FFFF;
	_ =	strace $0x90000046  }
0xb2: {  	s29 =	simm.s32 $0x9;
	_ =	strace $0x80000048  }
0xb3: {  	_ =	swait.ge [sflag:s29], $0x1  }
0xb4: {  	[sflag:s29] =	ssyncadd.s32 $0xFFFFFFFF  }
0xb5: {  	_ =	strace $0x90000048  }
0xb6: {  	_ =	sfence  }
0xb7: {  	s30 =	sld [smem:$0x0];
	_ =	sdelay $0x2  }
0xb8: {  	s31 =	sshll.u32 s1, $0xD;
	s1 =	sshrl.u32 s1, $0x2  }
0xb9: {  	s3 =	sand.u32 $0x4000, s31;
	s1 =	sadd.s32 s1, s30  }
0xba: {  	s0 =	sor.u32 s3, s0;
	s1 =	sshll.u32 s1, $0x11  }
0xbb: {  	s0 =	sor.u32 s1, s0  }
0xbc: {  	s0 =	sadd.s32 $0x8F2B, s0  }
0xbd: {  	[sflag:s0] =	ssyncadd.remote.s32 $0x1  }
0xbe: {  	_ =	sfence.sel $0xFFFF  }
0xbf: {  	[dreg:$0x0] =	wrdreg $0xFFFFFFFF;
	(pc) =	sbr.abs _section_cstart, $3  }
0xc0: {  	[dreg:$0x1] =	wrdreg $0xFFFFFFFF  }
0xc1: {  	_ =	task.clear_ibuf [dreg:s6], $0x2FFFF;
	_ =	strace $0x9FFFFFFF  }
0xc2: {  	(tm) =	ssettm $0x7FFFFFFF  }
0xc3: {  	_ =	shalt  }
tec
execute0_lowered:
.L_overlay_start_1:
0x0: {  	(tag) =	ssettag $0x1  }
0x1: {  	s0 =	rddreg [dreg:$0x0]  }
0x2: {  	s1 =	rddreg [dreg:$0x1];
	s3 =	simm.s32 $0x0;
	s2 =	srdreg.scid  }
0x3: {  	s13 =	stileid.u32;
	s15 =	simm.s32 $0x4;
	s17 =	simm.s32 $0x28  }
0x4: {  	s18 =	simm.s32 $0x8000;
	s20 =	simm.s32 $0x9400;
	s22 =	simm.s32 $0xA800  }
0x5: {  	s23 =	simm.s32 $0x1;
	s24 =	simm.s32 $0x2;
	s28 =	simm.s32 $0x3F00  }
0x6: {  	s29 =	simm.s32 $0x7E00;
	s30 =	simm.s32 $0x3F80;
	s31 =	simm.s32 $0x7E80  }
0x7: {  	s16 =	simm.s32 $0x0;
	[smem:$0x7FF] =	sst s3;
	s2 =	sand.u32 $0x1, s2  }
0x8: {  	s6 =	sshll.u32 s13, $0xB;
	s4 =	sadd.s32 $0x27600, s0;
	s12 =	sadd.s32 $0x128400, s1  }
0x9: {  	s25 =	smul.u32 $0x4F000, s13;
	p0 =	seq.s32 s13, $0xF;
	_ =	strace $0x80000047  }
0xa: {  	s5 =	sshll.u32 s2, $0xF;
	s7 =	smul.u32 $0x27100, s2;
	s2 =	ssub.s32 $0x2, s2  }
0xb: {  	s12 =	sshrl.u32 @p0 s12, $0x3;
	s5 =	sor.u32 s6, s5;
	s26 =	sshrl.u32 s2, $0x1  }
0xc: {  	s6 =	sshrl.u32 s25, $0x2;
	s25 =	simm.s32 $0x3;
	s9 =	sadd.s32 s5, s0  }
0xd: {  	s5 =	smul.u32 $0x2780, s13;
	s10 =	sadd.s32 s7, s0;
	s2 =	ssub.s32 s2, s26  }
0xe: {  	s14 =	sadd.s32 s6, s1;
	s7 =	sadd.s32 $0x4C680, s0;
	s0 =	sshll.u32 @!p0 s13, $0x6  }
0xf: {  	s8 =	sadd.s32 $0x7600, s9;
	s9 =	sadd.s32 $0x17600, s9;
	s10 =	sadd.s32 $0x4E800, s10  }
0x10: {  	s11 =	smax.u32 s2, $0x1;
	s13 =	sor.u32 @!p0 $0x1C04, s0;
	s14 =	sshrl.u32 @!p0 s14, $0x3  }
0x11: {  	s0 =	simm.s32 $0x7F00;
	s2 =	simm.s32 $0x7F80;
	s6 =	sadd.s32 s4, s5  }
.LBB2_1:
0x12: {  	s19 =	simm.s32 @p0 $0x1FC4  }
0x13: {  	[spmem:s12], [sflag:s19] =	dma.local @p0 [hbm:s7], $0x2080  }
0x14: {  	s19 =	simm.s32 @p0 $0x4  }
0x15: {  	_ =	swait.ge @p0 [sflag:s19], $0x2080  }
0x16: {  	[sflag:s19] =	ssyncset.done @p0 $0x0  }
0x17: {  	[sflag:s19] =	ssyncadd.s32 @p0 $0xFFFFDF80;
	s19 =	simm.s32 @!p0 $0x4  }
0x18: {  	[spmem:s14], [sflag:s13] =	dma.local @!p0 [hbm:s6], $0x2780  }
0x19: {  	_ =	swait.ge @!p0 [sflag:s19], $0x2780  }
0x1a: {  	[sflag:s19] =	ssyncset.done @!p0 $0x0  }
0x1b: {  	[sflag:s19] =	ssyncadd.s32 @!p0 $0xFFFFD880  }
0x1c: {  	[tilespmem:s3], [sflag:$0x4] =	stream.linear.gather [hbm4b:s8+s3], $0x4000, $0x38;
	[tilespmem:$0x1F800] =	vst v63  }
0x1d: {  	_ =	swait.ge [sflag:s15], $0x4000  }
0x1e: {  	[sflag:s15] =	ssyncset.done $0x0  }
0x1f: {  	s21 =	simm.s32 $0x4000;
	[sflag:s15] =	ssyncadd.s32 $0xFFFFC000  }
0x20: {  	[tilespmem:s21], [sflag:$0x4] =	stream.linear.gather [hbm4b:s9+s3], $0x4000, $0x38;
	[tilespmem:$0x1F800] =	vst v63  }
0x21: {  	_ =	swait.ge [sflag:s15], $0x4000  }
0x22: {  	[sflag:s15] =	ssyncset.done $0x0  }
0x23: {  	[sflag:s15] =	ssyncadd.s32 $0xFFFFC000  }
0x24: {  	[bflag:$0x0] =	sbarrier.arrive $0xFFFF  }
0x25: {  	[tilespmem:s18], [sflag:$0x1] =	stream.indirect.gather [hbm4b:s4+s17], $0x80, s3, s17, $0xb8;
	[tilespmem:$0x1F800] =	vst v63  }
0x26: {  	s26 =	simm.s32 $0x80  }
0x27: {  	[tilespmem:s20], [sflag:$0x2] =	stream.indirect.gather [hbm4b:s4+s17], $0x80, s26, s17, $0xb8;
	[tilespmem:$0x1F800] =	vst v63  }
0x28: {  	s21 =	simm.s32 $0x100  }
0x29: {  	[tilespmem:s22], [sflag:$0x3] =	stream.indirect.gather [hbm4b:s4+s17], $0x80, s21, s17, $0xb8;
	[tilespmem:$0x1F800] =	vst v63  }
0x2a: {  	_ =	swait.ge [sflag:s23], $0x1400  }
0x2b: {  	[sflag:s23] =	ssyncset.done $0x0  }
0x2c: {  	s26 =	simm.s32 $0x4000;
	[sflag:s23] =	ssyncadd.s32 $0xFFFFEC00  }
0x2d: {  	[spmem:s1] =	stream.indirect.scatter.add.f32 [tilespmem:s18], [sflag:$0x4], $0x80, s26, s17, $0xb8;
	[tilespmem:$0x1F800] =	vst v63  }
0x2e: {  	_ =	swait.ge [sflag:s15], $0x1400  }
0x2f: {  	[sflag:s15] =	ssyncset.done $0x0  }
0x30: {  	s21 =	simm.s32 $0x180;
	[sflag:s15] =	ssyncadd.s32 $0xFFFFEC00  }
0x31: {  	[tilespmem:s18], [sflag:$0x1] =	stream.indirect.gather [hbm4b:s4+s17], $0x80, s21, s17, $0xb8;
	[tilespmem:$0x1F800] =	vst v63  }
0x32: {  	_ =	swait.ge [sflag:s24], $0x1400  }
0x33: {  	[sflag:s24] =	ssyncset.done $0x0  }
0x34: {  	s26 =	simm.s32 $0x4080;
	[sflag:s24] =	ssyncadd.s32 $0xFFFFEC00  }
0x35: {  	[spmem:s1] =	stream.indirect.scatter.add.f32 [tilespmem:s20], [sflag:$0x4], $0x80, s26, s17, $0xb8;
	[tilespmem:$0x1F800] =	vst v63  }
0x36: {  	_ =	swait.ge [sflag:s15], $0x1400  }
0x37: {  	[sflag:s15] =	ssyncset.done $0x0  }
0x38: {  	s21 =	simm.s32 $0x200;
	[sflag:s15] =	ssyncadd.s32 $0xFFFFEC00  }
0x39: {  	[tilespmem:s20], [sflag:$0x2] =	stream.indirect.gather [hbm4b:s4+s17], $0x80, s21, s17, $0xb8;
	[tilespmem:$0x1F800] =	vst v63  }
0x3a: {  	_ =	swait.ge [sflag:s25], $0x1400  }
0x3b: {  	[sflag:s25] =	ssyncset.done $0x0  }
0x3c: {  	s26 =	simm.s32 $0x4100;
	[sflag:s25] =	ssyncadd.s32 $0xFFFFEC00  }
0x3d: {  	[spmem:s1] =	stream.indirect.scatter.add.f32 [tilespmem:s22], [sflag:$0x4], $0x80, s26, s17, $0xb8;
	[tilespmem:$0x1F800] =	vst v63  }
0x3e: {  	_ =	swait.ge [sflag:s15], $0x1400  }
0x3f: {  	[sflag:s15] =	ssyncset.done $0x0  }
0x40: {  	s19 =	simm.s32 $0x600;
	s21 =	simm.s32 $0x280;
	[sflag:s15] =	ssyncadd.s32 $0xFFFFEC00  }
.LBB2_2:
0x41: {  	[tilespmem:s22], [sflag:$0x3] =	stream.indirect.gather [hbm4b:s4+s17], $0x80, s21, s17, $0xb8;
	[tilespmem:$0x1F800] =	vst v63  }
0x42: {  	s21 =	smov.u32 s19  }
0x43: {  	p1 =	sne.s32 s19, $0xF000;
	s19 =	sadd.s32 $0x600, s19;
	_ =	swait.ge [sflag:s23], $0x1400  }
0x44: {  	s21 =	sshra.s32 s21, $0x2;
	[sflag:s23] =	ssyncset.done $0x0  }
0x45: {  	s26 =	sadd.s32 $0x4000, s21;
	[sflag:s23] =	ssyncadd.s32 $0xFFFFEC00  }
0x46: {  	[spmem:s1] =	stream.indirect.scatter.add.f32 [tilespmem:s18], [sflag:$0x4], $0x80, s26, s17, $0xb8;
	[tilespmem:$0x1F800] =	vst v63  }
0x47: {  	_ =	swait.ge [sflag:s15], $0x1400  }
0x48: {  	[sflag:s15] =	ssyncset.done $0x0  }
0x49: {  	s26 =	sadd.s32 $0x180, s21;
	[sflag:s15] =	ssyncadd.s32 $0xFFFFEC00  }
0x4a: {  	[tilespmem:s18], [sflag:$0x1] =	stream.indirect.gather [hbm4b:s4+s17], $0x80, s26, s17, $0xb8;
	[tilespmem:$0x1F800] =	vst v63  }
0x4b: {  	_ =	swait.ge [sflag:s24], $0x1400  }
0x4c: {  	[sflag:s24] =	ssyncset.done $0x0  }
0x4d: {  	s26 =	sadd.s32 $0x4080, s21;
	[sflag:s24] =	ssyncadd.s32 $0xFFFFEC00  }
0x4e: {  	[spmem:s1] =	stream.indirect.scatter.add.f32 [tilespmem:s20], [sflag:$0x4], $0x80, s26, s17, $0xb8;
	[tilespmem:$0x1F800] =	vst v63  }
0x4f: {  	_ =	swait.ge [sflag:s15], $0x1400  }
0x50: {  	[sflag:s15] =	ssyncset.done $0x0  }
0x51: {  	s26 =	sadd.s32 $0x200, s21;
	[sflag:s15] =	ssyncadd.s32 $0xFFFFEC00  }
0x52: {  	[tilespmem:s20], [sflag:$0x2] =	stream.indirect.gather [hbm4b:s4+s17], $0x80, s26, s17, $0xb8;
	[tilespmem:$0x1F800] =	vst v63  }
0x53: {  	_ =	swait.ge [sflag:s25], $0x1400  }
0x54: {  	[sflag:s25] =	ssyncset.done $0x0  }
.Ltmp0:
0x55: {  	s26 =	sadd.s32 $0x4100, s21;
	[sflag:s25] =	ssyncadd.s32 $0xFFFFEC00;
	(pc) =	sbr.rel @p1 .LBB2_2-.Ltmp0, $4  }
0x56: {  	[spmem:s1] =	stream.indirect.scatter.add.f32 [tilespmem:s22], [sflag:$0x4], $0x80, s26, s17, $0xb8;
	[tilespmem:$0x1F800] =	vst v63  }
0x57: {  	_ =	swait.ge [sflag:s15], $0x1400  }
0x58: {  	[sflag:s15] =	ssyncset.done $0x0  }
0x59: {  	s21 =	sadd.s32 $0x280, s21;
	[sflag:s15] =	ssyncadd.s32 $0xFFFFEC00  }
0x5a: {  	[tilespmem:s22], [sflag:$0x3] =	stream.indirect.gather [hbm4b:s4+s17], $0x80, s21, s17, $0xb8;
	[tilespmem:$0x1F800] =	vst v63  }
0x5b: {  	_ =	swait.ge [sflag:s23], $0x1400  }
0x5c: {  	[sflag:s23] =	ssyncset.done $0x0  }
0x5d: {  	s19 =	simm.s32 $0x7D80;
	[sflag:s23] =	ssyncadd.s32 $0xFFFFEC00  }
0x5e: {  	[spmem:s1] =	stream.indirect.scatter.add.f32 [tilespmem:s18], [sflag:$0x4], $0x80, s19, s17, $0xb8;
	[tilespmem:$0x1F800] =	vst v63  }
0x5f: {  	_ =	swait.ge [sflag:s15], $0x1400  }
0x60: {  	[sflag:s15] =	ssyncset.done $0x0  }
0x61: {  	[sflag:s15] =	ssyncadd.s32 $0xFFFFEC00  }
0x62: {  	[tilespmem:s18], [sflag:$0x1] =	stream.indirect.gather [hbm4b:s4+s17], $0x80, s28, s17, $0xb8;
	[tilespmem:$0x1F800] =	vst v63  }
0x63: {  	_ =	swait.ge [sflag:s24], $0x1400  }
0x64: {  	[sflag:s24] =	ssyncset.done $0x0  }
0x65: {  	[sflag:s24] =	ssyncadd.s32 $0xFFFFEC00  }
0x66: {  	[spmem:s1] =	stream.indirect.scatter.add.f32 [tilespmem:s20], [sflag:$0x4], $0x80, s29, s17, $0xb8;
	[tilespmem:$0x1F800] =	vst v63  }
0x67: {  	_ =	swait.ge [sflag:s15], $0x1400  }
0x68: {  	[sflag:s15] =	ssyncset.done $0x0  }
0x69: {  	[sflag:s15] =	ssyncadd.s32 $0xFFFFEC00  }
0x6a: {  	[tilespmem:s20], [sflag:$0x2] =	stream.indirect.gather [hbm4b:s4+s17], $0x80, s30, s17, $0xb8;
	[tilespmem:$0x1F800] =	vst v63  }
0x6b: {  	_ =	swait.ge [sflag:s25], $0x1400  }
0x6c: {  	[sflag:s25] =	ssyncset.done $0x0  }
0x6d: {  	[sflag:s25] =	ssyncadd.s32 $0xFFFFEC00  }
0x6e: {  	[spmem:s1] =	stream.indirect.scatter.add.f32 [tilespmem:s22], [sflag:$0x4], $0x80, s31, s17, $0xb8;
	[tilespmem:$0x1F800] =	vst v63  }
0x6f: {  	_ =	swait.ge [sflag:s15], $0x1400  }
0x70: {  	[sflag:s15] =	ssyncset.done $0x0  }
0x71: {  	[sflag:s15] =	ssyncadd.s32 $0xFFFFEC00  }
0x72: {  	_ =	swait.ge [sflag:s23], $0x1400  }
0x73: {  	[sflag:s23] =	ssyncset.done $0x0  }
0x74: {  	[sflag:s23] =	ssyncadd.s32 $0xFFFFEC00  }
0x75: {  	[spmem:s1] =	stream.indirect.scatter.add.f32 [tilespmem:s18], [sflag:$0x4], $0x80, s0, s17, $0xb8;
	[tilespmem:$0x1F800] =	vst v63  }
0x76: {  	_ =	swait.ge [sflag:s15], $0x1400  }
0x77: {  	[sflag:s15] =	ssyncset.done $0x0  }
0x78: {  	[sflag:s15] =	ssyncadd.s32 $0xFFFFEC00  }
0x79: {  	_ =	swait.ge [sflag:s24], $0x1400  }
0x7a: {  	[sflag:s24] =	ssyncset.done $0x0  }
0x7b: {  	[sflag:s24] =	ssyncadd.s32 $0xFFFFEC00  }
0x7c: {  	[spmem:s1] =	stream.indirect.scatter.add.f32 [tilespmem:s20], [sflag:$0x4], $0x80, s2, s17, $0xb8;
	[tilespmem:$0x1F800] =	vst v63  }
0x7d: {  	_ =	swait.ge [sflag:s15], $0x1400  }
0x7e: {  	[sflag:s15] =	ssyncset.done $0x0  }
0x7f: {  	[sflag:s15] =	ssyncadd.s32 $0xFFFFEC00  }
0x80: {  	s21 =	simm.s32 @p0 $0x1FC4;
	s19 =	sadd.s32 @p0 $0x25080, s10;
	[bflag:$0x0] =	sbarrier.arrive $0xFFFF  }
0x81: {  	[hbm:s19], [sflag:s21] =	dma.local @p0 [spmem:s12], $0x2080  }
0x82: {  	s19 =	simm.s32 @p0 $0x4  }
0x83: {  	_ =	swait.ge @p0 [sflag:s19], $0x2080  }
0x84: {  	s16 =	sadd.s32 $0x1, s16;
	[sflag:s19] =	ssyncset.done @p0 $0x0  }
0x85: {  	p1 =	sne.s32 s16, s11;
	[sflag:s19] =	ssyncadd.s32 @p0 $0xFFFFDF80;
	s19 =	sadd.s32 @!p0 s5, s10  }
0x86: {  	[hbm:s19], [sflag:s13] =	dma.local @!p0 [spmem:s14], $0x2780  }
.Ltmp1:
0x87: {  	_ = 	snop;
	(pc) =	sbr.rel @p1 .LBB2_1-.Ltmp1, $4  }
0x88: {  	s19 =	simm.s32 @!p0 $0x4  }
0x89: {  	_ =	swait.ge @!p0 [sflag:s19], $0x2780  }
0x8a: {  	[sflag:s19] =	ssyncset.done @!p0 $0x0  }
0x8b: {  	[sflag:s19] =	ssyncadd.s32 @!p0 $0xFFFFD880  }
0x8c: {  	_ =	sfence.sel $0x180000  }
0x8d: {  	[bflag:$0x0] =	sbarrier.arrive $0xFFFF  }
0x8e: {  	_ =	strace $0x90000047  }
0x8f: {  	s0 =	stileid.u32;
	[bflag:$0x2] =	sbarrier.arrive $0xFFFF  }
0x90: {  	p0 =	sne.s32 s0, $0x0;
	s0 =	rddreg [dreg:$0x2]  }
0x91: {  	s0 =	sadd.s32 @!p0 $0x100000, s0  }
0x92: {  	[sflag:s0] =	ssyncadd.tile.s32 @!p0 $0x1;
	_ =	shalt  }
.Lfunc_end2:
_tile_overlayer_lowered:
.L_overlay_start_2:
0x93: {  	(tag) =	ssettag $0x2  }
0x94: {  	s0 =	rddreg [dreg:$0x0];
	s2 =	stileid.u32  }
0x95: {  	s1 =	rddreg [dreg:$0x1];
	p0 =	sne.s32 s2, $0x0  }
0x96: {  	s3 =	rddreg [dreg:$0x2];
	[bflag:$0x3] =	sbarrier.arrive $0xFFFF;
	s2 =	simm.s32 @!p0 $0x1C04  }
0x97: {  	[timem:s3], [sflag:s2] =	dma.local @!p0 [hbm:s0], s1  }
0x98: {  	s0 =	simm.s32 @!p0 $0x4  }
0x99: {  	_ =	swait.ge @!p0 [sflag:s0], s1  }
0x9a: {  	s1 =	ssub.s32 @!p0 $0x0, s1;
	[sflag:s0] =	ssyncset.done @!p0 $0x0  }
0x9b: {  	[sflag:s0] =	ssyncadd.s32 @!p0 s1  }
0x9c: {  	[bflag:$0x3] =	sbarrier.arrive $0xFFFF  }
0x9d: {  	_ =	shalt  }

// kernel: kernel.14.cloned.1.call-start
scs
__scs_entry_jumppad:
0x0: {  	(pc) =	sbr.rel $0x88, $3  }
0x1: {  	(tag) =	ssettag $0x0;
	lr =	simm.s32 $0x1  }
0x2: {  	[smem:$0x3F75] =	sst lr;
	_ =	strace $0xD0000000  }
0x3: {  	_ = 	snop  }
0x4: {  	_ = 	snop  }
0x5: {  	_ = 	snop  }
0x6: {  	_ = 	snop  }
0x7: {  	_ = 	snop  }
__scs_overlays_trampoline_lowered:
0x8: {  	[smem:$0x3F84] =	sst s0  }
0x9: {  	[smem:$0x3F85] =	sst s1  }
0xa: {  	[smem:$0x3F86] =	sst s2  }
0xb: {  	[smem:$0x3F87] =	sst s3  }
0xc: {  	[smem:$0x3F88] =	sst s4  }
0xd: {  	[smem:$0x3F89] =	sst s5  }
0xe: {  	[smem:$0x3F8A] =	sst s6  }
0xf: {  	[smem:$0x3F8B] =	sst s7  }
0x10: {  	[smem:$0x3F8C] =	sst s8  }
0x11: {  	[smem:$0x3F8D] =	sst s9;
	s0 =	simm.s32 @!p0 $0x0  }
0x12: {  	s1 =	sld [smem:$0x3F73];
	s0 =	simm.s32 @p0 $0x1  }
0x13: {  	[smem:$0x3F8E] =	sst s0;
	s0 =	simm.s32 @!p1 $0x0  }
0x14: {  	s2 =	sld [smem:$0x3F72];
	s0 =	simm.s32 @p1 $0x1  }
0x15: {  	[smem:$0x3F8F] =	sst s0;
	s0 =	simm.s32 @!p2 $0x0  }
0x16: {  	s3 =	sld [smem:$0x3FDB];
	s0 =	simm.s32 @p2 $0x1  }
0x17: {  	s4 =	simm.s32 $0x1BF5;
	[smem:$0x3F91] =	sst s0  }
0x18: {  	s0 =	sld [smem:$0x3F74];
	_ =	swait.ge [sflag:s4], $0x0  }
0x19: {  	s7 =	sld [smem:$0x3F75]  }
0x1a: {  	s8 =	sadd.s32 $0xFFFFE003, lr  }
0x1b: {  	s9 =	sadd.s32 $0xFFFFFEF7, lr;
	s5 =	simm.s32 $0xFFFFFFFF;
	p2 =	slt.u32 s8, $0xFFFFF086  }
0x1c: {  	p1 =	slt.u32 s9, $0xF7A;
	s5 =	simm.s32 @!p2 $0x0  }
0x1d: {  	s5 =	simm.s32 @p1 $0x1;
	p0 =	seq.s32 s7, s2  }
0x1e: {  	s7 =	smul.u32 @!p0 $0xF7A, s2;
	p2 =	seq.s32 @!p0 s5, $0x0  }
0x1f: {  	s9 =	smul.u32 $0xF7A, s1;
	s8 =	simm.s32 @!p0 $0x1BF5;
	p2 =	por !p2, p0  }
0x20: {  	[sflag:s8] =	ssyncset.s32 @!p0 $0xFFFFF086;
	s6 =	sadd.s32 @!p0 s3, s7;
	s7 =	simm.s32 @!p0 $0x108  }
0x21: {  	s3 =	sadd.s32 s3, s9;
	s6 =	sadd.s32 @!p0 $0x88, s6;
	s7 =	simm.s32 @p2 $0x1082  }
0x22: {  	[simem:s7], [sflag:s8] =	dma.local @!p0 [hbm:s6], $0xF7A  }
0x23: {  	s9 =	sor.u32 $0xD0000000, s2;
	s6 =	simm.s32 $0x108;
	_ =	swait.ge @!p0 [sflag:s8], $0x0  }
0x24: {  	s3 =	sadd.s32 $0x88, s3;
	s6 =	simm.s32 @!p1 $0x1082;
	[sflag:s4] =	ssyncset.s32 $0xFFFFF086  }
0x25: {  	[simem:s6], [sflag:s4] =	dma.local [hbm:s3], $0xF7A  }
0x26: {  	[smem:$0x3F75] =	sst s1;
	(tag) =	ssettag s2;
	_ =	strace s9  }
0x27: {  	s1 =	sld [smem:$0x3F85]  }
0x28: {  	s2 =	sld [smem:$0x3F86]  }
0x29: {  	s4 =	sld [smem:$0x3F88]  }
0x2a: {  	p0 =	seq.s32 s5, $0x0;
	s5 =	sld [smem:$0x3F89]  }
0x2b: {  	s6 =	sld [smem:$0x3F8A]  }
0x2c: {  	s7 =	sld [smem:$0x3F8B]  }
0x2d: {  	s3 =	simm.s32 $0x108;
	s8 =	sld [smem:$0x3F8C]  }
0x2e: {  	s3 =	simm.s32 @!p0 $0x1082;
	s9 =	sld [smem:$0x3F8D]  }
0x2f: {  	lr =	sadd.s32 s0, s3;
	s0 =	sld [smem:$0x3F84]  }
0x30: {  	s3 =	sld [smem:$0x3F87]  }
0x31: {  	[smem:$0x3F90] =	sst s10  }
0x32: {  	s10 =	sld [smem:$0x3F8E];
	_ =	sdelay $0x3  }
0x33: {  	p0 =	seq.s32 s10, $0x1;
	s10 =	sld [smem:$0x3F90];
	_ =	sdelay $0x3  }
0x34: {  	[smem:$0x3F90] =	sst s10  }
0x35: {  	s10 =	sld [smem:$0x3F8F];
	_ =	sdelay $0x3  }
0x36: {  	p1 =	seq.s32 s10, $0x1;
	s10 =	sld [smem:$0x3F90];
	_ =	sdelay $0x3  }
0x37: {  	[smem:$0x3F90] =	sst s10  }
0x38: {  	s10 =	sld [smem:$0x3F91]  }
0x39: {  	_ = 	snop;
	(pc) =	sbr.ind lr, $3  }
0x3a: {  	_ = 	snop  }
0x3b: {  	_ = 	snop  }
0x3c: {  	p2 =	seq.s32 s10, $0x1;
	s10 =	sld [smem:$0x3F90]  }
0x3d: {  	_ =	shalt  }
0x3e: {  	_ =	shalt  }
0x3f: {  	_ =	shalt  }
0x40: {  	_ =	shalt  }
0x41: {  	_ =	shalt  }
0x42: {  	_ =	shalt  }
0x43: {  	_ =	shalt  }
0x44: {  	_ =	shalt  }
0x45: {  	_ =	shalt  }
0x46: {  	_ =	shalt  }
0x47: {  	_ =	shalt  }
0x48: {  	_ =	shalt  }
0x49: {  	_ =	shalt  }
0x4a: {  	_ =	shalt  }
0x4b: {  	_ =	shalt  }
0x4c: {  	_ =	shalt  }
0x4d: {  	_ =	shalt  }
0x4e: {  	_ =	shalt  }
0x4f: {  	_ =	shalt  }
0x50: {  	_ =	shalt  }
0x51: {  	_ =	shalt  }
0x52: {  	_ =	shalt  }
0x53: {  	_ =	shalt  }
0x54: {  	_ =	shalt  }
0x55: {  	_ =	shalt  }
0x56: {  	_ =	shalt  }
0x57: {  	_ =	shalt  }
0x58: {  	_ =	shalt  }
0x59: {  	_ =	shalt  }
0x5a: {  	_ =	shalt  }
0x5b: {  	_ =	shalt  }
0x5c: {  	_ =	shalt  }
0x5d: {  	_ =	shalt  }
0x5e: {  	_ =	shalt  }
0x5f: {  	_ =	shalt  }
0x60: {  	_ =	shalt  }
0x61: {  	_ =	shalt  }
0x62: {  	_ =	shalt  }
0x63: {  	_ =	shalt  }
0x64: {  	_ =	shalt  }
0x65: {  	_ =	shalt  }
0x66: {  	_ =	shalt  }
0x67: {  	_ =	shalt  }
0x68: {  	_ =	shalt  }
0x69: {  	_ =	shalt  }
0x6a: {  	_ =	shalt  }
0x6b: {  	_ =	shalt  }
0x6c: {  	_ =	shalt  }
0x6d: {  	_ =	shalt  }
0x6e: {  	_ =	shalt  }
0x6f: {  	_ =	shalt  }
0x70: {  	_ =	shalt  }
0x71: {  	_ =	shalt  }
0x72: {  	_ =	shalt  }
0x73: {  	_ =	shalt  }
0x74: {  	_ =	shalt  }
0x75: {  	_ =	shalt  }
0x76: {  	_ =	shalt  }
0x77: {  	_ =	shalt  }
0x78: {  	_ =	shalt  }
0x79: {  	_ =	shalt  }
0x7a: {  	_ =	shalt  }
0x7b: {  	_ =	shalt  }
0x7c: {  	_ =	shalt  }
0x7d: {  	_ =	shalt  }
0x7e: {  	_ =	shalt  }
0x7f: {  	_ =	shalt  }
0x80: {  	_ =	shalt  }
0x81: {  	_ =	shalt  }
0x82: {  	_ =	shalt  }
0x83: {  	_ =	shalt  }
0x84: {  	_ =	shalt  }
0x85: {  	_ =	shalt  }
0x86: {  	_ =	shalt  }
0x87: {  	_ =	shalt  }
.Lfunc_end0:
.L_simem_size_0:
called_computation.1_lowered:
.L_overlay_start_0:
0x88: {  	s2 =	sld [smem:$0x3FD9]  }
0x89: {  	s3 =	sld [smem:$0x3FFE];
	_ =	sdelay $0x1  }
0x8a: {  	s1 =	srdreg.scid  }
0x8b: {  	s0 =	sand.u32 $0x1, s1  }
0x8c: {  	s16 =	sshll.u32 s0, $0xA;
	s2 =	sadd.s32 s3, s2  }
0x8d: {  	s2 =	sadd.s32 s2, s16  }
0x8e: {  	[smem:$0x3F9C] =	sst s2  }
0x8f: {  	_ = 	snop  }
0x90: {  	(tm) =	ssettm $0x1  }
0x91: {  	s17 =	sld [smem:$0x3FFB];
	_ =	sdelay $0x3  }
0x92: {  	_ =	strace s17  }
0x93: {  	s2 =	sld [smem:$0x3FFC];
	_ =	sdelay $0x3  }
0x94: {  	_ =	strace s2  }
0x95: {  	s2 =	sld [smem:$0x3FFD];
	_ =	sdelay $0x3  }
0x96: {  	_ =	strace s2  }
0x97: {  	_ =	strace $0x8FFFFFFF  }
0x98: {  	s18 =	sld [smem:$0x3FDB];
	_ =	sdelay $0x1  }
0x99: {  	s19 =	simm.s32 $_scs_section_size  }
0x9a: {  	s4 =	simm.s32 $_size__tile_overlayer_lowered;
	s5 =	simm.s32 $_tile_overlayer_lowered  }
0x9b: {  	s22 =	simm.s32 $0x1BFF;
	s21 =	sshll.u32 s5, $0x1;
	s2 =	sadd.s32 s19, s18  }
0x9c: {  	s6 =	simm.s32 $0x0;
	s20 =	sshll.u32 s4, $0x1;
	s4 =	sadd.s32 s21, s2  }
0x9d: {  	[timem:s6], [sflag:s22] =	dma.local [hbm:s4], s20  }
0x9e: {  	_ =	swait.ge [sflag:s22], s20  }
0x9f: {  	s3 =	ssub.s32 $0x0, s20;
	[sflag:s22] =	ssyncset.done $0x0  }
0xa0: {  	[sflag:s22] =	ssyncadd.s32 s3;
	_ =	sdelay $0x1  }
0xa1: {  	s23 =	simm.s32 $0x1B8B  }
0xa2: {  	_ =	swait.ge [sflag:s23], $0x1  }
0xa3: {  	[sflag:s23] =	ssyncset.done $0x0  }
0xa4: {  	s25 =	simm.s32 $0x1B8E;
	s24 =	sld [smem:$0x3FFE];
	[sflag:s23] =	ssyncadd.s32 $0xFFFFFFFF  }
0xa5: {  	s26 =	simm.s32 $execute0_lowered;
	[smem:$0x3FD2] =	sst s25  }
0xa6: {  	s4 =	sshll.u32 s26, $0x1;
	_ =	strace $0x80000049;
	[dreg:$0x1] =	wrdreg $0xFFFFFFFF  }
0xa7: {  	s28 =	simm.s32 $_size_execute0_lowered;
	s2 =	sadd.s32 s2, s4;
	[dreg:$0x0] =	wrdreg $0x0  }
0xa8: {  	s4 =	sshll.u32 s28, $0x1;
	[dreg:$0x2] =	wrdreg s2  }
0xa9: {  	[dreg:$0x3] =	wrdreg s4  }
0xaa: {  	[dreg:$0x4] =	wrdreg $0xC0  }
0xab: {  	_ =	task [dreg:s6], $0x5FFFF  }
0xac: {  	[dreg:$0x1] =	wrdreg $0xFFFFFFFF  }
0xad: {  	[dreg:$0x0] =	wrdreg $0x60  }
0xae: {  	[dreg:$0x2] =	wrdreg s24  }
0xaf: {  	[dreg:$0x3] =	wrdreg $0xBC000  }
0xb0: {  	[dreg:$0x4] =	wrdreg $0x9  }
0xb1: {  	_ =	task.clear_ibuf [dreg:s6], $0x5FFFF;
	_ =	strace $0x90000049  }
0xb2: {  	s29 =	simm.s32 $0x9;
	_ =	strace $0x8000004B  }
0xb3: {  	_ =	swait.ge [sflag:s29], $0x1  }
0xb4: {  	[sflag:s29] =	ssyncadd.s32 $0xFFFFFFFF  }
0xb5: {  	_ =	strace $0x9000004B  }
0xb6: {  	_ =	sfence  }
0xb7: {  	s30 =	sld [smem:$0x0];
	_ =	sdelay $0x2  }
0xb8: {  	s31 =	sshll.u32 s1, $0xD;
	s1 =	sshrl.u32 s1, $0x2  }
0xb9: {  	s3 =	sand.u32 $0x4000, s31;
	s1 =	sadd.s32 s1, s30  }
0xba: {  	s0 =	sor.u32 s3, s0;
	s1 =	sshll.u32 s1, $0x11  }
0xbb: {  	s0 =	sor.u32 s1, s0  }
0xbc: {  	s0 =	sadd.s32 $0x8F2B, s0  }
0xbd: {  	[sflag:s0] =	ssyncadd.remote.s32 $0x1  }
0xbe: {  	_ =	sfence.sel $0xFFFF  }
0xbf: {  	[dreg:$0x0] =	wrdreg $0xFFFFFFFF;
	(pc) =	sbr.abs _section_cstart, $3  }
0xc0: {  	[dreg:$0x1] =	wrdreg $0xFFFFFFFF  }
0xc1: {  	_ =	task.clear_ibuf [dreg:s6], $0x2FFFF;
	_ =	strace $0x9FFFFFFF  }
0xc2: {  	(tm) =	ssettm $0x7FFFFFFF  }
0xc3: {  	_ =	shalt  }
tec
execute0_lowered:
.L_overlay_start_1:
0x0: {  	(tag) =	ssettag $0x1  }
0x1: {  	s0 =	rddreg [dreg:$0x0]  }
0x2: {  	s1 =	rddreg [dreg:$0x1];
	s3 =	simm.s32 $0x0;
	s2 =	srdreg.scid  }
0x3: {  	s13 =	stileid.u32;
	s15 =	simm.s32 $0x4;
	s17 =	simm.s32 $0x28  }
0x4: {  	s18 =	simm.s32 $0x8000;
	s20 =	simm.s32 $0x9400;
	s22 =	simm.s32 $0xA800  }
0x5: {  	s23 =	simm.s32 $0x1;
	s24 =	simm.s32 $0x2;
	s28 =	simm.s32 $0x3F00  }
0x6: {  	s29 =	simm.s32 $0x7E00;
	s30 =	simm.s32 $0x3F80;
	s31 =	simm.s32 $0x7E80  }
0x7: {  	s16 =	simm.s32 $0x0;
	[smem:$0x7FF] =	sst s3;
	s2 =	sand.u32 $0x1, s2  }
0x8: {  	s6 =	sshll.u32 s13, $0xB;
	s4 =	sadd.s32 $0x27600, s0;
	s12 =	sadd.s32 $0x128400, s1  }
0x9: {  	s25 =	smul.u32 $0x4F000, s13;
	p0 =	seq.s32 s13, $0xF;
	_ =	strace $0x8000004A  }
0xa: {  	s5 =	sshll.u32 s2, $0xF;
	s7 =	smul.u32 $0x27100, s2;
	s2 =	ssub.s32 $0x2, s2  }
0xb: {  	s12 =	sshrl.u32 @p0 s12, $0x3;
	s5 =	sor.u32 s6, s5;
	s26 =	sshrl.u32 s2, $0x1  }
0xc: {  	s6 =	sshrl.u32 s25, $0x2;
	s25 =	simm.s32 $0x3;
	s9 =	sadd.s32 s5, s0  }
0xd: {  	s5 =	smul.u32 $0x2780, s13;
	s10 =	sadd.s32 s7, s0;
	s2 =	ssub.s32 s2, s26  }
0xe: {  	s14 =	sadd.s32 s6, s1;
	s7 =	sadd.s32 $0x4C680, s0;
	s0 =	sshll.u32 @!p0 s13, $0x6  }
0xf: {  	s8 =	sadd.s32 $0x7600, s9;
	s9 =	sadd.s32 $0x17600, s9;
	s10 =	sadd.s32 $0x4E800, s10  }
0x10: {  	s11 =	smax.u32 s2, $0x1;
	s13 =	sor.u32 @!p0 $0x1C04, s0;
	s14 =	sshrl.u32 @!p0 s14, $0x3  }
0x11: {  	s0 =	simm.s32 $0x7F00;
	s2 =	simm.s32 $0x7F80;
	s6 =	sadd.s32 s4, s5  }
.LBB2_1:
0x12: {  	s19 =	simm.s32 @p0 $0x1FC4  }
0x13: {  	[spmem:s12], [sflag:s19] =	dma.local @p0 [hbm:s7], $0x2080  }
0x14: {  	s19 =	simm.s32 @p0 $0x4  }
0x15: {  	_ =	swait.ge @p0 [sflag:s19], $0x2080  }
0x16: {  	[sflag:s19] =	ssyncset.done @p0 $0x0  }
0x17: {  	[sflag:s19] =	ssyncadd.s32 @p0 $0xFFFFDF80;
	s19 =	simm.s32 @!p0 $0x4  }
0x18: {  	[spmem:s14], [sflag:s13] =	dma.local @!p0 [hbm:s6], $0x2780  }
0x19: {  	_ =	swait.ge @!p0 [sflag:s19], $0x2780  }
0x1a: {  	[sflag:s19] =	ssyncset.done @!p0 $0x0  }
0x1b: {  	[sflag:s19] =	ssyncadd.s32 @!p0 $0xFFFFD880  }
0x1c: {  	[tilespmem:s3], [sflag:$0x4] =	stream.linear.gather [hbm4b:s8+s3], $0x4000, $0x38;
	[tilespmem:$0x1F800] =	vst v63  }
0x1d: {  	_ =	swait.ge [sflag:s15], $0x4000  }
0x1e: {  	[sflag:s15] =	ssyncset.done $0x0  }
0x1f: {  	s21 =	simm.s32 $0x4000;
	[sflag:s15] =	ssyncadd.s32 $0xFFFFC000  }
0x20: {  	[tilespmem:s21], [sflag:$0x4] =	stream.linear.gather [hbm4b:s9+s3], $0x4000, $0x38;
	[tilespmem:$0x1F800] =	vst v63  }
0x21: {  	_ =	swait.ge [sflag:s15], $0x4000  }
0x22: {  	[sflag:s15] =	ssyncset.done $0x0  }
0x23: {  	[sflag:s15] =	ssyncadd.s32 $0xFFFFC000  }
0x24: {  	[bflag:$0x0] =	sbarrier.arrive $0xFFFF  }
0x25: {  	[tilespmem:s18], [sflag:$0x1] =	stream.indirect.gather [hbm4b:s4+s17], $0x80, s3, s17, $0xb8;
	[tilespmem:$0x1F800] =	vst v63  }
0x26: {  	s26 =	simm.s32 $0x80  }
0x27: {  	[tilespmem:s20], [sflag:$0x2] =	stream.indirect.gather [hbm4b:s4+s17], $0x80, s26, s17, $0xb8;
	[tilespmem:$0x1F800] =	vst v63  }
0x28: {  	s21 =	simm.s32 $0x100  }
0x29: {  	[tilespmem:s22], [sflag:$0x3] =	stream.indirect.gather [hbm4b:s4+s17], $0x80, s21, s17, $0xb8;
	[tilespmem:$0x1F800] =	vst v63  }
0x2a: {  	_ =	swait.ge [sflag:s23], $0x1400  }
0x2b: {  	[sflag:s23] =	ssyncset.done $0x0  }
0x2c: {  	s26 =	simm.s32 $0x4000;
	[sflag:s23] =	ssyncadd.s32 $0xFFFFEC00  }
0x2d: {  	[spmem:s1] =	stream.indirect.scatter.add.f32 [tilespmem:s18], [sflag:$0x4], $0x80, s26, s17, $0xb8;
	[tilespmem:$0x1F800] =	vst v63  }
0x2e: {  	_ =	swait.ge [sflag:s15], $0x1400  }
0x2f: {  	[sflag:s15] =	ssyncset.done $0x0  }
0x30: {  	s21 =	simm.s32 $0x180;
	[sflag:s15] =	ssyncadd.s32 $0xFFFFEC00  }
0x31: {  	[tilespmem:s18], [sflag:$0x1] =	stream.indirect.gather [hbm4b:s4+s17], $0x80, s21, s17, $0xb8;
	[tilespmem:$0x1F800] =	vst v63  }
0x32: {  	_ =	swait.ge [sflag:s24], $0x1400  }
0x33: {  	[sflag:s24] =	ssyncset.done $0x0  }
0x34: {  	s26 =	simm.s32 $0x4080;
	[sflag:s24] =	ssyncadd.s32 $0xFFFFEC00  }
0x35: {  	[spmem:s1] =	stream.indirect.scatter.add.f32 [tilespmem:s20], [sflag:$0x4], $0x80, s26, s17, $0xb8;
	[tilespmem:$0x1F800] =	vst v63  }
0x36: {  	_ =	swait.ge [sflag:s15], $0x1400  }
0x37: {  	[sflag:s15] =	ssyncset.done $0x0  }
0x38: {  	s21 =	simm.s32 $0x200;
	[sflag:s15] =	ssyncadd.s32 $0xFFFFEC00  }
0x39: {  	[tilespmem:s20], [sflag:$0x2] =	stream.indirect.gather [hbm4b:s4+s17], $0x80, s21, s17, $0xb8;
	[tilespmem:$0x1F800] =	vst v63  }
0x3a: {  	_ =	swait.ge [sflag:s25], $0x1400  }
0x3b: {  	[sflag:s25] =	ssyncset.done $0x0  }
0x3c: {  	s26 =	simm.s32 $0x4100;
	[sflag:s25] =	ssyncadd.s32 $0xFFFFEC00  }
0x3d: {  	[spmem:s1] =	stream.indirect.scatter.add.f32 [tilespmem:s22], [sflag:$0x4], $0x80, s26, s17, $0xb8;
	[tilespmem:$0x1F800] =	vst v63  }
0x3e: {  	_ =	swait.ge [sflag:s15], $0x1400  }
0x3f: {  	[sflag:s15] =	ssyncset.done $0x0  }
0x40: {  	s19 =	simm.s32 $0x600;
	s21 =	simm.s32 $0x280;
	[sflag:s15] =	ssyncadd.s32 $0xFFFFEC00  }
.LBB2_2:
0x41: {  	[tilespmem:s22], [sflag:$0x3] =	stream.indirect.gather [hbm4b:s4+s17], $0x80, s21, s17, $0xb8;
	[tilespmem:$0x1F800] =	vst v63  }
0x42: {  	s21 =	smov.u32 s19  }
0x43: {  	p1 =	sne.s32 s19, $0xF000;
	s19 =	sadd.s32 $0x600, s19;
	_ =	swait.ge [sflag:s23], $0x1400  }
0x44: {  	s21 =	sshra.s32 s21, $0x2;
	[sflag:s23] =	ssyncset.done $0x0  }
0x45: {  	s26 =	sadd.s32 $0x4000, s21;
	[sflag:s23] =	ssyncadd.s32 $0xFFFFEC00  }
0x46: {  	[spmem:s1] =	stream.indirect.scatter.add.f32 [tilespmem:s18], [sflag:$0x4], $0x80, s26, s17, $0xb8;
	[tilespmem:$0x1F800] =	vst v63  }
0x47: {  	_ =	swait.ge [sflag:s15], $0x1400  }
0x48: {  	[sflag:s15] =	ssyncset.done $0x0  }
0x49: {  	s26 =	sadd.s32 $0x180, s21;
	[sflag:s15] =	ssyncadd.s32 $0xFFFFEC00  }
0x4a: {  	[tilespmem:s18], [sflag:$0x1] =	stream.indirect.gather [hbm4b:s4+s17], $0x80, s26, s17, $0xb8;
	[tilespmem:$0x1F800] =	vst v63  }
0x4b: {  	_ =	swait.ge [sflag:s24], $0x1400  }
0x4c: {  	[sflag:s24] =	ssyncset.done $0x0  }
0x4d: {  	s26 =	sadd.s32 $0x4080, s21;
	[sflag:s24] =	ssyncadd.s32 $0xFFFFEC00  }
0x4e: {  	[spmem:s1] =	stream.indirect.scatter.add.f32 [tilespmem:s20], [sflag:$0x4], $0x80, s26, s17, $0xb8;
	[tilespmem:$0x1F800] =	vst v63  }
0x4f: {  	_ =	swait.ge [sflag:s15], $0x1400  }
0x50: {  	[sflag:s15] =	ssyncset.done $0x0  }
0x51: {  	s26 =	sadd.s32 $0x200, s21;
	[sflag:s15] =	ssyncadd.s32 $0xFFFFEC00  }
0x52: {  	[tilespmem:s20], [sflag:$0x2] =	stream.indirect.gather [hbm4b:s4+s17], $0x80, s26, s17, $0xb8;
	[tilespmem:$0x1F800] =	vst v63  }
0x53: {  	_ =	swait.ge [sflag:s25], $0x1400  }
0x54: {  	[sflag:s25] =	ssyncset.done $0x0  }
.Ltmp0:
0x55: {  	s26 =	sadd.s32 $0x4100, s21;
	[sflag:s25] =	ssyncadd.s32 $0xFFFFEC00;
	(pc) =	sbr.rel @p1 .LBB2_2-.Ltmp0, $4  }
0x56: {  	[spmem:s1] =	stream.indirect.scatter.add.f32 [tilespmem:s22], [sflag:$0x4], $0x80, s26, s17, $0xb8;
	[tilespmem:$0x1F800] =	vst v63  }
0x57: {  	_ =	swait.ge [sflag:s15], $0x1400  }
0x58: {  	[sflag:s15] =	ssyncset.done $0x0  }
0x59: {  	s21 =	sadd.s32 $0x280, s21;
	[sflag:s15] =	ssyncadd.s32 $0xFFFFEC00  }
0x5a: {  	[tilespmem:s22], [sflag:$0x3] =	stream.indirect.gather [hbm4b:s4+s17], $0x80, s21, s17, $0xb8;
	[tilespmem:$0x1F800] =	vst v63  }
0x5b: {  	_ =	swait.ge [sflag:s23], $0x1400  }
0x5c: {  	[sflag:s23] =	ssyncset.done $0x0  }
0x5d: {  	s19 =	simm.s32 $0x7D80;
	[sflag:s23] =	ssyncadd.s32 $0xFFFFEC00  }
0x5e: {  	[spmem:s1] =	stream.indirect.scatter.add.f32 [tilespmem:s18], [sflag:$0x4], $0x80, s19, s17, $0xb8;
	[tilespmem:$0x1F800] =	vst v63  }
0x5f: {  	_ =	swait.ge [sflag:s15], $0x1400  }
0x60: {  	[sflag:s15] =	ssyncset.done $0x0  }
0x61: {  	[sflag:s15] =	ssyncadd.s32 $0xFFFFEC00  }
0x62: {  	[tilespmem:s18], [sflag:$0x1] =	stream.indirect.gather [hbm4b:s4+s17], $0x80, s28, s17, $0xb8;
	[tilespmem:$0x1F800] =	vst v63  }
0x63: {  	_ =	swait.ge [sflag:s24], $0x1400  }
0x64: {  	[sflag:s24] =	ssyncset.done $0x0  }
0x65: {  	[sflag:s24] =	ssyncadd.s32 $0xFFFFEC00  }
0x66: {  	[spmem:s1] =	stream.indirect.scatter.add.f32 [tilespmem:s20], [sflag:$0x4], $0x80, s29, s17, $0xb8;
	[tilespmem:$0x1F800] =	vst v63  }
0x67: {  	_ =	swait.ge [sflag:s15], $0x1400  }
0x68: {  	[sflag:s15] =	ssyncset.done $0x0  }
0x69: {  	[sflag:s15] =	ssyncadd.s32 $0xFFFFEC00  }
0x6a: {  	[tilespmem:s20], [sflag:$0x2] =	stream.indirect.gather [hbm4b:s4+s17], $0x80, s30, s17, $0xb8;
	[tilespmem:$0x1F800] =	vst v63  }
0x6b: {  	_ =	swait.ge [sflag:s25], $0x1400  }
0x6c: {  	[sflag:s25] =	ssyncset.done $0x0  }
0x6d: {  	[sflag:s25] =	ssyncadd.s32 $0xFFFFEC00  }
0x6e: {  	[spmem:s1] =	stream.indirect.scatter.add.f32 [tilespmem:s22], [sflag:$0x4], $0x80, s31, s17, $0xb8;
	[tilespmem:$0x1F800] =	vst v63  }
0x6f: {  	_ =	swait.ge [sflag:s15], $0x1400  }
0x70: {  	[sflag:s15] =	ssyncset.done $0x0  }
0x71: {  	[sflag:s15] =	ssyncadd.s32 $0xFFFFEC00  }
0x72: {  	_ =	swait.ge [sflag:s23], $0x1400  }
0x73: {  	[sflag:s23] =	ssyncset.done $0x0  }
0x74: {  	[sflag:s23] =	ssyncadd.s32 $0xFFFFEC00  }
0x75: {  	[spmem:s1] =	stream.indirect.scatter.add.f32 [tilespmem:s18], [sflag:$0x4], $0x80, s0, s17, $0xb8;
	[tilespmem:$0x1F800] =	vst v63  }
0x76: {  	_ =	swait.ge [sflag:s15], $0x1400  }
0x77: {  	[sflag:s15] =	ssyncset.done $0x0  }
0x78: {  	[sflag:s15] =	ssyncadd.s32 $0xFFFFEC00  }
0x79: {  	_ =	swait.ge [sflag:s24], $0x1400  }
0x7a: {  	[sflag:s24] =	ssyncset.done $0x0  }
0x7b: {  	[sflag:s24] =	ssyncadd.s32 $0xFFFFEC00  }
0x7c: {  	[spmem:s1] =	stream.indirect.scatter.add.f32 [tilespmem:s20], [sflag:$0x4], $0x80, s2, s17, $0xb8;
	[tilespmem:$0x1F800] =	vst v63  }
0x7d: {  	_ =	swait.ge [sflag:s15], $0x1400  }
0x7e: {  	[sflag:s15] =	ssyncset.done $0x0  }
0x7f: {  	[sflag:s15] =	ssyncadd.s32 $0xFFFFEC00  }
0x80: {  	s21 =	simm.s32 @p0 $0x1FC4;
	s19 =	sadd.s32 @p0 $0x25080, s10;
	[bflag:$0x0] =	sbarrier.arrive $0xFFFF  }
0x81: {  	[hbm:s19], [sflag:s21] =	dma.local @p0 [spmem:s12], $0x2080  }
0x82: {  	s19 =	simm.s32 @p0 $0x4  }
0x83: {  	_ =	swait.ge @p0 [sflag:s19], $0x2080  }
0x84: {  	s16 =	sadd.s32 $0x1, s16;
	[sflag:s19] =	ssyncset.done @p0 $0x0  }
0x85: {  	p1 =	sne.s32 s16, s11;
	[sflag:s19] =	ssyncadd.s32 @p0 $0xFFFFDF80;
	s19 =	sadd.s32 @!p0 s5, s10  }
0x86: {  	[hbm:s19], [sflag:s13] =	dma.local @!p0 [spmem:s14], $0x2780  }
.Ltmp1:
0x87: {  	_ = 	snop;
	(pc) =	sbr.rel @p1 .LBB2_1-.Ltmp1, $4  }
0x88: {  	s19 =	simm.s32 @!p0 $0x4  }
0x89: {  	_ =	swait.ge @!p0 [sflag:s19], $0x2780  }
0x8a: {  	[sflag:s19] =	ssyncset.done @!p0 $0x0  }
0x8b: {  	[sflag:s19] =	ssyncadd.s32 @!p0 $0xFFFFD880  }
0x8c: {  	_ =	sfence.sel $0x180000  }
0x8d: {  	[bflag:$0x0] =	sbarrier.arrive $0xFFFF  }
0x8e: {  	_ =	strace $0x9000004A  }
0x8f: {  	s0 =	stileid.u32;
	[bflag:$0x2] =	sbarrier.arrive $0xFFFF  }
0x90: {  	p0 =	sne.s32 s0, $0x0;
	s0 =	rddreg [dreg:$0x2]  }
0x91: {  	s0 =	sadd.s32 @!p0 $0x100000, s0  }
0x92: {  	[sflag:s0] =	ssyncadd.tile.s32 @!p0 $0x1;
	_ =	shalt  }
.Lfunc_end2:
_tile_overlayer_lowered:
.L_overlay_start_2:
0x93: {  	(tag) =	ssettag $0x2  }
0x94: {  	s0 =	rddreg [dreg:$0x0];
	s2 =	stileid.u32  }
0x95: {  	s1 =	rddreg [dreg:$0x1];
	p0 =	sne.s32 s2, $0x0  }
0x96: {  	s3 =	rddreg [dreg:$0x2];
	[bflag:$0x3] =	sbarrier.arrive $0xFFFF;
	s2 =	simm.s32 @!p0 $0x1C04  }
0x97: {  	[timem:s3], [sflag:s2] =	dma.local @!p0 [hbm:s0], s1  }
0x98: {  	s0 =	simm.s32 @!p0 $0x4  }
0x99: {  	_ =	swait.ge @!p0 [sflag:s0], s1  }
0x9a: {  	s1 =	ssub.s32 @!p0 $0x0, s1;
	[sflag:s0] =	ssyncset.done @!p0 $0x0  }
0x9b: {  	[sflag:s0] =	ssyncadd.s32 @!p0 s1  }
0x9c: {  	[bflag:$0x3] =	sbarrier.arrive $0xFFFF  }
0x9d: {  	_ =	shalt  }

// kernel: kernel.17.cloned.1.call-start
scs
__scs_entry_jumppad:
0x0: {  	(pc) =	sbr.rel $0x88, $3  }
0x1: {  	(tag) =	ssettag $0x0;
	lr =	simm.s32 $0x1  }
0x2: {  	[smem:$0x3F75] =	sst lr;
	_ =	strace $0xD0000000  }
0x3: {  	_ = 	snop  }
0x4: {  	_ = 	snop  }
0x5: {  	_ = 	snop  }
0x6: {  	_ = 	snop  }
0x7: {  	_ = 	snop  }
__scs_overlays_trampoline_lowered:
0x8: {  	[smem:$0x3F84] =	sst s0  }
0x9: {  	[smem:$0x3F85] =	sst s1  }
0xa: {  	[smem:$0x3F86] =	sst s2  }
0xb: {  	[smem:$0x3F87] =	sst s3  }
0xc: {  	[smem:$0x3F88] =	sst s4  }
0xd: {  	[smem:$0x3F89] =	sst s5  }
0xe: {  	[smem:$0x3F8A] =	sst s6  }
0xf: {  	[smem:$0x3F8B] =	sst s7  }
0x10: {  	[smem:$0x3F8C] =	sst s8  }
0x11: {  	[smem:$0x3F8D] =	sst s9;
	s0 =	simm.s32 @!p0 $0x0  }
0x12: {  	s1 =	sld [smem:$0x3F73];
	s0 =	simm.s32 @p0 $0x1  }
0x13: {  	[smem:$0x3F8E] =	sst s0;
	s0 =	simm.s32 @!p1 $0x0  }
0x14: {  	s2 =	sld [smem:$0x3F72];
	s0 =	simm.s32 @p1 $0x1  }
0x15: {  	[smem:$0x3F8F] =	sst s0;
	s0 =	simm.s32 @!p2 $0x0  }
0x16: {  	s3 =	sld [smem:$0x3FDB];
	s0 =	simm.s32 @p2 $0x1  }
0x17: {  	s4 =	simm.s32 $0x1BF5;
	[smem:$0x3F91] =	sst s0  }
0x18: {  	s0 =	sld [smem:$0x3F74];
	_ =	swait.ge [sflag:s4], $0x0  }
0x19: {  	s7 =	sld [smem:$0x3F75]  }
0x1a: {  	s8 =	sadd.s32 $0xFFFFE003, lr  }
0x1b: {  	s9 =	sadd.s32 $0xFFFFFEF7, lr;
	s5 =	simm.s32 $0xFFFFFFFF;
	p2 =	slt.u32 s8, $0xFFFFF086  }
0x1c: {  	p1 =	slt.u32 s9, $0xF7A;
	s5 =	simm.s32 @!p2 $0x0  }
0x1d: {  	s5 =	simm.s32 @p1 $0x1;
	p0 =	seq.s32 s7, s2  }
0x1e: {  	s7 =	smul.u32 @!p0 $0xF7A, s2;
	p2 =	seq.s32 @!p0 s5, $0x0  }
0x1f: {  	s9 =	smul.u32 $0xF7A, s1;
	s8 =	simm.s32 @!p0 $0x1BF5;
	p2 =	por !p2, p0  }
0x20: {  	[sflag:s8] =	ssyncset.s32 @!p0 $0xFFFFF086;
	s6 =	sadd.s32 @!p0 s3, s7;
	s7 =	simm.s32 @!p0 $0x108  }
0x21: {  	s3 =	sadd.s32 s3, s9;
	s6 =	sadd.s32 @!p0 $0x88, s6;
	s7 =	simm.s32 @p2 $0x1082  }
0x22: {  	[simem:s7], [sflag:s8] =	dma.local @!p0 [hbm:s6], $0xF7A  }
0x23: {  	s9 =	sor.u32 $0xD0000000, s2;
	s6 =	simm.s32 $0x108;
	_ =	swait.ge @!p0 [sflag:s8], $0x0  }
0x24: {  	s3 =	sadd.s32 $0x88, s3;
	s6 =	simm.s32 @!p1 $0x1082;
	[sflag:s4] =	ssyncset.s32 $0xFFFFF086  }
0x25: {  	[simem:s6], [sflag:s4] =	dma.local [hbm:s3], $0xF7A  }
0x26: {  	[smem:$0x3F75] =	sst s1;
	(tag) =	ssettag s2;
	_ =	strace s9  }
0x27: {  	s1 =	sld [smem:$0x3F85]  }
0x28: {  	s2 =	sld [smem:$0x3F86]  }
0x29: {  	s4 =	sld [smem:$0x3F88]  }
0x2a: {  	p0 =	seq.s32 s5, $0x0;
	s5 =	sld [smem:$0x3F89]  }
0x2b: {  	s6 =	sld [smem:$0x3F8A]  }
0x2c: {  	s7 =	sld [smem:$0x3F8B]  }
0x2d: {  	s3 =	simm.s32 $0x108;
	s8 =	sld [smem:$0x3F8C]  }
0x2e: {  	s3 =	simm.s32 @!p0 $0x1082;
	s9 =	sld [smem:$0x3F8D]  }
0x2f: {  	lr =	sadd.s32 s0, s3;
	s0 =	sld [smem:$0x3F84]  }
0x30: {  	s3 =	sld [smem:$0x3F87]  }
0x31: {  	[smem:$0x3F90] =	sst s10  }
0x32: {  	s10 =	sld [smem:$0x3F8E];
	_ =	sdelay $0x3  }
0x33: {  	p0 =	seq.s32 s10, $0x1;
	s10 =	sld [smem:$0x3F90];
	_ =	sdelay $0x3  }
0x34: {  	[smem:$0x3F90] =	sst s10  }
0x35: {  	s10 =	sld [smem:$0x3F8F];
	_ =	sdelay $0x3  }
0x36: {  	p1 =	seq.s32 s10, $0x1;
	s10 =	sld [smem:$0x3F90];
	_ =	sdelay $0x3  }
0x37: {  	[smem:$0x3F90] =	sst s10  }
0x38: {  	s10 =	sld [smem:$0x3F91]  }
0x39: {  	_ = 	snop;
	(pc) =	sbr.ind lr, $3  }
0x3a: {  	_ = 	snop  }
0x3b: {  	_ = 	snop  }
0x3c: {  	p2 =	seq.s32 s10, $0x1;
	s10 =	sld [smem:$0x3F90]  }
0x3d: {  	_ =	shalt  }
0x3e: {  	_ =	shalt  }
0x3f: {  	_ =	shalt  }
0x40: {  	_ =	shalt  }
0x41: {  	_ =	shalt  }
0x42: {  	_ =	shalt  }
0x43: {  	_ =	shalt  }
0x44: {  	_ =	shalt  }
0x45: {  	_ =	shalt  }
0x46: {  	_ =	shalt  }
0x47: {  	_ =	shalt  }
0x48: {  	_ =	shalt  }
0x49: {  	_ =	shalt  }
0x4a: {  	_ =	shalt  }
0x4b: {  	_ =	shalt  }
0x4c: {  	_ =	shalt  }
0x4d: {  	_ =	shalt  }
0x4e: {  	_ =	shalt  }
0x4f: {  	_ =	shalt  }
0x50: {  	_ =	shalt  }
0x51: {  	_ =	shalt  }
0x52: {  	_ =	shalt  }
0x53: {  	_ =	shalt  }
0x54: {  	_ =	shalt  }
0x55: {  	_ =	shalt  }
0x56: {  	_ =	shalt  }
0x57: {  	_ =	shalt  }
0x58: {  	_ =	shalt  }
0x59: {  	_ =	shalt  }
0x5a: {  	_ =	shalt  }
0x5b: {  	_ =	shalt  }
0x5c: {  	_ =	shalt  }
0x5d: {  	_ =	shalt  }
0x5e: {  	_ =	shalt  }
0x5f: {  	_ =	shalt  }
0x60: {  	_ =	shalt  }
0x61: {  	_ =	shalt  }
0x62: {  	_ =	shalt  }
0x63: {  	_ =	shalt  }
0x64: {  	_ =	shalt  }
0x65: {  	_ =	shalt  }
0x66: {  	_ =	shalt  }
0x67: {  	_ =	shalt  }
0x68: {  	_ =	shalt  }
0x69: {  	_ =	shalt  }
0x6a: {  	_ =	shalt  }
0x6b: {  	_ =	shalt  }
0x6c: {  	_ =	shalt  }
0x6d: {  	_ =	shalt  }
0x6e: {  	_ =	shalt  }
0x6f: {  	_ =	shalt  }
0x70: {  	_ =	shalt  }
0x71: {  	_ =	shalt  }
0x72: {  	_ =	shalt  }
0x73: {  	_ =	shalt  }
0x74: {  	_ =	shalt  }
0x75: {  	_ =	shalt  }
0x76: {  	_ =	shalt  }
0x77: {  	_ =	shalt  }
0x78: {  	_ =	shalt  }
0x79: {  	_ =	shalt  }
0x7a: {  	_ =	shalt  }
0x7b: {  	_ =	shalt  }
0x7c: {  	_ =	shalt  }
0x7d: {  	_ =	shalt  }
0x7e: {  	_ =	shalt  }
0x7f: {  	_ =	shalt  }
0x80: {  	_ =	shalt  }
0x81: {  	_ =	shalt  }
0x82: {  	_ =	shalt  }
0x83: {  	_ =	shalt  }
0x84: {  	_ =	shalt  }
0x85: {  	_ =	shalt  }
0x86: {  	_ =	shalt  }
0x87: {  	_ =	shalt  }
.Lfunc_end0:
.L_simem_size_0:
called_computation.2_lowered:
.L_overlay_start_0:
0x88: {  	s2 =	sld [smem:$0x3FD9]  }
0x89: {  	s3 =	sld [smem:$0x3FFE];
	_ =	sdelay $0x1  }
0x8a: {  	s1 =	srdreg.scid  }
0x8b: {  	s0 =	sand.u32 $0x1, s1  }
0x8c: {  	s16 =	sshll.u32 s0, $0xA;
	s2 =	sadd.s32 s3, s2  }
0x8d: {  	s2 =	sadd.s32 s2, s16  }
0x8e: {  	[smem:$0x3F9C] =	sst s2  }
0x8f: {  	_ = 	snop  }
0x90: {  	(tm) =	ssettm $0x1  }
0x91: {  	s17 =	sld [smem:$0x3FFB];
	_ =	sdelay $0x3  }
0x92: {  	_ =	strace s17  }
0x93: {  	s2 =	sld [smem:$0x3FFC];
	_ =	sdelay $0x3  }
0x94: {  	_ =	strace s2  }
0x95: {  	s2 =	sld [smem:$0x3FFD];
	_ =	sdelay $0x3  }
0x96: {  	_ =	strace s2  }
0x97: {  	_ =	strace $0x8FFFFFFF  }
0x98: {  	s18 =	sld [smem:$0x3FDB];
	_ =	sdelay $0x1  }
0x99: {  	s19 =	simm.s32 $_scs_section_size  }
0x9a: {  	s4 =	simm.s32 $_size__tile_overlayer_lowered;
	s5 =	simm.s32 $_tile_overlayer_lowered  }
0x9b: {  	s22 =	simm.s32 $0x1BFF;
	s21 =	sshll.u32 s5, $0x1;
	s2 =	sadd.s32 s19, s18  }
0x9c: {  	s6 =	simm.s32 $0x0;
	s20 =	sshll.u32 s4, $0x1;
	s4 =	sadd.s32 s21, s2  }
0x9d: {  	[timem:s6], [sflag:s22] =	dma.local [hbm:s4], s20  }
0x9e: {  	_ =	swait.ge [sflag:s22], s20  }
0x9f: {  	s3 =	ssub.s32 $0x0, s20;
	[sflag:s22] =	ssyncset.done $0x0  }
0xa0: {  	[sflag:s22] =	ssyncadd.s32 s3;
	_ =	sdelay $0x1  }
0xa1: {  	s23 =	simm.s32 $0x1B8B  }
0xa2: {  	_ =	swait.ge [sflag:s23], $0x1  }
0xa3: {  	[sflag:s23] =	ssyncset.done $0x0  }
0xa4: {  	s25 =	simm.s32 $0x1B8E;
	s24 =	sld [smem:$0x3FFE];
	[sflag:s23] =	ssyncadd.s32 $0xFFFFFFFF  }
0xa5: {  	s26 =	simm.s32 $execute0_lowered;
	[smem:$0x3FD2] =	sst s25  }
0xa6: {  	s4 =	sshll.u32 s26, $0x1;
	_ =	strace $0x8000004C;
	[dreg:$0x1] =	wrdreg $0xFFFFFFFF  }
0xa7: {  	s28 =	simm.s32 $_size_execute0_lowered;
	s2 =	sadd.s32 s2, s4;
	[dreg:$0x0] =	wrdreg $0x0  }
0xa8: {  	s4 =	sshll.u32 s28, $0x1;
	[dreg:$0x2] =	wrdreg s2  }
0xa9: {  	[dreg:$0x3] =	wrdreg s4  }
0xaa: {  	[dreg:$0x4] =	wrdreg $0xC0  }
0xab: {  	_ =	task [dreg:s6], $0x5FFFF  }
0xac: {  	[dreg:$0x1] =	wrdreg $0xFFFFFFFF  }
0xad: {  	[dreg:$0x0] =	wrdreg $0x60  }
0xae: {  	[dreg:$0x2] =	wrdreg s24  }
0xaf: {  	[dreg:$0x3] =	wrdreg $0xBC000  }
0xb0: {  	[dreg:$0x4] =	wrdreg $0x9  }
0xb1: {  	_ =	task.clear_ibuf [dreg:s6], $0x5FFFF;
	_ =	strace $0x9000004C  }
0xb2: {  	s29 =	simm.s32 $0x9;
	_ =	strace $0x8000004E  }
0xb3: {  	_ =	swait.ge [sflag:s29], $0x1  }
0xb4: {  	[sflag:s29] =	ssyncadd.s32 $0xFFFFFFFF  }
0xb5: {  	_ =	strace $0x9000004E  }
0xb6: {  	_ =	sfence  }
0xb7: {  	s30 =	sld [smem:$0x0];
	_ =	sdelay $0x2  }
0xb8: {  	s31 =	sshll.u32 s1, $0xD;
	s1 =	sshrl.u32 s1, $0x2  }
0xb9: {  	s3 =	sand.u32 $0x4000, s31;
	s1 =	sadd.s32 s1, s30  }
0xba: {  	s0 =	sor.u32 s3, s0;
	s1 =	sshll.u32 s1, $0x11  }
0xbb: {  	s0 =	sor.u32 s1, s0  }
0xbc: {  	s0 =	sadd.s32 $0x8F2B, s0  }
0xbd: {  	[sflag:s0] =	ssyncadd.remote.s32 $0x1  }
0xbe: {  	_ =	sfence.sel $0xFFFF  }
0xbf: {  	[dreg:$0x0] =	wrdreg $0xFFFFFFFF;
	(pc) =	sbr.abs _section_cstart, $3  }
0xc0: {  	[dreg:$0x1] =	wrdreg $0xFFFFFFFF  }
0xc1: {  	_ =	task.clear_ibuf [dreg:s6], $0x2FFFF;
	_ =	strace $0x9FFFFFFF  }
0xc2: {  	(tm) =	ssettm $0x7FFFFFFF  }
0xc3: {  	_ =	shalt  }
tec
execute0_lowered:
.L_overlay_start_1:
0x0: {  	(tag) =	ssettag $0x1  }
0x1: {  	s0 =	rddreg [dreg:$0x0]  }
0x2: {  	s1 =	rddreg [dreg:$0x1];
	s3 =	simm.s32 $0x0;
	s2 =	srdreg.scid  }
0x3: {  	s13 =	stileid.u32;
	s15 =	simm.s32 $0x4;
	s17 =	simm.s32 $0x28  }
0x4: {  	s18 =	simm.s32 $0x8000;
	s20 =	simm.s32 $0x9400;
	s22 =	simm.s32 $0xA800  }
0x5: {  	s23 =	simm.s32 $0x1;
	s24 =	simm.s32 $0x2;
	s28 =	simm.s32 $0x3F00  }
0x6: {  	s29 =	simm.s32 $0x7E00;
	s30 =	simm.s32 $0x3F80;
	s31 =	simm.s32 $0x7E80  }
0x7: {  	s16 =	simm.s32 $0x0;
	[smem:$0x7FF] =	sst s3;
	s2 =	sand.u32 $0x1, s2  }
0x8: {  	s6 =	sshll.u32 s13, $0xB;
	s4 =	sadd.s32 $0x27600, s0;
	s12 =	sadd.s32 $0x128400, s1  }
0x9: {  	s25 =	smul.u32 $0x4F000, s13;
	p0 =	seq.s32 s13, $0xF;
	_ =	strace $0x8000004D  }
0xa: {  	s5 =	sshll.u32 s2, $0xF;
	s7 =	smul.u32 $0x27100, s2;
	s2 =	ssub.s32 $0x2, s2  }
0xb: {  	s12 =	sshrl.u32 @p0 s12, $0x3;
	s5 =	sor.u32 s6, s5;
	s26 =	sshrl.u32 s2, $0x1  }
0xc: {  	s6 =	sshrl.u32 s25, $0x2;
	s25 =	simm.s32 $0x3;
	s9 =	sadd.s32 s5, s0  }
0xd: {  	s5 =	smul.u32 $0x2780, s13;
	s10 =	sadd.s32 s7, s0;
	s2 =	ssub.s32 s2, s26  }
0xe: {  	s14 =	sadd.s32 s6, s1;
	s7 =	sadd.s32 $0x4C680, s0;
	s0 =	sshll.u32 @!p0 s13, $0x6  }
0xf: {  	s8 =	sadd.s32 $0x7600, s9;
	s9 =	sadd.s32 $0x17600, s9;
	s10 =	sadd.s32 $0x4E800, s10  }
0x10: {  	s11 =	smax.u32 s2, $0x1;
	s13 =	sor.u32 @!p0 $0x1C04, s0;
	s14 =	sshrl.u32 @!p0 s14, $0x3  }
0x11: {  	s0 =	simm.s32 $0x7F00;
	s2 =	simm.s32 $0x7F80;
	s6 =	sadd.s32 s4, s5  }
.LBB2_1:
0x12: {  	s19 =	simm.s32 @p0 $0x1FC4  }
0x13: {  	[spmem:s12], [sflag:s19] =	dma.local @p0 [hbm:s7], $0x2080  }
0x14: {  	s19 =	simm.s32 @p0 $0x4  }
0x15: {  	_ =	swait.ge @p0 [sflag:s19], $0x2080  }
0x16: {  	[sflag:s19] =	ssyncset.done @p0 $0x0  }
0x17: {  	[sflag:s19] =	ssyncadd.s32 @p0 $0xFFFFDF80;
	s19 =	simm.s32 @!p0 $0x4  }
0x18: {  	[spmem:s14], [sflag:s13] =	dma.local @!p0 [hbm:s6], $0x2780  }
0x19: {  	_ =	swait.ge @!p0 [sflag:s19], $0x2780  }
0x1a: {  	[sflag:s19] =	ssyncset.done @!p0 $0x0  }
0x1b: {  	[sflag:s19] =	ssyncadd.s32 @!p0 $0xFFFFD880  }
0x1c: {  	[tilespmem:s3], [sflag:$0x4] =	stream.linear.gather [hbm4b:s8+s3], $0x4000, $0x38;
	[tilespmem:$0x1F800] =	vst v63  }
0x1d: {  	_ =	swait.ge [sflag:s15], $0x4000  }
0x1e: {  	[sflag:s15] =	ssyncset.done $0x0  }
0x1f: {  	s21 =	simm.s32 $0x4000;
	[sflag:s15] =	ssyncadd.s32 $0xFFFFC000  }
0x20: {  	[tilespmem:s21], [sflag:$0x4] =	stream.linear.gather [hbm4b:s9+s3], $0x4000, $0x38;
	[tilespmem:$0x1F800] =	vst v63  }
0x21: {  	_ =	swait.ge [sflag:s15], $0x4000  }
0x22: {  	[sflag:s15] =	ssyncset.done $0x0  }
0x23: {  	[sflag:s15] =	ssyncadd.s32 $0xFFFFC000  }
0x24: {  	[bflag:$0x0] =	sbarrier.arrive $0xFFFF  }
0x25: {  	[tilespmem:s18], [sflag:$0x1] =	stream.indirect.gather [hbm4b:s4+s17], $0x80, s3, s17, $0xb8;
	[tilespmem:$0x1F800] =	vst v63  }
0x26: {  	s26 =	simm.s32 $0x80  }
0x27: {  	[tilespmem:s20], [sflag:$0x2] =	stream.indirect.gather [hbm4b:s4+s17], $0x80, s26, s17, $0xb8;
	[tilespmem:$0x1F800] =	vst v63  }
0x28: {  	s21 =	simm.s32 $0x100  }
0x29: {  	[tilespmem:s22], [sflag:$0x3] =	stream.indirect.gather [hbm4b:s4+s17], $0x80, s21, s17, $0xb8;
	[tilespmem:$0x1F800] =	vst v63  }
0x2a: {  	_ =	swait.ge [sflag:s23], $0x1400  }
0x2b: {  	[sflag:s23] =	ssyncset.done $0x0  }
0x2c: {  	s26 =	simm.s32 $0x4000;
	[sflag:s23] =	ssyncadd.s32 $0xFFFFEC00  }
0x2d: {  	[spmem:s1] =	stream.indirect.scatter.add.f32 [tilespmem:s18], [sflag:$0x4], $0x80, s26, s17, $0xb8;
	[tilespmem:$0x1F800] =	vst v63  }
0x2e: {  	_ =	swait.ge [sflag:s15], $0x1400  }
0x2f: {  	[sflag:s15] =	ssyncset.done $0x0  }
0x30: {  	s21 =	simm.s32 $0x180;
	[sflag:s15] =	ssyncadd.s32 $0xFFFFEC00  }
0x31: {  	[tilespmem:s18], [sflag:$0x1] =	stream.indirect.gather [hbm4b:s4+s17], $0x80, s21, s17, $0xb8;
	[tilespmem:$0x1F800] =	vst v63  }
0x32: {  	_ =	swait.ge [sflag:s24], $0x1400  }
0x33: {  	[sflag:s24] =	ssyncset.done $0x0  }
0x34: {  	s26 =	simm.s32 $0x4080;
	[sflag:s24] =	ssyncadd.s32 $0xFFFFEC00  }
0x35: {  	[spmem:s1] =	stream.indirect.scatter.add.f32 [tilespmem:s20], [sflag:$0x4], $0x80, s26, s17, $0xb8;
	[tilespmem:$0x1F800] =	vst v63  }
0x36: {  	_ =	swait.ge [sflag:s15], $0x1400  }
0x37: {  	[sflag:s15] =	ssyncset.done $0x0  }
0x38: {  	s21 =	simm.s32 $0x200;
	[sflag:s15] =	ssyncadd.s32 $0xFFFFEC00  }
0x39: {  	[tilespmem:s20], [sflag:$0x2] =	stream.indirect.gather [hbm4b:s4+s17], $0x80, s21, s17, $0xb8;
	[tilespmem:$0x1F800] =	vst v63  }
0x3a: {  	_ =	swait.ge [sflag:s25], $0x1400  }
0x3b: {  	[sflag:s25] =	ssyncset.done $0x0  }
0x3c: {  	s26 =	simm.s32 $0x4100;
	[sflag:s25] =	ssyncadd.s32 $0xFFFFEC00  }
0x3d: {  	[spmem:s1] =	stream.indirect.scatter.add.f32 [tilespmem:s22], [sflag:$0x4], $0x80, s26, s17, $0xb8;
	[tilespmem:$0x1F800] =	vst v63  }
0x3e: {  	_ =	swait.ge [sflag:s15], $0x1400  }
0x3f: {  	[sflag:s15] =	ssyncset.done $0x0  }
0x40: {  	s19 =	simm.s32 $0x600;
	s21 =	simm.s32 $0x280;
	[sflag:s15] =	ssyncadd.s32 $0xFFFFEC00  }
.LBB2_2:
0x41: {  	[tilespmem:s22], [sflag:$0x3] =	stream.indirect.gather [hbm4b:s4+s17], $0x80, s21, s17, $0xb8;
	[tilespmem:$0x1F800] =	vst v63  }
0x42: {  	s21 =	smov.u32 s19  }
0x43: {  	p1 =	sne.s32 s19, $0xF000;
	s19 =	sadd.s32 $0x600, s19;
	_ =	swait.ge [sflag:s23], $0x1400  }
0x44: {  	s21 =	sshra.s32 s21, $0x2;
	[sflag:s23] =	ssyncset.done $0x0  }
0x45: {  	s26 =	sadd.s32 $0x4000, s21;
	[sflag:s23] =	ssyncadd.s32 $0xFFFFEC00  }
0x46: {  	[spmem:s1] =	stream.indirect.scatter.add.f32 [tilespmem:s18], [sflag:$0x4], $0x80, s26, s17, $0xb8;
	[tilespmem:$0x1F800] =	vst v63  }
0x47: {  	_ =	swait.ge [sflag:s15], $0x1400  }
0x48: {  	[sflag:s15] =	ssyncset.done $0x0  }
0x49: {  	s26 =	sadd.s32 $0x180, s21;
	[sflag:s15] =	ssyncadd.s32 $0xFFFFEC00  }
0x4a: {  	[tilespmem:s18], [sflag:$0x1] =	stream.indirect.gather [hbm4b:s4+s17], $0x80, s26, s17, $0xb8;
	[tilespmem:$0x1F800] =	vst v63  }
0x4b: {  	_ =	swait.ge [sflag:s24], $0x1400  }
0x4c: {  	[sflag:s24] =	ssyncset.done $0x0  }
0x4d: {  	s26 =	sadd.s32 $0x4080, s21;
	[sflag:s24] =	ssyncadd.s32 $0xFFFFEC00  }
0x4e: {  	[spmem:s1] =	stream.indirect.scatter.add.f32 [tilespmem:s20], [sflag:$0x4], $0x80, s26, s17, $0xb8;
	[tilespmem:$0x1F800] =	vst v63  }
0x4f: {  	_ =	swait.ge [sflag:s15], $0x1400  }
0x50: {  	[sflag:s15] =	ssyncset.done $0x0  }
0x51: {  	s26 =	sadd.s32 $0x200, s21;
	[sflag:s15] =	ssyncadd.s32 $0xFFFFEC00  }
0x52: {  	[tilespmem:s20], [sflag:$0x2] =	stream.indirect.gather [hbm4b:s4+s17], $0x80, s26, s17, $0xb8;
	[tilespmem:$0x1F800] =	vst v63  }
0x53: {  	_ =	swait.ge [sflag:s25], $0x1400  }
0x54: {  	[sflag:s25] =	ssyncset.done $0x0  }
.Ltmp0:
0x55: {  	s26 =	sadd.s32 $0x4100, s21;
	[sflag:s25] =	ssyncadd.s32 $0xFFFFEC00;
	(pc) =	sbr.rel @p1 .LBB2_2-.Ltmp0, $4  }
0x56: {  	[spmem:s1] =	stream.indirect.scatter.add.f32 [tilespmem:s22], [sflag:$0x4], $0x80, s26, s17, $0xb8;
	[tilespmem:$0x1F800] =	vst v63  }
0x57: {  	_ =	swait.ge [sflag:s15], $0x1400  }
0x58: {  	[sflag:s15] =	ssyncset.done $0x0  }
0x59: {  	s21 =	sadd.s32 $0x280, s21;
	[sflag:s15] =	ssyncadd.s32 $0xFFFFEC00  }
0x5a: {  	[tilespmem:s22], [sflag:$0x3] =	stream.indirect.gather [hbm4b:s4+s17], $0x80, s21, s17, $0xb8;
	[tilespmem:$0x1F800] =	vst v63  }
0x5b: {  	_ =	swait.ge [sflag:s23], $0x1400  }
0x5c: {  	[sflag:s23] =	ssyncset.done $0x0  }
0x5d: {  	s19 =	simm.s32 $0x7D80;
	[sflag:s23] =	ssyncadd.s32 $0xFFFFEC00  }
0x5e: {  	[spmem:s1] =	stream.indirect.scatter.add.f32 [tilespmem:s18], [sflag:$0x4], $0x80, s19, s17, $0xb8;
	[tilespmem:$0x1F800] =	vst v63  }
0x5f: {  	_ =	swait.ge [sflag:s15], $0x1400  }
0x60: {  	[sflag:s15] =	ssyncset.done $0x0  }
0x61: {  	[sflag:s15] =	ssyncadd.s32 $0xFFFFEC00  }
0x62: {  	[tilespmem:s18], [sflag:$0x1] =	stream.indirect.gather [hbm4b:s4+s17], $0x80, s28, s17, $0xb8;
	[tilespmem:$0x1F800] =	vst v63  }
0x63: {  	_ =	swait.ge [sflag:s24], $0x1400  }
0x64: {  	[sflag:s24] =	ssyncset.done $0x0  }
0x65: {  	[sflag:s24] =	ssyncadd.s32 $0xFFFFEC00  }
0x66: {  	[spmem:s1] =	stream.indirect.scatter.add.f32 [tilespmem:s20], [sflag:$0x4], $0x80, s29, s17, $0xb8;
	[tilespmem:$0x1F800] =	vst v63  }
0x67: {  	_ =	swait.ge [sflag:s15], $0x1400  }
0x68: {  	[sflag:s15] =	ssyncset.done $0x0  }
0x69: {  	[sflag:s15] =	ssyncadd.s32 $0xFFFFEC00  }
0x6a: {  	[tilespmem:s20], [sflag:$0x2] =	stream.indirect.gather [hbm4b:s4+s17], $0x80, s30, s17, $0xb8;
	[tilespmem:$0x1F800] =	vst v63  }
0x6b: {  	_ =	swait.ge [sflag:s25], $0x1400  }
0x6c: {  	[sflag:s25] =	ssyncset.done $0x0  }
0x6d: {  	[sflag:s25] =	ssyncadd.s32 $0xFFFFEC00  }
0x6e: {  	[spmem:s1] =	stream.indirect.scatter.add.f32 [tilespmem:s22], [sflag:$0x4], $0x80, s31, s17, $0xb8;
	[tilespmem:$0x1F800] =	vst v63  }
0x6f: {  	_ =	swait.ge [sflag:s15], $0x1400  }
0x70: {  	[sflag:s15] =	ssyncset.done $0x0  }
0x71: {  	[sflag:s15] =	ssyncadd.s32 $0xFFFFEC00  }
0x72: {  	_ =	swait.ge [sflag:s23], $0x1400  }
0x73: {  	[sflag:s23] =	ssyncset.done $0x0  }
0x74: {  	[sflag:s23] =	ssyncadd.s32 $0xFFFFEC00  }
0x75: {  	[spmem:s1] =	stream.indirect.scatter.add.f32 [tilespmem:s18], [sflag:$0x4], $0x80, s0, s17, $0xb8;
	[tilespmem:$0x1F800] =	vst v63  }
0x76: {  	_ =	swait.ge [sflag:s15], $0x1400  }
0x77: {  	[sflag:s15] =	ssyncset.done $0x0  }
0x78: {  	[sflag:s15] =	ssyncadd.s32 $0xFFFFEC00  }
0x79: {  	_ =	swait.ge [sflag:s24], $0x1400  }
0x7a: {  	[sflag:s24] =	ssyncset.done $0x0  }
0x7b: {  	[sflag:s24] =	ssyncadd.s32 $0xFFFFEC00  }
0x7c: {  	[spmem:s1] =	stream.indirect.scatter.add.f32 [tilespmem:s20], [sflag:$0x4], $0x80, s2, s17, $0xb8;
	[tilespmem:$0x1F800] =	vst v63  }
0x7d: {  	_ =	swait.ge [sflag:s15], $0x1400  }
0x7e: {  	[sflag:s15] =	ssyncset.done $0x0  }
0x7f: {  	[sflag:s15] =	ssyncadd.s32 $0xFFFFEC00  }
0x80: {  	s21 =	simm.s32 @p0 $0x1FC4;
	s19 =	sadd.s32 @p0 $0x25080, s10;
	[bflag:$0x0] =	sbarrier.arrive $0xFFFF  }
0x81: {  	[hbm:s19], [sflag:s21] =	dma.local @p0 [spmem:s12], $0x2080  }
0x82: {  	s19 =	simm.s32 @p0 $0x4  }
0x83: {  	_ =	swait.ge @p0 [sflag:s19], $0x2080  }
0x84: {  	s16 =	sadd.s32 $0x1, s16;
	[sflag:s19] =	ssyncset.done @p0 $0x0  }
0x85: {  	p1 =	sne.s32 s16, s11;
	[sflag:s19] =	ssyncadd.s32 @p0 $0xFFFFDF80;
	s19 =	sadd.s32 @!p0 s5, s10  }
0x86: {  	[hbm:s19], [sflag:s13] =	dma.local @!p0 [spmem:s14], $0x2780  }
.Ltmp1:
0x87: {  	_ = 	snop;
	(pc) =	sbr.rel @p1 .LBB2_1-.Ltmp1, $4  }
0x88: {  	s19 =	simm.s32 @!p0 $0x4  }
0x89: {  	_ =	swait.ge @!p0 [sflag:s19], $0x2780  }
0x8a: {  	[sflag:s19] =	ssyncset.done @!p0 $0x0  }
0x8b: {  	[sflag:s19] =	ssyncadd.s32 @!p0 $0xFFFFD880  }
0x8c: {  	_ =	sfence.sel $0x180000  }
0x8d: {  	[bflag:$0x0] =	sbarrier.arrive $0xFFFF  }
0x8e: {  	_ =	strace $0x9000004D  }
0x8f: {  	s0 =	stileid.u32;
	[bflag:$0x2] =	sbarrier.arrive $0xFFFF  }
0x90: {  	p0 =	sne.s32 s0, $0x0;
	s0 =	rddreg [dreg:$0x2]  }
0x91: {  	s0 =	sadd.s32 @!p0 $0x100000, s0  }
0x92: {  	[sflag:s0] =	ssyncadd.tile.s32 @!p0 $0x1;
	_ =	shalt  }
.Lfunc_end2:
_tile_overlayer_lowered:
.L_overlay_start_2:
0x93: {  	(tag) =	ssettag $0x2  }
0x94: {  	s0 =	rddreg [dreg:$0x0];
	s2 =	stileid.u32  }
0x95: {  	s1 =	rddreg [dreg:$0x1];
	p0 =	sne.s32 s2, $0x0  }
0x96: {  	s3 =	rddreg [dreg:$0x2];
	[bflag:$0x3] =	sbarrier.arrive $0xFFFF;
	s2 =	simm.s32 @!p0 $0x1C04  }
0x97: {  	[timem:s3], [sflag:s2] =	dma.local @!p0 [hbm:s0], s1  }
0x98: {  	s0 =	simm.s32 @!p0 $0x4  }
0x99: {  	_ =	swait.ge @!p0 [sflag:s0], s1  }
0x9a: {  	s1 =	ssub.s32 @!p0 $0x0, s1;
	[sflag:s0] =	ssyncset.done @!p0 $0x0  }
0x9b: {  	[sflag:s0] =	ssyncadd.s32 @!p0 s1  }
0x9c: {  	[bflag:$0x3] =	sbarrier.arrive $0xFFFF  }
0x9d: {  	_ =	shalt  }

// kernel: kernel.20.cloned.1.call-start
scs
__scs_entry_jumppad:
0x0: {  	(pc) =	sbr.rel $0x88, $3  }
0x1: {  	(tag) =	ssettag $0x0;
	lr =	simm.s32 $0x1  }
0x2: {  	[smem:$0x3F75] =	sst lr;
	_ =	strace $0xD0000000  }
0x3: {  	_ = 	snop  }
0x4: {  	_ = 	snop  }
0x5: {  	_ = 	snop  }
0x6: {  	_ = 	snop  }
0x7: {  	_ = 	snop  }
__scs_overlays_trampoline_lowered:
0x8: {  	[smem:$0x3F84] =	sst s0  }
0x9: {  	[smem:$0x3F85] =	sst s1  }
0xa: {  	[smem:$0x3F86] =	sst s2  }
0xb: {  	[smem:$0x3F87] =	sst s3  }
0xc: {  	[smem:$0x3F88] =	sst s4  }
0xd: {  	[smem:$0x3F89] =	sst s5  }
0xe: {  	[smem:$0x3F8A] =	sst s6  }
0xf: {  	[smem:$0x3F8B] =	sst s7  }
0x10: {  	[smem:$0x3F8C] =	sst s8  }
0x11: {  	[smem:$0x3F8D] =	sst s9;
	s0 =	simm.s32 @!p0 $0x0  }
0x12: {  	s1 =	sld [smem:$0x3F73];
	s0 =	simm.s32 @p0 $0x1  }
0x13: {  	[smem:$0x3F8E] =	sst s0;
	s0 =	simm.s32 @!p1 $0x0  }
0x14: {  	s2 =	sld [smem:$0x3F72];
	s0 =	simm.s32 @p1 $0x1  }
0x15: {  	[smem:$0x3F8F] =	sst s0;
	s0 =	simm.s32 @!p2 $0x0  }
0x16: {  	s3 =	sld [smem:$0x3FDB];
	s0 =	simm.s32 @p2 $0x1  }
0x17: {  	s4 =	simm.s32 $0x1BF5;
	[smem:$0x3F91] =	sst s0  }
0x18: {  	s0 =	sld [smem:$0x3F74];
	_ =	swait.ge [sflag:s4], $0x0  }
0x19: {  	s7 =	sld [smem:$0x3F75]  }
0x1a: {  	s8 =	sadd.s32 $0xFFFFE003, lr  }
0x1b: {  	s9 =	sadd.s32 $0xFFFFFEF7, lr;
	s5 =	simm.s32 $0xFFFFFFFF;
	p2 =	slt.u32 s8, $0xFFFFF086  }
0x1c: {  	p1 =	slt.u32 s9, $0xF7A;
	s5 =	simm.s32 @!p2 $0x0  }
0x1d: {  	s5 =	simm.s32 @p1 $0x1;
	p0 =	seq.s32 s7, s2  }
0x1e: {  	s7 =	smul.u32 @!p0 $0xF7A, s2;
	p2 =	seq.s32 @!p0 s5, $0x0  }
0x1f: {  	s9 =	smul.u32 $0xF7A, s1;
	s8 =	simm.s32 @!p0 $0x1BF5;
	p2 =	por !p2, p0  }
0x20: {  	[sflag:s8] =	ssyncset.s32 @!p0 $0xFFFFF086;
	s6 =	sadd.s32 @!p0 s3, s7;
	s7 =	simm.s32 @!p0 $0x108  }
0x21: {  	s3 =	sadd.s32 s3, s9;
	s6 =	sadd.s32 @!p0 $0x88, s6;
	s7 =	simm.s32 @p2 $0x1082  }
0x22: {  	[simem:s7], [sflag:s8] =	dma.local @!p0 [hbm:s6], $0xF7A  }
0x23: {  	s9 =	sor.u32 $0xD0000000, s2;
	s6 =	simm.s32 $0x108;
	_ =	swait.ge @!p0 [sflag:s8], $0x0  }
0x24: {  	s3 =	sadd.s32 $0x88, s3;
	s6 =	simm.s32 @!p1 $0x1082;
	[sflag:s4] =	ssyncset.s32 $0xFFFFF086  }
0x25: {  	[simem:s6], [sflag:s4] =	dma.local [hbm:s3], $0xF7A  }
0x26: {  	[smem:$0x3F75] =	sst s1;
	(tag) =	ssettag s2;
	_ =	strace s9  }
0x27: {  	s1 =	sld [smem:$0x3F85]  }
0x28: {  	s2 =	sld [smem:$0x3F86]  }
0x29: {  	s4 =	sld [smem:$0x3F88]  }
0x2a: {  	p0 =	seq.s32 s5, $0x0;
	s5 =	sld [smem:$0x3F89]  }
0x2b: {  	s6 =	sld [smem:$0x3F8A]  }
0x2c: {  	s7 =	sld [smem:$0x3F8B]  }
0x2d: {  	s3 =	simm.s32 $0x108;
	s8 =	sld [smem:$0x3F8C]  }
0x2e: {  	s3 =	simm.s32 @!p0 $0x1082;
	s9 =	sld [smem:$0x3F8D]  }
0x2f: {  	lr =	sadd.s32 s0, s3;
	s0 =	sld [smem:$0x3F84]  }
0x30: {  	s3 =	sld [smem:$0x3F87]  }
0x31: {  	[smem:$0x3F90] =	sst s10  }
0x32: {  	s10 =	sld [smem:$0x3F8E];
	_ =	sdelay $0x3  }
0x33: {  	p0 =	seq.s32 s10, $0x1;
	s10 =	sld [smem:$0x3F90];
	_ =	sdelay $0x3  }
0x34: {  	[smem:$0x3F90] =	sst s10  }
0x35: {  	s10 =	sld [smem:$0x3F8F];
	_ =	sdelay $0x3  }
0x36: {  	p1 =	seq.s32 s10, $0x1;
	s10 =	sld [smem:$0x3F90];
	_ =	sdelay $0x3  }
0x37: {  	[smem:$0x3F90] =	sst s10  }
0x38: {  	s10 =	sld [smem:$0x3F91]  }
0x39: {  	_ = 	snop;
	(pc) =	sbr.ind lr, $3  }
0x3a: {  	_ = 	snop  }
0x3b: {  	_ = 	snop  }
0x3c: {  	p2 =	seq.s32 s10, $0x1;
	s10 =	sld [smem:$0x3F90]  }
0x3d: {  	_ =	shalt  }
0x3e: {  	_ =	shalt  }
0x3f: {  	_ =	shalt  }
0x40: {  	_ =	shalt  }
0x41: {  	_ =	shalt  }
0x42: {  	_ =	shalt  }
0x43: {  	_ =	shalt  }
0x44: {  	_ =	shalt  }
0x45: {  	_ =	shalt  }
0x46: {  	_ =	shalt  }
0x47: {  	_ =	shalt  }
0x48: {  	_ =	shalt  }
0x49: {  	_ =	shalt  }
0x4a: {  	_ =	shalt  }
0x4b: {  	_ =	shalt  }
0x4c: {  	_ =	shalt  }
0x4d: {  	_ =	shalt  }
0x4e: {  	_ =	shalt  }
0x4f: {  	_ =	shalt  }
0x50: {  	_ =	shalt  }
0x51: {  	_ =	shalt  }
0x52: {  	_ =	shalt  }
0x53: {  	_ =	shalt  }
0x54: {  	_ =	shalt  }
0x55: {  	_ =	shalt  }
0x56: {  	_ =	shalt  }
0x57: {  	_ =	shalt  }
0x58: {  	_ =	shalt  }
0x59: {  	_ =	shalt  }
0x5a: {  	_ =	shalt  }
0x5b: {  	_ =	shalt  }
0x5c: {  	_ =	shalt  }
0x5d: {  	_ =	shalt  }
0x5e: {  	_ =	shalt  }
0x5f: {  	_ =	shalt  }
0x60: {  	_ =	shalt  }
0x61: {  	_ =	shalt  }
0x62: {  	_ =	shalt  }
0x63: {  	_ =	shalt  }
0x64: {  	_ =	shalt  }
0x65: {  	_ =	shalt  }
0x66: {  	_ =	shalt  }
0x67: {  	_ =	shalt  }
0x68: {  	_ =	shalt  }
0x69: {  	_ =	shalt  }
0x6a: {  	_ =	shalt  }
0x6b: {  	_ =	shalt  }
0x6c: {  	_ =	shalt  }
0x6d: {  	_ =	shalt  }
0x6e: {  	_ =	shalt  }
0x6f: {  	_ =	shalt  }
0x70: {  	_ =	shalt  }
0x71: {  	_ =	shalt  }
0x72: {  	_ =	shalt  }
0x73: {  	_ =	shalt  }
0x74: {  	_ =	shalt  }
0x75: {  	_ =	shalt  }
0x76: {  	_ =	shalt  }
0x77: {  	_ =	shalt  }
0x78: {  	_ =	shalt  }
0x79: {  	_ =	shalt  }
0x7a: {  	_ =	shalt  }
0x7b: {  	_ =	shalt  }
0x7c: {  	_ =	shalt  }
0x7d: {  	_ =	shalt  }
0x7e: {  	_ =	shalt  }
0x7f: {  	_ =	shalt  }
0x80: {  	_ =	shalt  }
0x81: {  	_ =	shalt  }
0x82: {  	_ =	shalt  }
0x83: {  	_ =	shalt  }
0x84: {  	_ =	shalt  }
0x85: {  	_ =	shalt  }
0x86: {  	_ =	shalt  }
0x87: {  	_ =	shalt  }
.Lfunc_end0:
.L_simem_size_0:
called_computation.3_lowered:
.L_overlay_start_0:
0x88: {  	s2 =	sld [smem:$0x3FD9]  }
0x89: {  	s3 =	sld [smem:$0x3FFE];
	_ =	sdelay $0x1  }
0x8a: {  	s1 =	srdreg.scid  }
0x8b: {  	s0 =	sand.u32 $0x1, s1  }
0x8c: {  	s16 =	sshll.u32 s0, $0xA;
	s2 =	sadd.s32 s3, s2  }
0x8d: {  	s2 =	sadd.s32 s2, s16  }
0x8e: {  	[smem:$0x3F9C] =	sst s2  }
0x8f: {  	_ = 	snop  }
0x90: {  	(tm) =	ssettm $0x1  }
0x91: {  	s17 =	sld [smem:$0x3FFB];
	_ =	sdelay $0x3  }
0x92: {  	_ =	strace s17  }
0x93: {  	s2 =	sld [smem:$0x3FFC];
	_ =	sdelay $0x3  }
0x94: {  	_ =	strace s2  }
0x95: {  	s2 =	sld [smem:$0x3FFD];
	_ =	sdelay $0x3  }
0x96: {  	_ =	strace s2  }
0x97: {  	_ =	strace $0x8FFFFFFF  }
0x98: {  	s18 =	sld [smem:$0x3FDB];
	_ =	sdelay $0x1  }
0x99: {  	s19 =	simm.s32 $_scs_section_size  }
0x9a: {  	s4 =	simm.s32 $_size__tile_overlayer_lowered;
	s5 =	simm.s32 $_tile_overlayer_lowered  }
0x9b: {  	s22 =	simm.s32 $0x1BFF;
	s21 =	sshll.u32 s5, $0x1;
	s2 =	sadd.s32 s19, s18  }
0x9c: {  	s6 =	simm.s32 $0x0;
	s20 =	sshll.u32 s4, $0x1;
	s4 =	sadd.s32 s21, s2  }
0x9d: {  	[timem:s6], [sflag:s22] =	dma.local [hbm:s4], s20  }
0x9e: {  	_ =	swait.ge [sflag:s22], s20  }
0x9f: {  	s3 =	ssub.s32 $0x0, s20;
	[sflag:s22] =	ssyncset.done $0x0  }
0xa0: {  	[sflag:s22] =	ssyncadd.s32 s3;
	_ =	sdelay $0x1  }
0xa1: {  	s23 =	simm.s32 $0x1B8B  }
0xa2: {  	_ =	swait.ge [sflag:s23], $0x1  }
0xa3: {  	[sflag:s23] =	ssyncset.done $0x0  }
0xa4: {  	s25 =	simm.s32 $0x1B8E;
	s24 =	sld [smem:$0x3FFE];
	[sflag:s23] =	ssyncadd.s32 $0xFFFFFFFF  }
0xa5: {  	s26 =	simm.s32 $execute0_lowered;
	[smem:$0x3FD2] =	sst s25  }
0xa6: {  	s4 =	sshll.u32 s26, $0x1;
	_ =	strace $0x8000004F;
	[dreg:$0x1] =	wrdreg $0xFFFFFFFF  }
0xa7: {  	s28 =	simm.s32 $_size_execute0_lowered;
	s2 =	sadd.s32 s2, s4;
	[dreg:$0x0] =	wrdreg $0x0  }
0xa8: {  	s4 =	sshll.u32 s28, $0x1;
	[dreg:$0x2] =	wrdreg s2  }
0xa9: {  	[dreg:$0x3] =	wrdreg s4  }
0xaa: {  	[dreg:$0x4] =	wrdreg $0xC0  }
0xab: {  	_ =	task [dreg:s6], $0x5FFFF  }
0xac: {  	[dreg:$0x1] =	wrdreg $0xFFFFFFFF  }
0xad: {  	[dreg:$0x0] =	wrdreg $0x60  }
0xae: {  	[dreg:$0x2] =	wrdreg s24  }
0xaf: {  	[dreg:$0x3] =	wrdreg $0xBC000  }
0xb0: {  	[dreg:$0x4] =	wrdreg $0x9  }
0xb1: {  	_ =	task.clear_ibuf [dreg:s6], $0x5FFFF;
	_ =	strace $0x9000004F  }
0xb2: {  	s29 =	simm.s32 $0x9;
	_ =	strace $0x80000051  }
0xb3: {  	_ =	swait.ge [sflag:s29], $0x1  }
0xb4: {  	[sflag:s29] =	ssyncadd.s32 $0xFFFFFFFF  }
0xb5: {  	_ =	strace $0x90000051  }
0xb6: {  	_ =	sfence  }
0xb7: {  	s30 =	sld [smem:$0x0];
	_ =	sdelay $0x2  }
0xb8: {  	s31 =	sshll.u32 s1, $0xD;
	s1 =	sshrl.u32 s1, $0x2  }
0xb9: {  	s3 =	sand.u32 $0x4000, s31;
	s1 =	sadd.s32 s1, s30  }
0xba: {  	s0 =	sor.u32 s3, s0;
	s1 =	sshll.u32 s1, $0x11  }
0xbb: {  	s0 =	sor.u32 s1, s0  }
0xbc: {  	s0 =	sadd.s32 $0x8F2B, s0  }
0xbd: {  	[sflag:s0] =	ssyncadd.remote.s32 $0x1  }
0xbe: {  	_ =	sfence.sel $0xFFFF  }
0xbf: {  	[dreg:$0x0] =	wrdreg $0xFFFFFFFF;
	(pc) =	sbr.abs _section_cstart, $3  }
0xc0: {  	[dreg:$0x1] =	wrdreg $0xFFFFFFFF  }
0xc1: {  	_ =	task.clear_ibuf [dreg:s6], $0x2FFFF;
	_ =	strace $0x9FFFFFFF  }
0xc2: {  	(tm) =	ssettm $0x7FFFFFFF  }
0xc3: {  	_ =	shalt  }
tec
execute0_lowered:
.L_overlay_start_1:
0x0: {  	(tag) =	ssettag $0x1  }
0x1: {  	s0 =	rddreg [dreg:$0x0]  }
0x2: {  	s1 =	rddreg [dreg:$0x1];
	s3 =	simm.s32 $0x0;
	s2 =	srdreg.scid  }
0x3: {  	s13 =	stileid.u32;
	s15 =	simm.s32 $0x4;
	s17 =	simm.s32 $0x28  }
0x4: {  	s18 =	simm.s32 $0x8000;
	s20 =	simm.s32 $0x9400;
	s22 =	simm.s32 $0xA800  }
0x5: {  	s23 =	simm.s32 $0x1;
	s24 =	simm.s32 $0x2;
	s28 =	simm.s32 $0x3F00  }
0x6: {  	s29 =	simm.s32 $0x7E00;
	s30 =	simm.s32 $0x3F80;
	s31 =	simm.s32 $0x7E80  }
0x7: {  	s16 =	simm.s32 $0x0;
	[smem:$0x7FF] =	sst s3;
	s2 =	sand.u32 $0x1, s2  }
0x8: {  	s6 =	sshll.u32 s13, $0xB;
	s4 =	sadd.s32 $0x27600, s0;
	s12 =	sadd.s32 $0x128400, s1  }
0x9: {  	s25 =	smul.u32 $0x4F000, s13;
	p0 =	seq.s32 s13, $0xF;
	_ =	strace $0x80000050  }
0xa: {  	s5 =	sshll.u32 s2, $0xF;
	s7 =	smul.u32 $0x27100, s2;
	s2 =	ssub.s32 $0x2, s2  }
0xb: {  	s12 =	sshrl.u32 @p0 s12, $0x3;
	s5 =	sor.u32 s6, s5;
	s26 =	sshrl.u32 s2, $0x1  }
0xc: {  	s6 =	sshrl.u32 s25, $0x2;
	s25 =	simm.s32 $0x3;
	s9 =	sadd.s32 s5, s0  }
0xd: {  	s5 =	smul.u32 $0x2780, s13;
	s10 =	sadd.s32 s7, s0;
	s2 =	ssub.s32 s2, s26  }
0xe: {  	s14 =	sadd.s32 s6, s1;
	s7 =	sadd.s32 $0x4C680, s0;
	s0 =	sshll.u32 @!p0 s13, $0x6  }
0xf: {  	s8 =	sadd.s32 $0x7600, s9;
	s9 =	sadd.s32 $0x17600, s9;
	s10 =	sadd.s32 $0x4E800, s10  }
0x10: {  	s11 =	smax.u32 s2, $0x1;
	s13 =	sor.u32 @!p0 $0x1C04, s0;
	s14 =	sshrl.u32 @!p0 s14, $0x3  }
0x11: {  	s0 =	simm.s32 $0x7F00;
	s2 =	simm.s32 $0x7F80;
	s6 =	sadd.s32 s4, s5  }
.LBB2_1:
0x12: {  	s19 =	simm.s32 @p0 $0x1FC4  }
0x13: {  	[spmem:s12], [sflag:s19] =	dma.local @p0 [hbm:s7], $0x2080  }
0x14: {  	s19 =	simm.s32 @p0 $0x4  }
0x15: {  	_ =	swait.ge @p0 [sflag:s19], $0x2080  }
0x16: {  	[sflag:s19] =	ssyncset.done @p0 $0x0  }
0x17: {  	[sflag:s19] =	ssyncadd.s32 @p0 $0xFFFFDF80;
	s19 =	simm.s32 @!p0 $0x4  }
0x18: {  	[spmem:s14], [sflag:s13] =	dma.local @!p0 [hbm:s6], $0x2780  }
0x19: {  	_ =	swait.ge @!p0 [sflag:s19], $0x2780  }
0x1a: {  	[sflag:s19] =	ssyncset.done @!p0 $0x0  }
0x1b: {  	[sflag:s19] =	ssyncadd.s32 @!p0 $0xFFFFD880  }
0x1c: {  	[tilespmem:s3], [sflag:$0x4] =	stream.linear.gather [hbm4b:s8+s3], $0x4000, $0x38;
	[tilespmem:$0x1F800] =	vst v63  }
0x1d: {  	_ =	swait.ge [sflag:s15], $0x4000  }
0x1e: {  	[sflag:s15] =	ssyncset.done $0x0  }
0x1f: {  	s21 =	simm.s32 $0x4000;
	[sflag:s15] =	ssyncadd.s32 $0xFFFFC000  }
0x20: {  	[tilespmem:s21], [sflag:$0x4] =	stream.linear.gather [hbm4b:s9+s3], $0x4000, $0x38;
	[tilespmem:$0x1F800] =	vst v63  }
0x21: {  	_ =	swait.ge [sflag:s15], $0x4000  }
0x22: {  	[sflag:s15] =	ssyncset.done $0x0  }
0x23: {  	[sflag:s15] =	ssyncadd.s32 $0xFFFFC000  }
0x24: {  	[bflag:$0x0] =	sbarrier.arrive $0xFFFF  }
0x25: {  	[tilespmem:s18], [sflag:$0x1] =	stream.indirect.gather [hbm4b:s4+s17], $0x80, s3, s17, $0xb8;
	[tilespmem:$0x1F800] =	vst v63  }
0x26: {  	s26 =	simm.s32 $0x80  }
0x27: {  	[tilespmem:s20], [sflag:$0x2] =	stream.indirect.gather [hbm4b:s4+s17], $0x80, s26, s17, $0xb8;
	[tilespmem:$0x1F800] =	vst v63  }
0x28: {  	s21 =	simm.s32 $0x100  }
0x29: {  	[tilespmem:s22], [sflag:$0x3] =	stream.indirect.gather [hbm4b:s4+s17], $0x80, s21, s17, $0xb8;
	[tilespmem:$0x1F800] =	vst v63  }
0x2a: {  	_ =	swait.ge [sflag:s23], $0x1400  }
0x2b: {  	[sflag:s23] =	ssyncset.done $0x0  }
0x2c: {  	s26 =	simm.s32 $0x4000;
	[sflag:s23] =	ssyncadd.s32 $0xFFFFEC00  }
0x2d: {  	[spmem:s1] =	stream.indirect.scatter.add.f32 [tilespmem:s18], [sflag:$0x4], $0x80, s26, s17, $0xb8;
	[tilespmem:$0x1F800] =	vst v63  }
0x2e: {  	_ =	swait.ge [sflag:s15], $0x1400  }
0x2f: {  	[sflag:s15] =	ssyncset.done $0x0  }
0x30: {  	s21 =	simm.s32 $0x180;
	[sflag:s15] =	ssyncadd.s32 $0xFFFFEC00  }
0x31: {  	[tilespmem:s18], [sflag:$0x1] =	stream.indirect.gather [hbm4b:s4+s17], $0x80, s21, s17, $0xb8;
	[tilespmem:$0x1F800] =	vst v63  }
0x32: {  	_ =	swait.ge [sflag:s24], $0x1400  }
0x33: {  	[sflag:s24] =	ssyncset.done $0x0  }
0x34: {  	s26 =	simm.s32 $0x4080;
	[sflag:s24] =	ssyncadd.s32 $0xFFFFEC00  }
0x35: {  	[spmem:s1] =	stream.indirect.scatter.add.f32 [tilespmem:s20], [sflag:$0x4], $0x80, s26, s17, $0xb8;
	[tilespmem:$0x1F800] =	vst v63  }
0x36: {  	_ =	swait.ge [sflag:s15], $0x1400  }
0x37: {  	[sflag:s15] =	ssyncset.done $0x0  }
0x38: {  	s21 =	simm.s32 $0x200;
	[sflag:s15] =	ssyncadd.s32 $0xFFFFEC00  }
0x39: {  	[tilespmem:s20], [sflag:$0x2] =	stream.indirect.gather [hbm4b:s4+s17], $0x80, s21, s17, $0xb8;
	[tilespmem:$0x1F800] =	vst v63  }
0x3a: {  	_ =	swait.ge [sflag:s25], $0x1400  }
0x3b: {  	[sflag:s25] =	ssyncset.done $0x0  }
0x3c: {  	s26 =	simm.s32 $0x4100;
	[sflag:s25] =	ssyncadd.s32 $0xFFFFEC00  }
0x3d: {  	[spmem:s1] =	stream.indirect.scatter.add.f32 [tilespmem:s22], [sflag:$0x4], $0x80, s26, s17, $0xb8;
	[tilespmem:$0x1F800] =	vst v63  }
0x3e: {  	_ =	swait.ge [sflag:s15], $0x1400  }
0x3f: {  	[sflag:s15] =	ssyncset.done $0x0  }
0x40: {  	s19 =	simm.s32 $0x600;
	s21 =	simm.s32 $0x280;
	[sflag:s15] =	ssyncadd.s32 $0xFFFFEC00  }
.LBB2_2:
0x41: {  	[tilespmem:s22], [sflag:$0x3] =	stream.indirect.gather [hbm4b:s4+s17], $0x80, s21, s17, $0xb8;
	[tilespmem:$0x1F800] =	vst v63  }
0x42: {  	s21 =	smov.u32 s19  }
0x43: {  	p1 =	sne.s32 s19, $0xF000;
	s19 =	sadd.s32 $0x600, s19;
	_ =	swait.ge [sflag:s23], $0x1400  }
0x44: {  	s21 =	sshra.s32 s21, $0x2;
	[sflag:s23] =	ssyncset.done $0x0  }
0x45: {  	s26 =	sadd.s32 $0x4000, s21;
	[sflag:s23] =	ssyncadd.s32 $0xFFFFEC00  }
0x46: {  	[spmem:s1] =	stream.indirect.scatter.add.f32 [tilespmem:s18], [sflag:$0x4], $0x80, s26, s17, $0xb8;
	[tilespmem:$0x1F800] =	vst v63  }
0x47: {  	_ =	swait.ge [sflag:s15], $0x1400  }
0x48: {  	[sflag:s15] =	ssyncset.done $0x0  }
0x49: {  	s26 =	sadd.s32 $0x180, s21;
	[sflag:s15] =	ssyncadd.s32 $0xFFFFEC00  }
0x4a: {  	[tilespmem:s18], [sflag:$0x1] =	stream.indirect.gather [hbm4b:s4+s17], $0x80, s26, s17, $0xb8;
	[tilespmem:$0x1F800] =	vst v63  }
0x4b: {  	_ =	swait.ge [sflag:s24], $0x1400  }
0x4c: {  	[sflag:s24] =	ssyncset.done $0x0  }
0x4d: {  	s26 =	sadd.s32 $0x4080, s21;
	[sflag:s24] =	ssyncadd.s32 $0xFFFFEC00  }
0x4e: {  	[spmem:s1] =	stream.indirect.scatter.add.f32 [tilespmem:s20], [sflag:$0x4], $0x80, s26, s17, $0xb8;
	[tilespmem:$0x1F800] =	vst v63  }
0x4f: {  	_ =	swait.ge [sflag:s15], $0x1400  }
0x50: {  	[sflag:s15] =	ssyncset.done $0x0  }
0x51: {  	s26 =	sadd.s32 $0x200, s21;
	[sflag:s15] =	ssyncadd.s32 $0xFFFFEC00  }
0x52: {  	[tilespmem:s20], [sflag:$0x2] =	stream.indirect.gather [hbm4b:s4+s17], $0x80, s26, s17, $0xb8;
	[tilespmem:$0x1F800] =	vst v63  }
0x53: {  	_ =	swait.ge [sflag:s25], $0x1400  }
0x54: {  	[sflag:s25] =	ssyncset.done $0x0  }
.Ltmp0:
0x55: {  	s26 =	sadd.s32 $0x4100, s21;
	[sflag:s25] =	ssyncadd.s32 $0xFFFFEC00;
	(pc) =	sbr.rel @p1 .LBB2_2-.Ltmp0, $4  }
0x56: {  	[spmem:s1] =	stream.indirect.scatter.add.f32 [tilespmem:s22], [sflag:$0x4], $0x80, s26, s17, $0xb8;
	[tilespmem:$0x1F800] =	vst v63  }
0x57: {  	_ =	swait.ge [sflag:s15], $0x1400  }
0x58: {  	[sflag:s15] =	ssyncset.done $0x0  }
0x59: {  	s21 =	sadd.s32 $0x280, s21;
	[sflag:s15] =	ssyncadd.s32 $0xFFFFEC00  }
0x5a: {  	[tilespmem:s22], [sflag:$0x3] =	stream.indirect.gather [hbm4b:s4+s17], $0x80, s21, s17, $0xb8;
	[tilespmem:$0x1F800] =	vst v63  }
0x5b: {  	_ =	swait.ge [sflag:s23], $0x1400  }
0x5c: {  	[sflag:s23] =	ssyncset.done $0x0  }
0x5d: {  	s19 =	simm.s32 $0x7D80;
	[sflag:s23] =	ssyncadd.s32 $0xFFFFEC00  }
0x5e: {  	[spmem:s1] =	stream.indirect.scatter.add.f32 [tilespmem:s18], [sflag:$0x4], $0x80, s19, s17, $0xb8;
	[tilespmem:$0x1F800] =	vst v63  }
0x5f: {  	_ =	swait.ge [sflag:s15], $0x1400  }
0x60: {  	[sflag:s15] =	ssyncset.done $0x0  }
0x61: {  	[sflag:s15] =	ssyncadd.s32 $0xFFFFEC00  }
0x62: {  	[tilespmem:s18], [sflag:$0x1] =	stream.indirect.gather [hbm4b:s4+s17], $0x80, s28, s17, $0xb8;
	[tilespmem:$0x1F800] =	vst v63  }
0x63: {  	_ =	swait.ge [sflag:s24], $0x1400  }
0x64: {  	[sflag:s24] =	ssyncset.done $0x0  }
0x65: {  	[sflag:s24] =	ssyncadd.s32 $0xFFFFEC00  }
0x66: {  	[spmem:s1] =	stream.indirect.scatter.add.f32 [tilespmem:s20], [sflag:$0x4], $0x80, s29, s17, $0xb8;
	[tilespmem:$0x1F800] =	vst v63  }
0x67: {  	_ =	swait.ge [sflag:s15], $0x1400  }
0x68: {  	[sflag:s15] =	ssyncset.done $0x0  }
0x69: {  	[sflag:s15] =	ssyncadd.s32 $0xFFFFEC00  }
0x6a: {  	[tilespmem:s20], [sflag:$0x2] =	stream.indirect.gather [hbm4b:s4+s17], $0x80, s30, s17, $0xb8;
	[tilespmem:$0x1F800] =	vst v63  }
0x6b: {  	_ =	swait.ge [sflag:s25], $0x1400  }
0x6c: {  	[sflag:s25] =	ssyncset.done $0x0  }
0x6d: {  	[sflag:s25] =	ssyncadd.s32 $0xFFFFEC00  }
0x6e: {  	[spmem:s1] =	stream.indirect.scatter.add.f32 [tilespmem:s22], [sflag:$0x4], $0x80, s31, s17, $0xb8;
	[tilespmem:$0x1F800] =	vst v63  }
0x6f: {  	_ =	swait.ge [sflag:s15], $0x1400  }
0x70: {  	[sflag:s15] =	ssyncset.done $0x0  }
0x71: {  	[sflag:s15] =	ssyncadd.s32 $0xFFFFEC00  }
0x72: {  	_ =	swait.ge [sflag:s23], $0x1400  }
0x73: {  	[sflag:s23] =	ssyncset.done $0x0  }
0x74: {  	[sflag:s23] =	ssyncadd.s32 $0xFFFFEC00  }
0x75: {  	[spmem:s1] =	stream.indirect.scatter.add.f32 [tilespmem:s18], [sflag:$0x4], $0x80, s0, s17, $0xb8;
	[tilespmem:$0x1F800] =	vst v63  }
0x76: {  	_ =	swait.ge [sflag:s15], $0x1400  }
0x77: {  	[sflag:s15] =	ssyncset.done $0x0  }
0x78: {  	[sflag:s15] =	ssyncadd.s32 $0xFFFFEC00  }
0x79: {  	_ =	swait.ge [sflag:s24], $0x1400  }
0x7a: {  	[sflag:s24] =	ssyncset.done $0x0  }
0x7b: {  	[sflag:s24] =	ssyncadd.s32 $0xFFFFEC00  }
0x7c: {  	[spmem:s1] =	stream.indirect.scatter.add.f32 [tilespmem:s20], [sflag:$0x4], $0x80, s2, s17, $0xb8;
	[tilespmem:$0x1F800] =	vst v63  }
0x7d: {  	_ =	swait.ge [sflag:s15], $0x1400  }
0x7e: {  	[sflag:s15] =	ssyncset.done $0x0  }
0x7f: {  	[sflag:s15] =	ssyncadd.s32 $0xFFFFEC00  }
0x80: {  	s21 =	simm.s32 @p0 $0x1FC4;
	s19 =	sadd.s32 @p0 $0x25080, s10;
	[bflag:$0x0] =	sbarrier.arrive $0xFFFF  }
0x81: {  	[hbm:s19], [sflag:s21] =	dma.local @p0 [spmem:s12], $0x2080  }
0x82: {  	s19 =	simm.s32 @p0 $0x4  }
0x83: {  	_ =	swait.ge @p0 [sflag:s19], $0x2080  }
0x84: {  	s16 =	sadd.s32 $0x1, s16;
	[sflag:s19] =	ssyncset.done @p0 $0x0  }
0x85: {  	p1 =	sne.s32 s16, s11;
	[sflag:s19] =	ssyncadd.s32 @p0 $0xFFFFDF80;
	s19 =	sadd.s32 @!p0 s5, s10  }
0x86: {  	[hbm:s19], [sflag:s13] =	dma.local @!p0 [spmem:s14], $0x2780  }
.Ltmp1:
0x87: {  	_ = 	snop;
	(pc) =	sbr.rel @p1 .LBB2_1-.Ltmp1, $4  }
0x88: {  	s19 =	simm.s32 @!p0 $0x4  }
0x89: {  	_ =	swait.ge @!p0 [sflag:s19], $0x2780  }
0x8a: {  	[sflag:s19] =	ssyncset.done @!p0 $0x0  }
0x8b: {  	[sflag:s19] =	ssyncadd.s32 @!p0 $0xFFFFD880  }
0x8c: {  	_ =	sfence.sel $0x180000  }
0x8d: {  	[bflag:$0x0] =	sbarrier.arrive $0xFFFF  }
0x8e: {  	_ =	strace $0x90000050  }
0x8f: {  	s0 =	stileid.u32;
	[bflag:$0x2] =	sbarrier.arrive $0xFFFF  }
0x90: {  	p0 =	sne.s32 s0, $0x0;
	s0 =	rddreg [dreg:$0x2]  }
0x91: {  	s0 =	sadd.s32 @!p0 $0x100000, s0  }
0x92: {  	[sflag:s0] =	ssyncadd.tile.s32 @!p0 $0x1;
	_ =	shalt  }
.Lfunc_end2:
_tile_overlayer_lowered:
.L_overlay_start_2:
0x93: {  	(tag) =	ssettag $0x2  }
0x94: {  	s0 =	rddreg [dreg:$0x0];
	s2 =	stileid.u32  }
0x95: {  	s1 =	rddreg [dreg:$0x1];
	p0 =	sne.s32 s2, $0x0  }
0x96: {  	s3 =	rddreg [dreg:$0x2];
	[bflag:$0x3] =	sbarrier.arrive $0xFFFF;
	s2 =	simm.s32 @!p0 $0x1C04  }
0x97: {  	[timem:s3], [sflag:s2] =	dma.local @!p0 [hbm:s0], s1  }
0x98: {  	s0 =	simm.s32 @!p0 $0x4  }
0x99: {  	_ =	swait.ge @!p0 [sflag:s0], s1  }
0x9a: {  	s1 =	ssub.s32 @!p0 $0x0, s1;
	[sflag:s0] =	ssyncset.done @!p0 $0x0  }
0x9b: {  	[sflag:s0] =	ssyncadd.s32 @!p0 s1  }
0x9c: {  	[bflag:$0x3] =	sbarrier.arrive $0xFFFF  }
0x9d: {  	_ =	shalt  }

</sc_bundles>
